<compile_context>
chip_gen: v7x
topology: tpu7x:2x2x1
jax: 0.10.2.dev20260603
libtpu: 0.0.44.dev20260713+nightly
codegen_flags: <defaults>
</compile_context>

<pallas_src>
import dataclasses
import functools

import jax
import jax.numpy as jnp
import numpy as np
from jax import lax
from jax.experimental import pallas as pl
from jax.experimental.pallas import tpu as pltpu
from jax.experimental.pallas import tpu_sc as plsc

_N = 100000
_K = 64
_ROWS = 200
_CHUNKS = _N // _ROWS
_NW = 32
_LANES = 16
_UNROLL = 4
_SLOTS = (_CHUNKS + _NW - 1) // _NW

_LOG2E = np.float32(1.4426950408889634)
_C0 = np.float32(0.9999482342456955)
_C1 = np.float32(0.6931272626213594)
_C2 = np.float32(0.24229463119482134)
_C3 = np.float32(0.05587553514465354)


def _sc_body(d_hbm, r_hbm, s_hbm, o_hbm,
             dist0, out0, rho0, sig0, dist1, out1, rho1, sig1,
             si0, si1, so0, so1):
    wid = lax.axis_index("s") * 2 + lax.axis_index("c")
    bufs = ((dist0, out0, rho0, sig0, si0, so0),
            (dist1, out1, rho1, sig1, si1, so1))

    def start_in(g, b):
        dist_v, _, rho_v, sig_v, si, _ = bufs[b]
        pltpu.async_copy(d_hbm.at[pl.ds(g * _ROWS, _ROWS)], dist_v, si)
        pltpu.async_copy(r_hbm.at[pl.ds(g * _ROWS, _ROWS)], rho_v, si)
        pltpu.async_copy(s_hbm.at[pl.ds(g * _ROWS, _ROWS)], sig_v, si)

    def wait_in(b):
        dist_v, _, rho_v, sig_v, si, _ = bufs[b]
        pltpu.make_async_copy(d_hbm.at[pl.ds(0, _ROWS)], dist_v, si).wait()
        pltpu.make_async_copy(r_hbm.at[pl.ds(0, _ROWS)], rho_v, si).wait()
        pltpu.make_async_copy(s_hbm.at[pl.ds(0, _ROWS)], sig_v, si).wait()

    def start_out(g, b):
        _, out_v, _, _, _, so = bufs[b]
        pltpu.async_copy(out_v, o_hbm.at[pl.ds(g * _ROWS, _ROWS)], so)

    def wait_out(b):
        _, out_v, _, _, _, so = bufs[b]
        pltpu.make_async_copy(out_v, o_hbm.at[pl.ds(0, _ROWS)], so).wait()

    def compute(b):
        dist_v, out_v, rho_v, sig_v, _, _ = bufs[b]

        def row_step(r0, _):
            for u in range(_UNROLL):
                r = r0 * _UNROLL + u
                idx = jnp.full((_LANES,), r, jnp.int32)
                rho_b = plsc.load_gather(rho_v, [idx])
                sig_b = plsc.load_gather(sig_v, [idx])
                rinv2 = _LOG2E / sig_b
                nc = _K // _LANES
                sls = [pl.ds(c * _LANES, _LANES) for c in range(nc)]
                xs = [dist_v[r, sl] for sl in sls]
                ts = [jnp.minimum((rho_b - x) * rinv2, np.float32(0.0)) for x in xs]
                ts = [jnp.maximum(t, np.float32(-126.0)) for t in ts]
                ns = [(t - np.float32(0.5)).astype(jnp.int32) for t in ts]
                fs = [t - n.astype(jnp.float32) for t, n in zip(ts, ns)]
                ps = [_C3 * f + _C2 for f in fs]
                ps = [p * f + _C1 for p, f in zip(ps, fs)]
                ps = [p * f + _C0 for p, f in zip(ps, fs)]
                scs = [plsc.bitcast((n + 127) << 23, jnp.float32) for n in ns]
                for sl, p, sc in zip(sls, ps, scs):
                    out_v[r, sl] = p * sc
            return 0

        lax.fori_loop(0, _ROWS // _UNROLL, row_step, 0)

    start_in(wid, 0)
    start_in(wid + _NW, 1)

    def pair_step(t, _):
        for par in (0, 1):
            g = wid + (2 * t + par) * _NW

            @pl.when(g < _CHUNKS)
            def _():
                @pl.when(t >= 1)
                def _():
                    wait_out(par)

                wait_in(par)
                compute(par)
                start_out(g, par)

                @pl.when(g + 2 * _NW < _CHUNKS)
                def _():
                    start_in(g + 2 * _NW, par)
        return 0

    lax.fori_loop(0, (_SLOTS + 1) // 2, pair_step, 0)
    wait_out(0)
    wait_out(1)


def kernel(distances, rho, sigma):
    n, k = distances.shape
    mesh = plsc.VectorSubcoreMesh(core_axis_name="c", subcore_axis_name="s")
    cp = pltpu.CompilerParams()
    if "needs_layout_passes" in pltpu.CompilerParams.__dataclass_fields__:
        cp = dataclasses.replace(cp, needs_layout_passes=False)
    cp = dataclasses.replace(cp, use_tc_tiling_on_sc=True)
    run = functools.partial(
        pl.kernel,
        out_type=jax.ShapeDtypeStruct((n, k), jnp.float32),
        mesh=mesh,
        scratch_types=[
            pltpu.VMEM((_ROWS, _K), jnp.float32),
            pltpu.VMEM((_ROWS, _K), jnp.float32),
            pltpu.VMEM((_ROWS,), jnp.float32),
            pltpu.VMEM((_ROWS,), jnp.float32),
            pltpu.VMEM((_ROWS, _K), jnp.float32),
            pltpu.VMEM((_ROWS, _K), jnp.float32),
            pltpu.VMEM((_ROWS,), jnp.float32),
            pltpu.VMEM((_ROWS,), jnp.float32),
            pltpu.SemaphoreType.DMA,
            pltpu.SemaphoreType.DMA,
            pltpu.SemaphoreType.DMA,
            pltpu.SemaphoreType.DMA,
        ],
        compiler_params=cp,
    )(_sc_body)
    return run(distances, rho, sigma)

# --- scband reference (transcript-rebuilt; emitter-appended) ---
"""Pipeline reference for scband-smooth-knn-dist-90142773608866 (READ-ONLY COPY).

The authoritative reference and input builder live on the scoring server;
editing this copy changes nothing except your own understanding.
"""

import jax, jax.numpy as jnp
import numpy as np

N = 100000
K_NN = 64

def setup_inputs(seed: int = 0) -> dict:
    key = jax.random.key(seed)
    k1, k2, k3 = jax.random.split(key, 3)
    # sorted kNN distances per sample (ascending), as produced by a kNN search
    distances = jnp.sort(jax.random.uniform(k1, (N, K_NN), dtype=jnp.float32), axis=-1)
    # materialized parameters (rho: local connectivity distance, sigma: bandwidth scale)
    # rho initialized to distance to nearest neighbor (local_connectivity=1), sigma positive
    rho = distances[:, 0] * jax.random.uniform(k2, (N,), dtype=jnp.float32, minval=0.5, maxval=1.0)
    sigma = jax.random.uniform(k3, (N,), dtype=jnp.float32, minval=0.1, maxval=1.0)
    return {"distances": distances, "rho": rho, "sigma": sigma}

def reference(distances, rho, sigma):
    # d = distances - rho[:, None]; where(d > 0, exp(-d / sigma[:, None]), 1.0)
    d = distances - rho[:, None]
    return jnp.where(d > 0, jnp.exp(-d / sigma[:, None]), jnp.float32(1.0))

if __name__ == "__main__":
    import jax
    _d = setup_inputs()
    print(jax.jit(kernel)(*tuple(_d.values())))

</pallas_src>

<mosaic_0001>
#map = affine_map<(d0, d1) -> (0, 0)>
#map1 = affine_map<(d0, d1) -> (0)>
module attributes {stable_mosaic.version = 14 : i64} {
  func.func @_sc_body(%arg0: i32, %arg1: i32, %arg2: memref<100000x64xf32, #tpu.memory_space<hbm>>, %arg3: memref<100000xf32, #tpu.memory_space<hbm>>, %arg4: memref<100000xf32, #tpu.memory_space<hbm>>, %arg5: memref<100000x64xf32, #tpu.memory_space<hbm>>, %arg6: memref<200x64xf32, #tpu.memory_space<vmem>>, %arg7: memref<200x64xf32, #tpu.memory_space<vmem>>, %arg8: memref<200xf32, #tpu.memory_space<vmem>>, %arg9: memref<200xf32, #tpu.memory_space<vmem>>, %arg10: memref<200x64xf32, #tpu.memory_space<vmem>>, %arg11: memref<200x64xf32, #tpu.memory_space<vmem>>, %arg12: memref<200xf32, #tpu.memory_space<vmem>>, %arg13: memref<200xf32, #tpu.memory_space<vmem>>, %arg14: memref<!tpu.dma_semaphore, #tpu.memory_space<semaphore_mem>>, %arg15: memref<!tpu.dma_semaphore, #tpu.memory_space<semaphore_mem>>, %arg16: memref<!tpu.dma_semaphore, #tpu.memory_space<semaphore_mem>>, %arg17: memref<!tpu.dma_semaphore, #tpu.memory_space<semaphore_mem>>) attributes {dimension_semantics = [#tpu.dimension_semantics<core_parallel>, #tpu.dimension_semantics<subcore_parallel>], iteration_bounds = array<i64: 2, 16>, scalar_prefetch = 0 : i64, scratch_operands = 12 : i64, tpu.core_type = #tpu.core_type<sc_vector_subcore>, window_params = [{transform_indices = #map}, {transform_indices = #map1}, {transform_indices = #map1}, {transform_indices = #map}]} {
    %mul3A = arith.constant 2 : i32
    %mul3A_0 = arith.muli %arg1, %mul3A : i32
    %add3A = arith.addi %mul3A_0, %arg0 : i32
    %mul3A_1 = arith.constant 200 : i32
    %mul3A_2 = arith.muli %add3A, %mul3A_1 : i32
    %dma_start3A = arith.constant 0 : i32
    %dma_start3A_3 = tpu.memref_slice %arg2[%mul3A_2, %dma_start3A] : memref<100000x64xf32, #tpu.memory_space<hbm>> -> memref<200x64xf32, #tpu.memory_space<hbm>>
    %dma_start3A_4 = arith.constant 0 : i32
    %dma_start3A_5 = tpu.memref_slice %arg2[%mul3A_2, %dma_start3A_4] : memref<100000x64xf32, #tpu.memory_space<hbm>> -> memref<200x64xf32, #tpu.memory_space<hbm>>
    tpu.enqueue_dma source(%dma_start3A_5 : memref<200x64xf32, #tpu.memory_space<hbm>>) target(%arg6 : memref<200x64xf32, #tpu.memory_space<vmem>>) target_semaphore(%arg14 : memref<!tpu.dma_semaphore, #tpu.memory_space<semaphore_mem>>)
    %mul3A_6 = arith.constant 200 : i32
    %mul3A_7 = arith.muli %add3A, %mul3A_6 : i32
    %dma_start3A_8 = tpu.memref_slice %arg3[%mul3A_7] : memref<100000xf32, #tpu.memory_space<hbm>> -> memref<200xf32, #tpu.memory_space<hbm>>
    %dma_start3A_9 = tpu.memref_slice %arg3[%mul3A_7] : memref<100000xf32, #tpu.memory_space<hbm>> -> memref<200xf32, #tpu.memory_space<hbm>>
    tpu.enqueue_dma source(%dma_start3A_9 : memref<200xf32, #tpu.memory_space<hbm>>) target(%arg8 : memref<200xf32, #tpu.memory_space<vmem>>) target_semaphore(%arg14 : memref<!tpu.dma_semaphore, #tpu.memory_space<semaphore_mem>>)
    %mul3A_10 = arith.constant 200 : i32
    %mul3A_11 = arith.muli %add3A, %mul3A_10 : i32
    %dma_start3A_12 = tpu.memref_slice %arg4[%mul3A_11] : memref<100000xf32, #tpu.memory_space<hbm>> -> memref<200xf32, #tpu.memory_space<hbm>>
    %dma_start3A_13 = tpu.memref_slice %arg4[%mul3A_11] : memref<100000xf32, #tpu.memory_space<hbm>> -> memref<200xf32, #tpu.memory_space<hbm>>
    tpu.enqueue_dma source(%dma_start3A_13 : memref<200xf32, #tpu.memory_space<hbm>>) target(%arg9 : memref<200xf32, #tpu.memory_space<vmem>>) target_semaphore(%arg14 : memref<!tpu.dma_semaphore, #tpu.memory_space<semaphore_mem>>)
    %add3A_14 = arith.constant 32 : i32
    %add3A_15 = arith.addi %add3A, %add3A_14 : i32
    %mul3A_16 = arith.constant 200 : i32
    %mul3A_17 = arith.muli %add3A_15, %mul3A_16 : i32
    %dma_start3A_18 = arith.constant 0 : i32
    %dma_start3A_19 = tpu.memref_slice %arg2[%mul3A_17, %dma_start3A_18] : memref<100000x64xf32, #tpu.memory_space<hbm>> -> memref<200x64xf32, #tpu.memory_space<hbm>>
    %dma_start3A_20 = arith.constant 0 : i32
    %dma_start3A_21 = tpu.memref_slice %arg2[%mul3A_17, %dma_start3A_20] : memref<100000x64xf32, #tpu.memory_space<hbm>> -> memref<200x64xf32, #tpu.memory_space<hbm>>
    tpu.enqueue_dma source(%dma_start3A_21 : memref<200x64xf32, #tpu.memory_space<hbm>>) target(%arg10 : memref<200x64xf32, #tpu.memory_space<vmem>>) target_semaphore(%arg15 : memref<!tpu.dma_semaphore, #tpu.memory_space<semaphore_mem>>)
    %mul3A_22 = arith.constant 200 : i32
    %mul3A_23 = arith.muli %add3A_15, %mul3A_22 : i32
    %dma_start3A_24 = tpu.memref_slice %arg3[%mul3A_23] : memref<100000xf32, #tpu.memory_space<hbm>> -> memref<200xf32, #tpu.memory_space<hbm>>
    %dma_start3A_25 = tpu.memref_slice %arg3[%mul3A_23] : memref<100000xf32, #tpu.memory_space<hbm>> -> memref<200xf32, #tpu.memory_space<hbm>>
    tpu.enqueue_dma source(%dma_start3A_25 : memref<200xf32, #tpu.memory_space<hbm>>) target(%arg12 : memref<200xf32, #tpu.memory_space<vmem>>) target_semaphore(%arg15 : memref<!tpu.dma_semaphore, #tpu.memory_space<semaphore_mem>>)
    %mul3A_26 = arith.constant 200 : i32
    %mul3A_27 = arith.muli %add3A_15, %mul3A_26 : i32
    %dma_start3A_28 = tpu.memref_slice %arg4[%mul3A_27] : memref<100000xf32, #tpu.memory_space<hbm>> -> memref<200xf32, #tpu.memory_space<hbm>>
    %dma_start3A_29 = tpu.memref_slice %arg4[%mul3A_27] : memref<100000xf32, #tpu.memory_space<hbm>> -> memref<200xf32, #tpu.memory_space<hbm>>
    tpu.enqueue_dma source(%dma_start3A_29 : memref<200xf32, #tpu.memory_space<hbm>>) target(%arg13 : memref<200xf32, #tpu.memory_space<vmem>>) target_semaphore(%arg15 : memref<!tpu.dma_semaphore, #tpu.memory_space<semaphore_mem>>)
    %scan3A = arith.constant 0 : i32
    %scan3A_30 = arith.constant 0 : i32
    %scan3A_31 = arith.constant 8 : i32
    %scan3A_32 = arith.addi %scan3A_30, %scan3A_31 : i32
    %scan3A_33 = arith.constant 1 : i32
    %scan3A_34 = scf.for %scan3A_47 = %scan3A_30 to %scan3A_32 step %scan3A_33 iter_args(%scan3A_48 = %scan3A) -> (i32)  : i32 {
      %mul3A_49 = arith.constant 2 : i32
      %mul3A_50 = arith.muli %mul3A_49, %scan3A_47 : i32
      %add3A_51 = arith.constant 0 : i32
      %add3A_52 = arith.addi %mul3A_50, %add3A_51 : i32
      %mul3A_53 = arith.constant 32 : i32
      %mul3A_54 = arith.muli %add3A_52, %mul3A_53 : i32
      %add3A_55 = arith.addi %add3A, %mul3A_54 : i32
      %lt3A = arith.constant 500 : i32
      %lt3A_56 = arith.cmpi slt, %add3A_55, %lt3A : i32
      %convert_element_type3A = arith.extui %lt3A_56 : i1 to i32
      %cond3A = arith.constant 0 : i32
      %cond3A_57 = arith.cmpi ne, %convert_element_type3A, %cond3A : i32
      scf.if %cond3A_57 {
        %ge3A = arith.constant 1 : i32
        %ge3A_71 = arith.cmpi sge, %scan3A_47, %ge3A : i32
        %convert_element_type3A_72 = arith.extui %ge3A_71 : i1 to i32
        %cond3A_73 = arith.constant 0 : i32
        %cond3A_74 = arith.cmpi ne, %convert_element_type3A_72, %cond3A_73 : i32
        scf.if %cond3A_74 {
          %dma_wait3A_109 = arith.constant 0 : i32
          %dma_wait3A_110 = arith.constant 0 : i32
          %dma_wait3A_111 = tpu.memref_slice %arg5[%dma_wait3A_109, %dma_wait3A_110] : memref<100000x64xf32, #tpu.memory_space<hbm>> -> memref<200x64xf32, #tpu.memory_space<hbm>>
          %dma_wait3A_112 = arith.constant 0 : i32
          %dma_wait3A_113 = arith.constant 0 : i32
          %dma_wait3A_114 = tpu.memref_slice %arg5[%dma_wait3A_112, %dma_wait3A_113] : memref<100000x64xf32, #tpu.memory_space<hbm>> -> memref<200x64xf32, #tpu.memory_space<hbm>>
          tpu.wait_dma2 semaphore(%arg16 : memref<!tpu.dma_semaphore, #tpu.memory_space<semaphore_mem>>) src(%arg7 : memref<200x64xf32, #tpu.memory_space<vmem>>) dst(%dma_wait3A_114 : memref<200x64xf32, #tpu.memory_space<hbm>>)
        } else {
        }
        %dma_wait3A_75 = arith.constant 0 : i32
        %dma_wait3A_76 = arith.constant 0 : i32
        %dma_wait3A_77 = tpu.memref_slice %arg2[%dma_wait3A_75, %dma_wait3A_76] : memref<100000x64xf32, #tpu.memory_space<hbm>> -> memref<200x64xf32, #tpu.memory_space<hbm>>
        %dma_wait3A_78 = arith.constant 0 : i32
        %dma_wait3A_79 = arith.constant 0 : i32
        %dma_wait3A_80 = tpu.memref_slice %arg2[%dma_wait3A_78, %dma_wait3A_79] : memref<100000x64xf32, #tpu.memory_space<hbm>> -> memref<200x64xf32, #tpu.memory_space<hbm>>
        tpu.wait_dma2 semaphore(%arg14 : memref<!tpu.dma_semaphore, #tpu.memory_space<semaphore_mem>>) src(%dma_wait3A_80 : memref<200x64xf32, #tpu.memory_space<hbm>>) dst(%arg6 : memref<200x64xf32, #tpu.memory_space<vmem>>)
        %dma_wait3A_81 = arith.constant 0 : i32
        %dma_wait3A_82 = tpu.memref_slice %arg3[%dma_wait3A_81] : memref<100000xf32, #tpu.memory_space<hbm>> -> memref<200xf32, #tpu.memory_space<hbm>>
        %dma_wait3A_83 = arith.constant 0 : i32
        %dma_wait3A_84 = tpu.memref_slice %arg3[%dma_wait3A_83] : memref<100000xf32, #tpu.memory_space<hbm>> -> memref<200xf32, #tpu.memory_space<hbm>>
        tpu.wait_dma2 semaphore(%arg14 : memref<!tpu.dma_semaphore, #tpu.memory_space<semaphore_mem>>) src(%dma_wait3A_84 : memref<200xf32, #tpu.memory_space<hbm>>) dst(%arg8 : memref<200xf32, #tpu.memory_space<vmem>>)
        %dma_wait3A_85 = arith.constant 0 : i32
        %dma_wait3A_86 = tpu.memref_slice %arg4[%dma_wait3A_85] : memref<100000xf32, #tpu.memory_space<hbm>> -> memref<200xf32, #tpu.memory_space<hbm>>
        %dma_wait3A_87 = arith.constant 0 : i32
        %dma_wait3A_88 = tpu.memref_slice %arg4[%dma_wait3A_87] : memref<100000xf32, #tpu.memory_space<hbm>> -> memref<200xf32, #tpu.memory_space<hbm>>
        tpu.wait_dma2 semaphore(%arg14 : memref<!tpu.dma_semaphore, #tpu.memory_space<semaphore_mem>>) src(%dma_wait3A_88 : memref<200xf32, #tpu.memory_space<hbm>>) dst(%arg9 : memref<200xf32, #tpu.memory_space<vmem>>)
        %scan3A_89 = arith.constant 0 : i32
        %scan3A_90 = arith.constant 0 : i32
        %scan3A_91 = arith.constant 50 : i32
        %scan3A_92 = arith.addi %scan3A_90, %scan3A_91 : i32
        %scan3A_93 = arith.constant 1 : i32
        %scan3A_94 = scf.for %scan3A_109 = %scan3A_90 to %scan3A_92 step %scan3A_93 iter_args(%scan3A_110 = %scan3A_89) -> (i32)  : i32 {
          %mul3A_111 = arith.constant 4 : i32
          %mul3A_112 = arith.muli %scan3A_109, %mul3A_111 : i32
          %add3A_113 = arith.constant 0 : i32
          %add3A_114 = arith.addi %mul3A_112, %add3A_113 : i32
          %broadcast_in_dim3A = vector.broadcast %add3A_114 : i32 to vector<16xi32>
          %gather3A = tpu.vector_load_idx %arg8[%broadcast_in_dim3A] : memref<200xf32, #tpu.memory_space<vmem>>[vector<16xi32>], vector<16xf32>,
          %gather3A_115 = tpu.vector_load_idx %arg9[%broadcast_in_dim3A] : memref<200xf32, #tpu.memory_space<vmem>>[vector<16xi32>], vector<16xf32>,
          %div3A = arith.constant 1.44269502 : f32
          %div3A_116 = vector.broadcast %div3A : f32 to vector<16xf32>
          %div3A_117 = arith.divf %div3A_116, %gather3A_115 : vector<16xf32>
          %get3A = arith.index_cast %add3A_114 : i32 to index
          %get3A_118 = arith.constant 0 : index
          %get3A_119 = tpu.vector_load %arg6[%get3A, %get3A_118] {strides = array<i32>} : memref<200x64xf32, #tpu.memory_space<vmem>>, vector<16xf32>,
          %get3A_120 = arith.index_cast %add3A_114 : i32 to index
          %get3A_121 = arith.constant 16 : index
          %get3A_122 = tpu.vector_load %arg6[%get3A_120, %get3A_121] {strides = array<i32>} : memref<200x64xf32, #tpu.memory_space<vmem>>, vector<16xf32>,
          %get3A_123 = arith.index_cast %add3A_114 : i32 to index
          %get3A_124 = arith.constant 32 : index
          %get3A_125 = tpu.vector_load %arg6[%get3A_123, %get3A_124] {strides = array<i32>} : memref<200x64xf32, #tpu.memory_space<vmem>>, vector<16xf32>,
          %get3A_126 = arith.index_cast %add3A_114 : i32 to index
          %get3A_127 = arith.constant 48 : index
          %get3A_128 = tpu.vector_load %arg6[%get3A_126, %get3A_127] {strides = array<i32>} : memref<200x64xf32, #tpu.memory_space<vmem>>, vector<16xf32>,
          %sub3A = arith.subf %gather3A, %get3A_119 : vector<16xf32>
          %mul3A_129 = arith.mulf %sub3A, %div3A_117 : vector<16xf32>
          %min3A = arith.constant 0.000000e+00 : f32
          %min3A_130 = vector.broadcast %min3A : f32 to vector<16xf32>
          %min3A_131 = arith.minimumf %mul3A_129, %min3A_130 : vector<16xf32>
          %sub3A_132 = arith.subf %gather3A, %get3A_122 : vector<16xf32>
          %mul3A_133 = arith.mulf %sub3A_132, %div3A_117 : vector<16xf32>
          %min3A_134 = arith.constant 0.000000e+00 : f32
          %min3A_135 = vector.broadcast %min3A_134 : f32 to vector<16xf32>
          %min3A_136 = arith.minimumf %mul3A_133, %min3A_135 : vector<16xf32>
          %sub3A_137 = arith.subf %gather3A, %get3A_125 : vector<16xf32>
          %mul3A_138 = arith.mulf %sub3A_137, %div3A_117 : vector<16xf32>
          %min3A_139 = arith.constant 0.000000e+00 : f32
          %min3A_140 = vector.broadcast %min3A_139 : f32 to vector<16xf32>
          %min3A_141 = arith.minimumf %mul3A_138, %min3A_140 : vector<16xf32>
          %sub3A_142 = arith.subf %gather3A, %get3A_128 : vector<16xf32>
          %mul3A_143 = arith.mulf %sub3A_142, %div3A_117 : vector<16xf32>
          %min3A_144 = arith.constant 0.000000e+00 : f32
          %min3A_145 = vector.broadcast %min3A_144 : f32 to vector<16xf32>
          %min3A_146 = arith.minimumf %mul3A_143, %min3A_145 : vector<16xf32>
          %max3A = arith.constant -1.260000e+02 : f32
          %max3A_147 = vector.broadcast %max3A : f32 to vector<16xf32>
          %max3A_148 = arith.maximumf %min3A_131, %max3A_147 : vector<16xf32>
          %max3A_149 = arith.constant -1.260000e+02 : f32
          %max3A_150 = vector.broadcast %max3A_149 : f32 to vector<16xf32>
          %max3A_151 = arith.maximumf %min3A_136, %max3A_150 : vector<16xf32>
          %max3A_152 = arith.constant -1.260000e+02 : f32
          %max3A_153 = vector.broadcast %max3A_152 : f32 to vector<16xf32>
          %max3A_154 = arith.maximumf %min3A_141, %max3A_153 : vector<16xf32>
          %max3A_155 = arith.constant -1.260000e+02 : f32
          %max3A_156 = vector.broadcast %max3A_155 : f32 to vector<16xf32>
          %max3A_157 = arith.maximumf %min3A_146, %max3A_156 : vector<16xf32>
          %sub3A_158 = arith.constant 5.000000e-01 : f32
          %sub3A_159 = vector.broadcast %sub3A_158 : f32 to vector<16xf32>
          %sub3A_160 = arith.subf %max3A_148, %sub3A_159 : vector<16xf32>
          %convert_element_type3A_161 = arith.fptosi %sub3A_160 : vector<16xf32> to vector<16xi32>
          %sub3A_162 = arith.constant 5.000000e-01 : f32
          %sub3A_163 = vector.broadcast %sub3A_162 : f32 to vector<16xf32>
          %sub3A_164 = arith.subf %max3A_151, %sub3A_163 : vector<16xf32>
          %convert_element_type3A_165 = arith.fptosi %sub3A_164 : vector<16xf32> to vector<16xi32>
          %sub3A_166 = arith.constant 5.000000e-01 : f32
          %sub3A_167 = vector.broadcast %sub3A_166 : f32 to vector<16xf32>
          %sub3A_168 = arith.subf %max3A_154, %sub3A_167 : vector<16xf32>
          %convert_element_type3A_169 = arith.fptosi %sub3A_168 : vector<16xf32> to vector<16xi32>
          %sub3A_170 = arith.constant 5.000000e-01 : f32
          %sub3A_171 = vector.broadcast %sub3A_170 : f32 to vector<16xf32>
          %sub3A_172 = arith.subf %max3A_157, %sub3A_171 : vector<16xf32>
          %convert_element_type3A_173 = arith.fptosi %sub3A_172 : vector<16xf32> to vector<16xi32>
          %convert_element_type3A_174 = arith.sitofp %convert_element_type3A_161 : vector<16xi32> to vector<16xf32>
          %sub3A_175 = arith.subf %max3A_148, %convert_element_type3A_174 : vector<16xf32>
          %convert_element_type3A_176 = arith.sitofp %convert_element_type3A_165 : vector<16xi32> to vector<16xf32>
          %sub3A_177 = arith.subf %max3A_151, %convert_element_type3A_176 : vector<16xf32>
          %convert_element_type3A_178 = arith.sitofp %convert_element_type3A_169 : vector<16xi32> to vector<16xf32>
          %sub3A_179 = arith.subf %max3A_154, %convert_element_type3A_178 : vector<16xf32>
          %convert_element_type3A_180 = arith.sitofp %convert_element_type3A_173 : vector<16xi32> to vector<16xf32>
          %sub3A_181 = arith.subf %max3A_157, %convert_element_type3A_180 : vector<16xf32>
          %mul3A_182 = arith.constant 0.0558755361 : f32
          %mul3A_183 = vector.broadcast %mul3A_182 : f32 to vector<16xf32>
          %mul3A_184 = arith.mulf %mul3A_183, %sub3A_175 : vector<16xf32>
          %add3A_185 = arith.constant 0.242294624 : f32
          %add3A_186 = vector.broadcast %add3A_185 : f32 to vector<16xf32>
          %add3A_187 = arith.addf %mul3A_184, %add3A_186 : vector<16xf32>
          %mul3A_188 = arith.constant 0.0558755361 : f32
          %mul3A_189 = vector.broadcast %mul3A_188 : f32 to vector<16xf32>
          %mul3A_190 = arith.mulf %mul3A_189, %sub3A_177 : vector<16xf32>
          %add3A_191 = arith.constant 0.242294624 : f32
          %add3A_192 = vector.broadcast %add3A_191 : f32 to vector<16xf32>
          %add3A_193 = arith.addf %mul3A_190, %add3A_192 : vector<16xf32>
          %mul3A_194 = arith.constant 0.0558755361 : f32
          %mul3A_195 = vector.broadcast %mul3A_194 : f32 to vector<16xf32>
          %mul3A_196 = arith.mulf %mul3A_195, %sub3A_179 : vector<16xf32>
          %add3A_197 = arith.constant 0.242294624 : f32
          %add3A_198 = vector.broadcast %add3A_197 : f32 to vector<16xf32>
          %add3A_199 = arith.addf %mul3A_196, %add3A_198 : vector<16xf32>
          %mul3A_200 = arith.constant 0.0558755361 : f32
          %mul3A_201 = vector.broadcast %mul3A_200 : f32 to vector<16xf32>
          %mul3A_202 = arith.mulf %mul3A_201, %sub3A_181 : vector<16xf32>
          %add3A_203 = arith.constant 0.242294624 : f32
          %add3A_204 = vector.broadcast %add3A_203 : f32 to vector<16xf32>
          %add3A_205 = arith.addf %mul3A_202, %add3A_204 : vector<16xf32>
          %mul3A_206 = arith.mulf %add3A_187, %sub3A_175 : vector<16xf32>
          %add3A_207 = arith.constant 0.693127275 : f32
          %add3A_208 = vector.broadcast %add3A_207 : f32 to vector<16xf32>
          %add3A_209 = arith.addf %mul3A_206, %add3A_208 : vector<16xf32>
          %mul3A_210 = arith.mulf %add3A_193, %sub3A_177 : vector<16xf32>
          %add3A_211 = arith.constant 0.693127275 : f32
          %add3A_212 = vector.broadcast %add3A_211 : f32 to vector<16xf32>
          %add3A_213 = arith.addf %mul3A_210, %add3A_212 : vector<16xf32>
          %mul3A_214 = arith.mulf %add3A_199, %sub3A_179 : vector<16xf32>
          %add3A_215 = arith.constant 0.693127275 : f32
          %add3A_216 = vector.broadcast %add3A_215 : f32 to vector<16xf32>
          %add3A_217 = arith.addf %mul3A_214, %add3A_216 : vector<16xf32>
          %mul3A_218 = arith.mulf %add3A_205, %sub3A_181 : vector<16xf32>
          %add3A_219 = arith.constant 0.693127275 : f32
          %add3A_220 = vector.broadcast %add3A_219 : f32 to vector<16xf32>
          %add3A_221 = arith.addf %mul3A_218, %add3A_220 : vector<16xf32>
          %mul3A_222 = arith.mulf %add3A_209, %sub3A_175 : vector<16xf32>
          %add3A_223 = arith.constant 0.999948263 : f32
          %add3A_224 = vector.broadcast %add3A_223 : f32 to vector<16xf32>
          %add3A_225 = arith.addf %mul3A_222, %add3A_224 : vector<16xf32>
          %mul3A_226 = arith.mulf %add3A_213, %sub3A_177 : vector<16xf32>
          %add3A_227 = arith.constant 0.999948263 : f32
          %add3A_228 = vector.broadcast %add3A_227 : f32 to vector<16xf32>
          %add3A_229 = arith.addf %mul3A_226, %add3A_228 : vector<16xf32>
          %mul3A_230 = arith.mulf %add3A_217, %sub3A_179 : vector<16xf32>
          %add3A_231 = arith.constant 0.999948263 : f32
          %add3A_232 = vector.broadcast %add3A_231 : f32 to vector<16xf32>
          %add3A_233 = arith.addf %mul3A_230, %add3A_232 : vector<16xf32>
          %mul3A_234 = arith.mulf %add3A_221, %sub3A_181 : vector<16xf32>
          %add3A_235 = arith.constant 0.999948263 : f32
          %add3A_236 = vector.broadcast %add3A_235 : f32 to vector<16xf32>
          %add3A_237 = arith.addf %mul3A_234, %add3A_236 : vector<16xf32>
          %add3A_238 = arith.constant 127 : i32
          %add3A_239 = vector.broadcast %add3A_238 : i32 to vector<16xi32>
          %add3A_240 = arith.addi %convert_element_type3A_161, %add3A_239 : vector<16xi32>
          %shift_left3A = arith.constant 23 : i32
          %shift_left3A_241 = vector.broadcast %shift_left3A : i32 to vector<16xi32>
          %shift_left3A_242 = arith.shli %add3A_240, %shift_left3A_241 : vector<16xi32>
          %bitcast3A = vector.bitcast %shift_left3A_242 : vector<16xi32> to vector<16xf32>
          %add3A_243 = arith.constant 127 : i32
          %add3A_244 = vector.broadcast %add3A_243 : i32 to vector<16xi32>
          %add3A_245 = arith.addi %convert_element_type3A_165, %add3A_244 : vector<16xi32>
          %shift_left3A_246 = arith.constant 23 : i32
          %shift_left3A_247 = vector.broadcast %shift_left3A_246 : i32 to vector<16xi32>
          %shift_left3A_248 = arith.shli %add3A_245, %shift_left3A_247 : vector<16xi32>
          %bitcast3A_249 = vector.bitcast %shift_left3A_248 : vector<16xi32> to vector<16xf32>
          %add3A_250 = arith.constant 127 : i32
          %add3A_251 = vector.broadcast %add3A_250 : i32 to vector<16xi32>
          %add3A_252 = arith.addi %convert_element_type3A_169, %add3A_251 : vector<16xi32>
          %shift_left3A_253 = arith.constant 23 : i32
          %shift_left3A_254 = vector.broadcast %shift_left3A_253 : i32 to vector<16xi32>
          %shift_left3A_255 = arith.shli %add3A_252, %shift_left3A_254 : vector<16xi32>
          %bitcast3A_256 = vector.bitcast %shift_left3A_255 : vector<16xi32> to vector<16xf32>
          %add3A_257 = arith.constant 127 : i32
          %add3A_258 = vector.broadcast %add3A_257 : i32 to vector<16xi32>
          %add3A_259 = arith.addi %convert_element_type3A_173, %add3A_258 : vector<16xi32>
          %shift_left3A_260 = arith.constant 23 : i32
          %shift_left3A_261 = vector.broadcast %shift_left3A_260 : i32 to vector<16xi32>
          %shift_left3A_262 = arith.shli %add3A_259, %shift_left3A_261 : vector<16xi32>
          %bitcast3A_263 = vector.bitcast %shift_left3A_262 : vector<16xi32> to vector<16xf32>
          %mul3A_264 = arith.mulf %add3A_225, %bitcast3A : vector<16xf32>
          %swap3A = arith.index_cast %add3A_114 : i32 to index
          %swap3A_265 = arith.constant 0 : index
          %swap3A_266 = tpu.vector_load %arg7[%swap3A, %swap3A_265] {strides = array<i32>} : memref<200x64xf32, #tpu.memory_space<vmem>>, vector<16xf32>,
          tpu.vector_store %arg7[%swap3A, %swap3A_265], %mul3A_264 {strides = array<i32>} : memref<200x64xf32, #tpu.memory_space<vmem>>, vector<16xf32>,
          %mul3A_267 = arith.mulf %add3A_229, %bitcast3A_249 : vector<16xf32>
          %swap3A_268 = arith.index_cast %add3A_114 : i32 to index
          %swap3A_269 = arith.constant 16 : index
          %swap3A_270 = tpu.vector_load %arg7[%swap3A_268, %swap3A_269] {strides = array<i32>} : memref<200x64xf32, #tpu.memory_space<vmem>>, vector<16xf32>,
          tpu.vector_store %arg7[%swap3A_268, %swap3A_269], %mul3A_267 {strides = array<i32>} : memref<200x64xf32, #tpu.memory_space<vmem>>, vector<16xf32>,
          %mul3A_271 = arith.mulf %add3A_233, %bitcast3A_256 : vector<16xf32>
          %swap3A_272 = arith.index_cast %add3A_114 : i32 to index
          %swap3A_273 = arith.constant 32 : index
          %swap3A_274 = tpu.vector_load %arg7[%swap3A_272, %swap3A_273] {strides = array<i32>} : memref<200x64xf32, #tpu.memory_space<vmem>>, vector<16xf32>,
          tpu.vector_store %arg7[%swap3A_272, %swap3A_273], %mul3A_271 {strides = array<i32>} : memref<200x64xf32, #tpu.memory_space<vmem>>, vector<16xf32>,
          %mul3A_275 = arith.mulf %add3A_237, %bitcast3A_263 : vector<16xf32>
          %swap3A_276 = arith.index_cast %add3A_114 : i32 to index
          %swap3A_277 = arith.constant 48 : index
          %swap3A_278 = tpu.vector_load %arg7[%swap3A_276, %swap3A_277] {strides = array<i32>} : memref<200x64xf32, #tpu.memory_space<vmem>>, vector<16xf32>,
          tpu.vector_store %arg7[%swap3A_276, %swap3A_277], %mul3A_275 {strides = array<i32>} : memref<200x64xf32, #tpu.memory_space<vmem>>, vector<16xf32>,
          %mul3A_279 = arith.constant 4 : i32
          %mul3A_280 = arith.muli %scan3A_109, %mul3A_279 : i32
          %add3A_281 = arith.constant 1 : i32
          %add3A_282 = arith.addi %mul3A_280, %add3A_281 : i32
          %broadcast_in_dim3A_283 = vector.broadcast %add3A_282 : i32 to vector<16xi32>
          %gather3A_284 = tpu.vector_load_idx %arg8[%broadcast_in_dim3A_283] : memref<200xf32, #tpu.memory_space<vmem>>[vector<16xi32>], vector<16xf32>,
          %gather3A_285 = tpu.vector_load_idx %arg9[%broadcast_in_dim3A_283] : memref<200xf32, #tpu.memory_space<vmem>>[vector<16xi32>], vector<16xf32>,
          %div3A_286 = arith.constant 1.44269502 : f32
          %div3A_287 = vector.broadcast %div3A_286 : f32 to vector<16xf32>
          %div3A_288 = arith.divf %div3A_287, %gather3A_285 : vector<16xf32>
          %get3A_289 = arith.index_cast %add3A_282 : i32 to index
          %get3A_290 = arith.constant 0 : index
          %get3A_291 = tpu.vector_load %arg6[%get3A_289, %get3A_290] {strides = array<i32>} : memref<200x64xf32, #tpu.memory_space<vmem>>, vector<16xf32>,
          %get3A_292 = arith.index_cast %add3A_282 : i32 to index
          %get3A_293 = arith.constant 16 : index
          %get3A_294 = tpu.vector_load %arg6[%get3A_292, %get3A_293] {strides = array<i32>} : memref<200x64xf32, #tpu.memory_space<vmem>>, vector<16xf32>,
          %get3A_295 = arith.index_cast %add3A_282 : i32 to index
          %get3A_296 = arith.constant 32 : index
          %get3A_297 = tpu.vector_load %arg6[%get3A_295, %get3A_296] {strides = array<i32>} : memref<200x64xf32, #tpu.memory_space<vmem>>, vector<16xf32>,
          %get3A_298 = arith.index_cast %add3A_282 : i32 to index
          %get3A_299 = arith.constant 48 : index
          %get3A_300 = tpu.vector_load %arg6[%get3A_298, %get3A_299] {strides = array<i32>} : memref<200x64xf32, #tpu.memory_space<vmem>>, vector<16xf32>,
          %sub3A_301 = arith.subf %gather3A_284, %get3A_291 : vector<16xf32>
          %mul3A_302 = arith.mulf %sub3A_301, %div3A_288 : vector<16xf32>
          %min3A_303 = arith.constant 0.000000e+00 : f32
          %min3A_304 = vector.broadcast %min3A_303 : f32 to vector<16xf32>
          %min3A_305 = arith.minimumf %mul3A_302, %min3A_304 : vector<16xf32>
          %sub3A_306 = arith.subf %gather3A_284, %get3A_294 : vector<16xf32>
          %mul3A_307 = arith.mulf %sub3A_306, %div3A_288 : vector<16xf32>
          %min3A_308 = arith.constant 0.000000e+00 : f32
          %min3A_309 = vector.broadcast %min3A_308 : f32 to vector<16xf32>
          %min3A_310 = arith.minimumf %mul3A_307, %min3A_309 : vector<16xf32>
          %sub3A_311 = arith.subf %gather3A_284, %get3A_297 : vector<16xf32>
          %mul3A_312 = arith.mulf %sub3A_311, %div3A_288 : vector<16xf32>
          %min3A_313 = arith.constant 0.000000e+00 : f32
          %min3A_314 = vector.broadcast %min3A_313 : f32 to vector<16xf32>
          %min3A_315 = arith.minimumf %mul3A_312, %min3A_314 : vector<16xf32>
          %sub3A_316 = arith.subf %gather3A_284, %get3A_300 : vector<16xf32>
          %mul3A_317 = arith.mulf %sub3A_316, %div3A_288 : vector<16xf32>
          %min3A_318 = arith.constant 0.000000e+00 : f32
          %min3A_319 = vector.broadcast %min3A_318 : f32 to vector<16xf32>
          %min3A_320 = arith.minimumf %mul3A_317, %min3A_319 : vector<16xf32>
          %max3A_321 = arith.constant -1.260000e+02 : f32
          %max3A_322 = vector.broadcast %max3A_321 : f32 to vector<16xf32>
          %max3A_323 = arith.maximumf %min3A_305, %max3A_322 : vector<16xf32>
          %max3A_324 = arith.constant -1.260000e+02 : f32
          %max3A_325 = vector.broadcast %max3A_324 : f32 to vector<16xf32>
          %max3A_326 = arith.maximumf %min3A_310, %max3A_325 : vector<16xf32>
          %max3A_327 = arith.constant -1.260000e+02 : f32
          %max3A_328 = vector.broadcast %max3A_327 : f32 to vector<16xf32>
          %max3A_329 = arith.maximumf %min3A_315, %max3A_328 : vector<16xf32>
          %max3A_330 = arith.constant -1.260000e+02 : f32
          %max3A_331 = vector.broadcast %max3A_330 : f32 to vector<16xf32>
          %max3A_332 = arith.maximumf %min3A_320, %max3A_331 : vector<16xf32>
          %sub3A_333 = arith.constant 5.000000e-01 : f32
          %sub3A_334 = vector.broadcast %sub3A_333 : f32 to vector<16xf32>
          %sub3A_335 = arith.subf %max3A_323, %sub3A_334 : vector<16xf32>
          %convert_element_type3A_336 = arith.fptosi %sub3A_335 : vector<16xf32> to vector<16xi32>
          %sub3A_337 = arith.constant 5.000000e-01 : f32
          %sub3A_338 = vector.broadcast %sub3A_337 : f32 to vector<16xf32>
          %sub3A_339 = arith.subf %max3A_326, %sub3A_338 : vector<16xf32>
          %convert_element_type3A_340 = arith.fptosi %sub3A_339 : vector<16xf32> to vector<16xi32>
          %sub3A_341 = arith.constant 5.000000e-01 : f32
          %sub3A_342 = vector.broadcast %sub3A_341 : f32 to vector<16xf32>
          %sub3A_343 = arith.subf %max3A_329, %sub3A_342 : vector<16xf32>
          %convert_element_type3A_344 = arith.fptosi %sub3A_343 : vector<16xf32> to vector<16xi32>
          %sub3A_345 = arith.constant 5.000000e-01 : f32
          %sub3A_346 = vector.broadcast %sub3A_345 : f32 to vector<16xf32>
          %sub3A_347 = arith.subf %max3A_332, %sub3A_346 : vector<16xf32>
          %convert_element_type3A_348 = arith.fptosi %sub3A_347 : vector<16xf32> to vector<16xi32>
          %convert_element_type3A_349 = arith.sitofp %convert_element_type3A_336 : vector<16xi32> to vector<16xf32>
          %sub3A_350 = arith.subf %max3A_323, %convert_element_type3A_349 : vector<16xf32>
          %convert_element_type3A_351 = arith.sitofp %convert_element_type3A_340 : vector<16xi32> to vector<16xf32>
          %sub3A_352 = arith.subf %max3A_326, %convert_element_type3A_351 : vector<16xf32>
          %convert_element_type3A_353 = arith.sitofp %convert_element_type3A_344 : vector<16xi32> to vector<16xf32>
          %sub3A_354 = arith.subf %max3A_329, %convert_element_type3A_353 : vector<16xf32>
          %convert_element_type3A_355 = arith.sitofp %convert_element_type3A_348 : vector<16xi32> to vector<16xf32>
          %sub3A_356 = arith.subf %max3A_332, %convert_element_type3A_355 : vector<16xf32>
          %mul3A_357 = arith.constant 0.0558755361 : f32
          %mul3A_358 = vector.broadcast %mul3A_357 : f32 to vector<16xf32>
          %mul3A_359 = arith.mulf %mul3A_358, %sub3A_350 : vector<16xf32>
          %add3A_360 = arith.constant 0.242294624 : f32
          %add3A_361 = vector.broadcast %add3A_360 : f32 to vector<16xf32>
          %add3A_362 = arith.addf %mul3A_359, %add3A_361 : vector<16xf32>
          %mul3A_363 = arith.constant 0.0558755361 : f32
          %mul3A_364 = vector.broadcast %mul3A_363 : f32 to vector<16xf32>
          %mul3A_365 = arith.mulf %mul3A_364, %sub3A_352 : vector<16xf32>
          %add3A_366 = arith.constant 0.242294624 : f32
          %add3A_367 = vector.broadcast %add3A_366 : f32 to vector<16xf32>
          %add3A_368 = arith.addf %mul3A_365, %add3A_367 : vector<16xf32>
          %mul3A_369 = arith.constant 0.0558755361 : f32
          %mul3A_370 = vector.broadcast %mul3A_369 : f32 to vector<16xf32>
          %mul3A_371 = arith.mulf %mul3A_370, %sub3A_354 : vector<16xf32>
          %add3A_372 = arith.constant 0.242294624 : f32
          %add3A_373 = vector.broadcast %add3A_372 : f32 to vector<16xf32>
          %add3A_374 = arith.addf %mul3A_371, %add3A_373 : vector<16xf32>
          %mul3A_375 = arith.constant 0.0558755361 : f32
          %mul3A_376 = vector.broadcast %mul3A_375 : f32 to vector<16xf32>
          %mul3A_377 = arith.mulf %mul3A_376, %sub3A_356 : vector<16xf32>
          %add3A_378 = arith.constant 0.242294624 : f32
          %add3A_379 = vector.broadcast %add3A_378 : f32 to vector<16xf32>
          %add3A_380 = arith.addf %mul3A_377, %add3A_379 : vector<16xf32>
          %mul3A_381 = arith.mulf %add3A_362, %sub3A_350 : vector<16xf32>
          %add3A_382 = arith.constant 0.693127275 : f32
          %add3A_383 = vector.broadcast %add3A_382 : f32 to vector<16xf32>
          %add3A_384 = arith.addf %mul3A_381, %add3A_383 : vector<16xf32>
          %mul3A_385 = arith.mulf %add3A_368, %sub3A_352 : vector<16xf32>
          %add3A_386 = arith.constant 0.693127275 : f32
          %add3A_387 = vector.broadcast %add3A_386 : f32 to vector<16xf32>
          %add3A_388 = arith.addf %mul3A_385, %add3A_387 : vector<16xf32>
          %mul3A_389 = arith.mulf %add3A_374, %sub3A_354 : vector<16xf32>
          %add3A_390 = arith.constant 0.693127275 : f32
          %add3A_391 = vector.broadcast %add3A_390 : f32 to vector<16xf32>
          %add3A_392 = arith.addf %mul3A_389, %add3A_391 : vector<16xf32>
          %mul3A_393 = arith.mulf %add3A_380, %sub3A_356 : vector<16xf32>
          %add3A_394 = arith.constant 0.693127275 : f32
          %add3A_395 = vector.broadcast %add3A_394 : f32 to vector<16xf32>
          %add3A_396 = arith.addf %mul3A_393, %add3A_395 : vector<16xf32>
          %mul3A_397 = arith.mulf %add3A_384, %sub3A_350 : vector<16xf32>
          %add3A_398 = arith.constant 0.999948263 : f32
          %add3A_399 = vector.broadcast %add3A_398 : f32 to vector<16xf32>
          %add3A_400 = arith.addf %mul3A_397, %add3A_399 : vector<16xf32>
          %mul3A_401 = arith.mulf %add3A_388, %sub3A_352 : vector<16xf32>
          %add3A_402 = arith.constant 0.999948263 : f32
          %add3A_403 = vector.broadcast %add3A_402 : f32 to vector<16xf32>
          %add3A_404 = arith.addf %mul3A_401, %add3A_403 : vector<16xf32>
          %mul3A_405 = arith.mulf %add3A_392, %sub3A_354 : vector<16xf32>
          %add3A_406 = arith.constant 0.999948263 : f32
          %add3A_407 = vector.broadcast %add3A_406 : f32 to vector<16xf32>
          %add3A_408 = arith.addf %mul3A_405, %add3A_407 : vector<16xf32>
          %mul3A_409 = arith.mulf %add3A_396, %sub3A_356 : vector<16xf32>
          %add3A_410 = arith.constant 0.999948263 : f32
          %add3A_411 = vector.broadcast %add3A_410 : f32 to vector<16xf32>
          %add3A_412 = arith.addf %mul3A_409, %add3A_411 : vector<16xf32>
          %add3A_413 = arith.constant 127 : i32
          %add3A_414 = vector.broadcast %add3A_413 : i32 to vector<16xi32>
          %add3A_415 = arith.addi %convert_element_type3A_336, %add3A_414 : vector<16xi32>
          %shift_left3A_416 = arith.constant 23 : i32
          %shift_left3A_417 = vector.broadcast %shift_left3A_416 : i32 to vector<16xi32>
          %shift_left3A_418 = arith.shli %add3A_415, %shift_left3A_417 : vector<16xi32>
          %bitcast3A_419 = vector.bitcast %shift_left3A_418 : vector<16xi32> to vector<16xf32>
          %add3A_420 = arith.constant 127 : i32
          %add3A_421 = vector.broadcast %add3A_420 : i32 to vector<16xi32>
          %add3A_422 = arith.addi %convert_element_type3A_340, %add3A_421 : vector<16xi32>
          %shift_left3A_423 = arith.constant 23 : i32
          %shift_left3A_424 = vector.broadcast %shift_left3A_423 : i32 to vector<16xi32>
          %shift_left3A_425 = arith.shli %add3A_422, %shift_left3A_424 : vector<16xi32>
          %bitcast3A_426 = vector.bitcast %shift_left3A_425 : vector<16xi32> to vector<16xf32>
          %add3A_427 = arith.constant 127 : i32
          %add3A_428 = vector.broadcast %add3A_427 : i32 to vector<16xi32>
          %add3A_429 = arith.addi %convert_element_type3A_344, %add3A_428 : vector<16xi32>
          %shift_left3A_430 = arith.constant 23 : i32
          %shift_left3A_431 = vector.broadcast %shift_left3A_430 : i32 to vector<16xi32>
          %shift_left3A_432 = arith.shli %add3A_429, %shift_left3A_431 : vector<16xi32>
          %bitcast3A_433 = vector.bitcast %shift_left3A_432 : vector<16xi32> to vector<16xf32>
          %add3A_434 = arith.constant 127 : i32
          %add3A_435 = vector.broadcast %add3A_434 : i32 to vector<16xi32>
          %add3A_436 = arith.addi %convert_element_type3A_348, %add3A_435 : vector<16xi32>
          %shift_left3A_437 = arith.constant 23 : i32
          %shift_left3A_438 = vector.broadcast %shift_left3A_437 : i32 to vector<16xi32>
          %shift_left3A_439 = arith.shli %add3A_436, %shift_left3A_438 : vector<16xi32>
          %bitcast3A_440 = vector.bitcast %shift_left3A_439 : vector<16xi32> to vector<16xf32>
          %mul3A_441 = arith.mulf %add3A_400, %bitcast3A_419 : vector<16xf32>
          %swap3A_442 = arith.index_cast %add3A_282 : i32 to index
          %swap3A_443 = arith.constant 0 : index
          %swap3A_444 = tpu.vector_load %arg7[%swap3A_442, %swap3A_443] {strides = array<i32>} : memref<200x64xf32, #tpu.memory_space<vmem>>, vector<16xf32>,
          tpu.vector_store %arg7[%swap3A_442, %swap3A_443], %mul3A_441 {strides = array<i32>} : memref<200x64xf32, #tpu.memory_space<vmem>>, vector<16xf32>,
          %mul3A_445 = arith.mulf %add3A_404, %bitcast3A_426 : vector<16xf32>
          %swap3A_446 = arith.index_cast %add3A_282 : i32 to index
          %swap3A_447 = arith.constant 16 : index
          %swap3A_448 = tpu.vector_load %arg7[%swap3A_446, %swap3A_447] {strides = array<i32>} : memref<200x64xf32, #tpu.memory_space<vmem>>, vector<16xf32>,
          tpu.vector_store %arg7[%swap3A_446, %swap3A_447], %mul3A_445 {strides = array<i32>} : memref<200x64xf32, #tpu.memory_space<vmem>>, vector<16xf32>,
          %mul3A_449 = arith.mulf %add3A_408, %bitcast3A_433 : vector<16xf32>
          %swap3A_450 = arith.index_cast %add3A_282 : i32 to index
          %swap3A_451 = arith.constant 32 : index
          %swap3A_452 = tpu.vector_load %arg7[%swap3A_450, %swap3A_451] {strides = array<i32>} : memref<200x64xf32, #tpu.memory_space<vmem>>, vector<16xf32>,
          tpu.vector_store %arg7[%swap3A_450, %swap3A_451], %mul3A_449 {strides = array<i32>} : memref<200x64xf32, #tpu.memory_space<vmem>>, vector<16xf32>,
          %mul3A_453 = arith.mulf %add3A_412, %bitcast3A_440 : vector<16xf32>
          %swap3A_454 = arith.index_cast %add3A_282 : i32 to index
          %swap3A_455 = arith.constant 48 : index
          %swap3A_456 = tpu.vector_load %arg7[%swap3A_454, %swap3A_455] {strides = array<i32>} : memref<200x64xf32, #tpu.memory_space<vmem>>, vector<16xf32>,
          tpu.vector_store %arg7[%swap3A_454, %swap3A_455], %mul3A_453 {strides = array<i32>} : memref<200x64xf32, #tpu.memory_space<vmem>>, vector<16xf32>,
          %mul3A_457 = arith.constant 4 : i32
          %mul3A_458 = arith.muli %scan3A_109, %mul3A_457 : i32
          %add3A_459 = arith.constant 2 : i32
          %add3A_460 = arith.addi %mul3A_458, %add3A_459 : i32
          %broadcast_in_dim3A_461 = vector.broadcast %add3A_460 : i32 to vector<16xi32>
          %gather3A_462 = tpu.vector_load_idx %arg8[%broadcast_in_dim3A_461] : memref<200xf32, #tpu.memory_space<vmem>>[vector<16xi32>], vector<16xf32>,
          %gather3A_463 = tpu.vector_load_idx %arg9[%broadcast_in_dim3A_461] : memref<200xf32, #tpu.memory_space<vmem>>[vector<16xi32>], vector<16xf32>,
          %div3A_464 = arith.constant 1.44269502 : f32
          %div3A_465 = vector.broadcast %div3A_464 : f32 to vector<16xf32>
          %div3A_466 = arith.divf %div3A_465, %gather3A_463 : vector<16xf32>
          %get3A_467 = arith.index_cast %add3A_460 : i32 to index
          %get3A_468 = arith.constant 0 : index
          %get3A_469 = tpu.vector_load %arg6[%get3A_467, %get3A_468] {strides = array<i32>} : memref<200x64xf32, #tpu.memory_space<vmem>>, vector<16xf32>,
          %get3A_470 = arith.index_cast %add3A_460 : i32 to index
          %get3A_471 = arith.constant 16 : index
          %get3A_472 = tpu.vector_load %arg6[%get3A_470, %get3A_471] {strides = array<i32>} : memref<200x64xf32, #tpu.memory_space<vmem>>, vector<16xf32>,
          %get3A_473 = arith.index_cast %add3A_460 : i32 to index
          %get3A_474 = arith.constant 32 : index
          %get3A_475 = tpu.vector_load %arg6[%get3A_473, %get3A_474] {strides = array<i32>} : memref<200x64xf32, #tpu.memory_space<vmem>>, vector<16xf32>,
          %get3A_476 = arith.index_cast %add3A_460 : i32 to index
          %get3A_477 = arith.constant 48 : index
          %get3A_478 = tpu.vector_load %arg6[%get3A_476, %get3A_477] {strides = array<i32>} : memref<200x64xf32, #tpu.memory_space<vmem>>, vector<16xf32>,
          %sub3A_479 = arith.subf %gather3A_462, %get3A_469 : vector<16xf32>
          %mul3A_480 = arith.mulf %sub3A_479, %div3A_466 : vector<16xf32>
          %min3A_481 = arith.constant 0.000000e+00 : f32
          %min3A_482 = vector.broadcast %min3A_481 : f32 to vector<16xf32>
          %min3A_483 = arith.minimumf %mul3A_480, %min3A_482 : vector<16xf32>
          %sub3A_484 = arith.subf %gather3A_462, %get3A_472 : vector<16xf32>
          %mul3A_485 = arith.mulf %sub3A_484, %div3A_466 : vector<16xf32>
          %min3A_486 = arith.constant 0.000000e+00 : f32
          %min3A_487 = vector.broadcast %min3A_486 : f32 to vector<16xf32>
          %min3A_488 = arith.minimumf %mul3A_485, %min3A_487 : vector<16xf32>
          %sub3A_489 = arith.subf %gather3A_462, %get3A_475 : vector<16xf32>
          %mul3A_490 = arith.mulf %sub3A_489, %div3A_466 : vector<16xf32>
          %min3A_491 = arith.constant 0.000000e+00 : f32
          %min3A_492 = vector.broadcast %min3A_491 : f32 to vector<16xf32>
          %min3A_493 = arith.minimumf %mul3A_490, %min3A_492 : vector<16xf32>
          %sub3A_494 = arith.subf %gather3A_462, %get3A_478 : vector<16xf32>
          %mul3A_495 = arith.mulf %sub3A_494, %div3A_466 : vector<16xf32>
          %min3A_496 = arith.constant 0.000000e+00 : f32
          %min3A_497 = vector.broadcast %min3A_496 : f32 to vector<16xf32>
          %min3A_498 = arith.minimumf %mul3A_495, %min3A_497 : vector<16xf32>
          %max3A_499 = arith.constant -1.260000e+02 : f32
          %max3A_500 = vector.broadcast %max3A_499 : f32 to vector<16xf32>
          %max3A_501 = arith.maximumf %min3A_483, %max3A_500 : vector<16xf32>
          %max3A_502 = arith.constant -1.260000e+02 : f32
          %max3A_503 = vector.broadcast %max3A_502 : f32 to vector<16xf32>
          %max3A_504 = arith.maximumf %min3A_488, %max3A_503 : vector<16xf32>
          %max3A_505 = arith.constant -1.260000e+02 : f32
          %max3A_506 = vector.broadcast %max3A_505 : f32 to vector<16xf32>
          %max3A_507 = arith.maximumf %min3A_493, %max3A_506 : vector<16xf32>
          %max3A_508 = arith.constant -1.260000e+02 : f32
          %max3A_509 = vector.broadcast %max3A_508 : f32 to vector<16xf32>
          %max3A_510 = arith.maximumf %min3A_498, %max3A_509 : vector<16xf32>
          %sub3A_511 = arith.constant 5.000000e-01 : f32
          %sub3A_512 = vector.broadcast %sub3A_511 : f32 to vector<16xf32>
          %sub3A_513 = arith.subf %max3A_501, %sub3A_512 : vector<16xf32>
          %convert_element_type3A_514 = arith.fptosi %sub3A_513 : vector<16xf32> to vector<16xi32>
          %sub3A_515 = arith.constant 5.000000e-01 : f32
          %sub3A_516 = vector.broadcast %sub3A_515 : f32 to vector<16xf32>
          %sub3A_517 = arith.subf %max3A_504, %sub3A_516 : vector<16xf32>
          %convert_element_type3A_518 = arith.fptosi %sub3A_517 : vector<16xf32> to vector<16xi32>
          %sub3A_519 = arith.constant 5.000000e-01 : f32
          %sub3A_520 = vector.broadcast %sub3A_519 : f32 to vector<16xf32>
          %sub3A_521 = arith.subf %max3A_507, %sub3A_520 : vector<16xf32>
          %convert_element_type3A_522 = arith.fptosi %sub3A_521 : vector<16xf32> to vector<16xi32>
          %sub3A_523 = arith.constant 5.000000e-01 : f32
          %sub3A_524 = vector.broadcast %sub3A_523 : f32 to vector<16xf32>
          %sub3A_525 = arith.subf %max3A_510, %sub3A_524 : vector<16xf32>
          %convert_element_type3A_526 = arith.fptosi %sub3A_525 : vector<16xf32> to vector<16xi32>
          %convert_element_type3A_527 = arith.sitofp %convert_element_type3A_514 : vector<16xi32> to vector<16xf32>
          %sub3A_528 = arith.subf %max3A_501, %convert_element_type3A_527 : vector<16xf32>
          %convert_element_type3A_529 = arith.sitofp %convert_element_type3A_518 : vector<16xi32> to vector<16xf32>
          %sub3A_530 = arith.subf %max3A_504, %convert_element_type3A_529 : vector<16xf32>
          %convert_element_type3A_531 = arith.sitofp %convert_element_type3A_522 : vector<16xi32> to vector<16xf32>
          %sub3A_532 = arith.subf %max3A_507, %convert_element_type3A_531 : vector<16xf32>
          %convert_element_type3A_533 = arith.sitofp %convert_element_type3A_526 : vector<16xi32> to vector<16xf32>
          %sub3A_534 = arith.subf %max3A_510, %convert_element_type3A_533 : vector<16xf32>
          %mul3A_535 = arith.constant 0.0558755361 : f32
          %mul3A_536 = vector.broadcast %mul3A_535 : f32 to vector<16xf32>
          %mul3A_537 = arith.mulf %mul3A_536, %sub3A_528 : vector<16xf32>
          %add3A_538 = arith.constant 0.242294624 : f32
          %add3A_539 = vector.broadcast %add3A_538 : f32 to vector<16xf32>
          %add3A_540 = arith.addf %mul3A_537, %add3A_539 : vector<16xf32>
          %mul3A_541 = arith.constant 0.0558755361 : f32
          %mul3A_542 = vector.broadcast %mul3A_541 : f32 to vector<16xf32>
          %mul3A_543 = arith.mulf %mul3A_542, %sub3A_530 : vector<16xf32>
          %add3A_544 = arith.constant 0.242294624 : f32
          %add3A_545 = vector.broadcast %add3A_544 : f32 to vector<16xf32>
          %add3A_546 = arith.addf %mul3A_543, %add3A_545 : vector<16xf32>
          %mul3A_547 = arith.constant 0.0558755361 : f32
          %mul3A_548 = vector.broadcast %mul3A_547 : f32 to vector<16xf32>
          %mul3A_549 = arith.mulf %mul3A_548, %sub3A_532 : vector<16xf32>
          %add3A_550 = arith.constant 0.242294624 : f32
          %add3A_551 = vector.broadcast %add3A_550 : f32 to vector<16xf32>
          %add3A_552 = arith.addf %mul3A_549, %add3A_551 : vector<16xf32>
          %mul3A_553 = arith.constant 0.0558755361 : f32
          %mul3A_554 = vector.broadcast %mul3A_553 : f32 to vector<16xf32>
          %mul3A_555 = arith.mulf %mul3A_554, %sub3A_534 : vector<16xf32>
          %add3A_556 = arith.constant 0.242294624 : f32
          %add3A_557 = vector.broadcast %add3A_556 : f32 to vector<16xf32>
          %add3A_558 = arith.addf %mul3A_555, %add3A_557 : vector<16xf32>
          %mul3A_559 = arith.mulf %add3A_540, %sub3A_528 : vector<16xf32>
          %add3A_560 = arith.constant 0.693127275 : f32
          %add3A_561 = vector.broadcast %add3A_560 : f32 to vector<16xf32>
          %add3A_562 = arith.addf %mul3A_559, %add3A_561 : vector<16xf32>
          %mul3A_563 = arith.mulf %add3A_546, %sub3A_530 : vector<16xf32>
          %add3A_564 = arith.constant 0.693127275 : f32
          %add3A_565 = vector.broadcast %add3A_564 : f32 to vector<16xf32>
          %add3A_566 = arith.addf %mul3A_563, %add3A_565 : vector<16xf32>
          %mul3A_567 = arith.mulf %add3A_552, %sub3A_532 : vector<16xf32>
          %add3A_568 = arith.constant 0.693127275 : f32
          %add3A_569 = vector.broadcast %add3A_568 : f32 to vector<16xf32>
          %add3A_570 = arith.addf %mul3A_567, %add3A_569 : vector<16xf32>
          %mul3A_571 = arith.mulf %add3A_558, %sub3A_534 : vector<16xf32>
          %add3A_572 = arith.constant 0.693127275 : f32
          %add3A_573 = vector.broadcast %add3A_572 : f32 to vector<16xf32>
          %add3A_574 = arith.addf %mul3A_571, %add3A_573 : vector<16xf32>
          %mul3A_575 = arith.mulf %add3A_562, %sub3A_528 : vector<16xf32>
          %add3A_576 = arith.constant 0.999948263 : f32
          %add3A_577 = vector.broadcast %add3A_576 : f32 to vector<16xf32>
          %add3A_578 = arith.addf %mul3A_575, %add3A_577 : vector<16xf32>
          %mul3A_579 = arith.mulf %add3A_566, %sub3A_530 : vector<16xf32>
          %add3A_580 = arith.constant 0.999948263 : f32
          %add3A_581 = vector.broadcast %add3A_580 : f32 to vector<16xf32>
          %add3A_582 = arith.addf %mul3A_579, %add3A_581 : vector<16xf32>
          %mul3A_583 = arith.mulf %add3A_570, %sub3A_532 : vector<16xf32>
          %add3A_584 = arith.constant 0.999948263 : f32
          %add3A_585 = vector.broadcast %add3A_584 : f32 to vector<16xf32>
          %add3A_586 = arith.addf %mul3A_583, %add3A_585 : vector<16xf32>
          %mul3A_587 = arith.mulf %add3A_574, %sub3A_534 : vector<16xf32>
          %add3A_588 = arith.constant 0.999948263 : f32
          %add3A_589 = vector.broadcast %add3A_588 : f32 to vector<16xf32>
          %add3A_590 = arith.addf %mul3A_587, %add3A_589 : vector<16xf32>
          %add3A_591 = arith.constant 127 : i32
          %add3A_592 = vector.broadcast %add3A_591 : i32 to vector<16xi32>
          %add3A_593 = arith.addi %convert_element_type3A_514, %add3A_592 : vector<16xi32>
          %shift_left3A_594 = arith.constant 23 : i32
          %shift_left3A_595 = vector.broadcast %shift_left3A_594 : i32 to vector<16xi32>
          %shift_left3A_596 = arith.shli %add3A_593, %shift_left3A_595 : vector<16xi32>
          %bitcast3A_597 = vector.bitcast %shift_left3A_596 : vector<16xi32> to vector<16xf32>
          %add3A_598 = arith.constant 127 : i32
          %add3A_599 = vector.broadcast %add3A_598 : i32 to vector<16xi32>
          %add3A_600 = arith.addi %convert_element_type3A_518, %add3A_599 : vector<16xi32>
          %shift_left3A_601 = arith.constant 23 : i32
          %shift_left3A_602 = vector.broadcast %shift_left3A_601 : i32 to vector<16xi32>
          %shift_left3A_603 = arith.shli %add3A_600, %shift_left3A_602 : vector<16xi32>
          %bitcast3A_604 = vector.bitcast %shift_left3A_603 : vector<16xi32> to vector<16xf32>
          %add3A_605 = arith.constant 127 : i32
          %add3A_606 = vector.broadcast %add3A_605 : i32 to vector<16xi32>
          %add3A_607 = arith.addi %convert_element_type3A_522, %add3A_606 : vector<16xi32>
          %shift_left3A_608 = arith.constant 23 : i32
          %shift_left3A_609 = vector.broadcast %shift_left3A_608 : i32 to vector<16xi32>
          %shift_left3A_610 = arith.shli %add3A_607, %shift_left3A_609 : vector<16xi32>
          %bitcast3A_611 = vector.bitcast %shift_left3A_610 : vector<16xi32> to vector<16xf32>
          %add3A_612 = arith.constant 127 : i32
          %add3A_613 = vector.broadcast %add3A_612 : i32 to vector<16xi32>
          %add3A_614 = arith.addi %convert_element_type3A_526, %add3A_613 : vector<16xi32>
          %shift_left3A_615 = arith.constant 23 : i32
          %shift_left3A_616 = vector.broadcast %shift_left3A_615 : i32 to vector<16xi32>
          %shift_left3A_617 = arith.shli %add3A_614, %shift_left3A_616 : vector<16xi32>
          %bitcast3A_618 = vector.bitcast %shift_left3A_617 : vector<16xi32> to vector<16xf32>
          %mul3A_619 = arith.mulf %add3A_578, %bitcast3A_597 : vector<16xf32>
          %swap3A_620 = arith.index_cast %add3A_460 : i32 to index
          %swap3A_621 = arith.constant 0 : index
          %swap3A_622 = tpu.vector_load %arg7[%swap3A_620, %swap3A_621] {strides = array<i32>} : memref<200x64xf32, #tpu.memory_space<vmem>>, vector<16xf32>,
          tpu.vector_store %arg7[%swap3A_620, %swap3A_621], %mul3A_619 {strides = array<i32>} : memref<200x64xf32, #tpu.memory_space<vmem>>, vector<16xf32>,
          %mul3A_623 = arith.mulf %add3A_582, %bitcast3A_604 : vector<16xf32>
          %swap3A_624 = arith.index_cast %add3A_460 : i32 to index
          %swap3A_625 = arith.constant 16 : index
          %swap3A_626 = tpu.vector_load %arg7[%swap3A_624, %swap3A_625] {strides = array<i32>} : memref<200x64xf32, #tpu.memory_space<vmem>>, vector<16xf32>,
          tpu.vector_store %arg7[%swap3A_624, %swap3A_625], %mul3A_623 {strides = array<i32>} : memref<200x64xf32, #tpu.memory_space<vmem>>, vector<16xf32>,
          %mul3A_627 = arith.mulf %add3A_586, %bitcast3A_611 : vector<16xf32>
          %swap3A_628 = arith.index_cast %add3A_460 : i32 to index
          %swap3A_629 = arith.constant 32 : index
          %swap3A_630 = tpu.vector_load %arg7[%swap3A_628, %swap3A_629] {strides = array<i32>} : memref<200x64xf32, #tpu.memory_space<vmem>>, vector<16xf32>,
          tpu.vector_store %arg7[%swap3A_628, %swap3A_629], %mul3A_627 {strides = array<i32>} : memref<200x64xf32, #tpu.memory_space<vmem>>, vector<16xf32>,
          %mul3A_631 = arith.mulf %add3A_590, %bitcast3A_618 : vector<16xf32>
          %swap3A_632 = arith.index_cast %add3A_460 : i32 to index
          %swap3A_633 = arith.constant 48 : index
          %swap3A_634 = tpu.vector_load %arg7[%swap3A_632, %swap3A_633] {strides = array<i32>} : memref<200x64xf32, #tpu.memory_space<vmem>>, vector<16xf32>,
          tpu.vector_store %arg7[%swap3A_632, %swap3A_633], %mul3A_631 {strides = array<i32>} : memref<200x64xf32, #tpu.memory_space<vmem>>, vector<16xf32>,
          %mul3A_635 = arith.constant 4 : i32
          %mul3A_636 = arith.muli %scan3A_109, %mul3A_635 : i32
          %add3A_637 = arith.constant 3 : i32
          %add3A_638 = arith.addi %mul3A_636, %add3A_637 : i32
          %broadcast_in_dim3A_639 = vector.broadcast %add3A_638 : i32 to vector<16xi32>
          %gather3A_640 = tpu.vector_load_idx %arg8[%broadcast_in_dim3A_639] : memref<200xf32, #tpu.memory_space<vmem>>[vector<16xi32>], vector<16xf32>,
          %gather3A_641 = tpu.vector_load_idx %arg9[%broadcast_in_dim3A_639] : memref<200xf32, #tpu.memory_space<vmem>>[vector<16xi32>], vector<16xf32>,
          %div3A_642 = arith.constant 1.44269502 : f32
          %div3A_643 = vector.broadcast %div3A_642 : f32 to vector<16xf32>
          %div3A_644 = arith.divf %div3A_643, %gather3A_641 : vector<16xf32>
          %get3A_645 = arith.index_cast %add3A_638 : i32 to index
          %get3A_646 = arith.constant 0 : index
          %get3A_647 = tpu.vector_load %arg6[%get3A_645, %get3A_646] {strides = array<i32>} : memref<200x64xf32, #tpu.memory_space<vmem>>, vector<16xf32>,
          %get3A_648 = arith.index_cast %add3A_638 : i32 to index
          %get3A_649 = arith.constant 16 : index
          %get3A_650 = tpu.vector_load %arg6[%get3A_648, %get3A_649] {strides = array<i32>} : memref<200x64xf32, #tpu.memory_space<vmem>>, vector<16xf32>,
          %get3A_651 = arith.index_cast %add3A_638 : i32 to index
          %get3A_652 = arith.constant 32 : index
          %get3A_653 = tpu.vector_load %arg6[%get3A_651, %get3A_652] {strides = array<i32>} : memref<200x64xf32, #tpu.memory_space<vmem>>, vector<16xf32>,
          %get3A_654 = arith.index_cast %add3A_638 : i32 to index
          %get3A_655 = arith.constant 48 : index
          %get3A_656 = tpu.vector_load %arg6[%get3A_654, %get3A_655] {strides = array<i32>} : memref<200x64xf32, #tpu.memory_space<vmem>>, vector<16xf32>,
          %sub3A_657 = arith.subf %gather3A_640, %get3A_647 : vector<16xf32>
          %mul3A_658 = arith.mulf %sub3A_657, %div3A_644 : vector<16xf32>
          %min3A_659 = arith.constant 0.000000e+00 : f32
          %min3A_660 = vector.broadcast %min3A_659 : f32 to vector<16xf32>
          %min3A_661 = arith.minimumf %mul3A_658, %min3A_660 : vector<16xf32>
          %sub3A_662 = arith.subf %gather3A_640, %get3A_650 : vector<16xf32>
          %mul3A_663 = arith.mulf %sub3A_662, %div3A_644 : vector<16xf32>
          %min3A_664 = arith.constant 0.000000e+00 : f32
          %min3A_665 = vector.broadcast %min3A_664 : f32 to vector<16xf32>
          %min3A_666 = arith.minimumf %mul3A_663, %min3A_665 : vector<16xf32>
          %sub3A_667 = arith.subf %gather3A_640, %get3A_653 : vector<16xf32>
          %mul3A_668 = arith.mulf %sub3A_667, %div3A_644 : vector<16xf32>
          %min3A_669 = arith.constant 0.000000e+00 : f32
          %min3A_670 = vector.broadcast %min3A_669 : f32 to vector<16xf32>
          %min3A_671 = arith.minimumf %mul3A_668, %min3A_670 : vector<16xf32>
          %sub3A_672 = arith.subf %gather3A_640, %get3A_656 : vector<16xf32>
          %mul3A_673 = arith.mulf %sub3A_672, %div3A_644 : vector<16xf32>
          %min3A_674 = arith.constant 0.000000e+00 : f32
          %min3A_675 = vector.broadcast %min3A_674 : f32 to vector<16xf32>
          %min3A_676 = arith.minimumf %mul3A_673, %min3A_675 : vector<16xf32>
          %max3A_677 = arith.constant -1.260000e+02 : f32
          %max3A_678 = vector.broadcast %max3A_677 : f32 to vector<16xf32>
          %max3A_679 = arith.maximumf %min3A_661, %max3A_678 : vector<16xf32>
          %max3A_680 = arith.constant -1.260000e+02 : f32
          %max3A_681 = vector.broadcast %max3A_680 : f32 to vector<16xf32>
          %max3A_682 = arith.maximumf %min3A_666, %max3A_681 : vector<16xf32>
          %max3A_683 = arith.constant -1.260000e+02 : f32
          %max3A_684 = vector.broadcast %max3A_683 : f32 to vector<16xf32>
          %max3A_685 = arith.maximumf %min3A_671, %max3A_684 : vector<16xf32>
          %max3A_686 = arith.constant -1.260000e+02 : f32
          %max3A_687 = vector.broadcast %max3A_686 : f32 to vector<16xf32>
          %max3A_688 = arith.maximumf %min3A_676, %max3A_687 : vector<16xf32>
          %sub3A_689 = arith.constant 5.000000e-01 : f32
          %sub3A_690 = vector.broadcast %sub3A_689 : f32 to vector<16xf32>
          %sub3A_691 = arith.subf %max3A_679, %sub3A_690 : vector<16xf32>
          %convert_element_type3A_692 = arith.fptosi %sub3A_691 : vector<16xf32> to vector<16xi32>
          %sub3A_693 = arith.constant 5.000000e-01 : f32
          %sub3A_694 = vector.broadcast %sub3A_693 : f32 to vector<16xf32>
          %sub3A_695 = arith.subf %max3A_682, %sub3A_694 : vector<16xf32>
          %convert_element_type3A_696 = arith.fptosi %sub3A_695 : vector<16xf32> to vector<16xi32>
          %sub3A_697 = arith.constant 5.000000e-01 : f32
          %sub3A_698 = vector.broadcast %sub3A_697 : f32 to vector<16xf32>
          %sub3A_699 = arith.subf %max3A_685, %sub3A_698 : vector<16xf32>
          %convert_element_type3A_700 = arith.fptosi %sub3A_699 : vector<16xf32> to vector<16xi32>
          %sub3A_701 = arith.constant 5.000000e-01 : f32
          %sub3A_702 = vector.broadcast %sub3A_701 : f32 to vector<16xf32>
          %sub3A_703 = arith.subf %max3A_688, %sub3A_702 : vector<16xf32>
          %convert_element_type3A_704 = arith.fptosi %sub3A_703 : vector<16xf32> to vector<16xi32>
          %convert_element_type3A_705 = arith.sitofp %convert_element_type3A_692 : vector<16xi32> to vector<16xf32>
          %sub3A_706 = arith.subf %max3A_679, %convert_element_type3A_705 : vector<16xf32>
          %convert_element_type3A_707 = arith.sitofp %convert_element_type3A_696 : vector<16xi32> to vector<16xf32>
          %sub3A_708 = arith.subf %max3A_682, %convert_element_type3A_707 : vector<16xf32>
          %convert_element_type3A_709 = arith.sitofp %convert_element_type3A_700 : vector<16xi32> to vector<16xf32>
          %sub3A_710 = arith.subf %max3A_685, %convert_element_type3A_709 : vector<16xf32>
          %convert_element_type3A_711 = arith.sitofp %convert_element_type3A_704 : vector<16xi32> to vector<16xf32>
          %sub3A_712 = arith.subf %max3A_688, %convert_element_type3A_711 : vector<16xf32>
          %mul3A_713 = arith.constant 0.0558755361 : f32
          %mul3A_714 = vector.broadcast %mul3A_713 : f32 to vector<16xf32>
          %mul3A_715 = arith.mulf %mul3A_714, %sub3A_706 : vector<16xf32>
          %add3A_716 = arith.constant 0.242294624 : f32
          %add3A_717 = vector.broadcast %add3A_716 : f32 to vector<16xf32>
          %add3A_718 = arith.addf %mul3A_715, %add3A_717 : vector<16xf32>
          %mul3A_719 = arith.constant 0.0558755361 : f32
          %mul3A_720 = vector.broadcast %mul3A_719 : f32 to vector<16xf32>
          %mul3A_721 = arith.mulf %mul3A_720, %sub3A_708 : vector<16xf32>
          %add3A_722 = arith.constant 0.242294624 : f32
          %add3A_723 = vector.broadcast %add3A_722 : f32 to vector<16xf32>
          %add3A_724 = arith.addf %mul3A_721, %add3A_723 : vector<16xf32>
          %mul3A_725 = arith.constant 0.0558755361 : f32
          %mul3A_726 = vector.broadcast %mul3A_725 : f32 to vector<16xf32>
          %mul3A_727 = arith.mulf %mul3A_726, %sub3A_710 : vector<16xf32>
          %add3A_728 = arith.constant 0.242294624 : f32
          %add3A_729 = vector.broadcast %add3A_728 : f32 to vector<16xf32>
          %add3A_730 = arith.addf %mul3A_727, %add3A_729 : vector<16xf32>
          %mul3A_731 = arith.constant 0.0558755361 : f32
          %mul3A_732 = vector.broadcast %mul3A_731 : f32 to vector<16xf32>
          %mul3A_733 = arith.mulf %mul3A_732, %sub3A_712 : vector<16xf32>
          %add3A_734 = arith.constant 0.242294624 : f32
          %add3A_735 = vector.broadcast %add3A_734 : f32 to vector<16xf32>
          %add3A_736 = arith.addf %mul3A_733, %add3A_735 : vector<16xf32>
          %mul3A_737 = arith.mulf %add3A_718, %sub3A_706 : vector<16xf32>
          %add3A_738 = arith.constant 0.693127275 : f32
          %add3A_739 = vector.broadcast %add3A_738 : f32 to vector<16xf32>
          %add3A_740 = arith.addf %mul3A_737, %add3A_739 : vector<16xf32>
          %mul3A_741 = arith.mulf %add3A_724, %sub3A_708 : vector<16xf32>
          %add3A_742 = arith.constant 0.693127275 : f32
          %add3A_743 = vector.broadcast %add3A_742 : f32 to vector<16xf32>
          %add3A_744 = arith.addf %mul3A_741, %add3A_743 : vector<16xf32>
          %mul3A_745 = arith.mulf %add3A_730, %sub3A_710 : vector<16xf32>
          %add3A_746 = arith.constant 0.693127275 : f32
          %add3A_747 = vector.broadcast %add3A_746 : f32 to vector<16xf32>
          %add3A_748 = arith.addf %mul3A_745, %add3A_747 : vector<16xf32>
          %mul3A_749 = arith.mulf %add3A_736, %sub3A_712 : vector<16xf32>
          %add3A_750 = arith.constant 0.693127275 : f32
          %add3A_751 = vector.broadcast %add3A_750 : f32 to vector<16xf32>
          %add3A_752 = arith.addf %mul3A_749, %add3A_751 : vector<16xf32>
          %mul3A_753 = arith.mulf %add3A_740, %sub3A_706 : vector<16xf32>
          %add3A_754 = arith.constant 0.999948263 : f32
          %add3A_755 = vector.broadcast %add3A_754 : f32 to vector<16xf32>
          %add3A_756 = arith.addf %mul3A_753, %add3A_755 : vector<16xf32>
          %mul3A_757 = arith.mulf %add3A_744, %sub3A_708 : vector<16xf32>
          %add3A_758 = arith.constant 0.999948263 : f32
          %add3A_759 = vector.broadcast %add3A_758 : f32 to vector<16xf32>
          %add3A_760 = arith.addf %mul3A_757, %add3A_759 : vector<16xf32>
          %mul3A_761 = arith.mulf %add3A_748, %sub3A_710 : vector<16xf32>
          %add3A_762 = arith.constant 0.999948263 : f32
          %add3A_763 = vector.broadcast %add3A_762 : f32 to vector<16xf32>
          %add3A_764 = arith.addf %mul3A_761, %add3A_763 : vector<16xf32>
          %mul3A_765 = arith.mulf %add3A_752, %sub3A_712 : vector<16xf32>
          %add3A_766 = arith.constant 0.999948263 : f32
          %add3A_767 = vector.broadcast %add3A_766 : f32 to vector<16xf32>
          %add3A_768 = arith.addf %mul3A_765, %add3A_767 : vector<16xf32>
          %add3A_769 = arith.constant 127 : i32
          %add3A_770 = vector.broadcast %add3A_769 : i32 to vector<16xi32>
          %add3A_771 = arith.addi %convert_element_type3A_692, %add3A_770 : vector<16xi32>
          %shift_left3A_772 = arith.constant 23 : i32
          %shift_left3A_773 = vector.broadcast %shift_left3A_772 : i32 to vector<16xi32>
          %shift_left3A_774 = arith.shli %add3A_771, %shift_left3A_773 : vector<16xi32>
          %bitcast3A_775 = vector.bitcast %shift_left3A_774 : vector<16xi32> to vector<16xf32>
          %add3A_776 = arith.constant 127 : i32
          %add3A_777 = vector.broadcast %add3A_776 : i32 to vector<16xi32>
          %add3A_778 = arith.addi %convert_element_type3A_696, %add3A_777 : vector<16xi32>
          %shift_left3A_779 = arith.constant 23 : i32
          %shift_left3A_780 = vector.broadcast %shift_left3A_779 : i32 to vector<16xi32>
          %shift_left3A_781 = arith.shli %add3A_778, %shift_left3A_780 : vector<16xi32>
          %bitcast3A_782 = vector.bitcast %shift_left3A_781 : vector<16xi32> to vector<16xf32>
          %add3A_783 = arith.constant 127 : i32
          %add3A_784 = vector.broadcast %add3A_783 : i32 to vector<16xi32>
          %add3A_785 = arith.addi %convert_element_type3A_700, %add3A_784 : vector<16xi32>
          %shift_left3A_786 = arith.constant 23 : i32
          %shift_left3A_787 = vector.broadcast %shift_left3A_786 : i32 to vector<16xi32>
          %shift_left3A_788 = arith.shli %add3A_785, %shift_left3A_787 : vector<16xi32>
          %bitcast3A_789 = vector.bitcast %shift_left3A_788 : vector<16xi32> to vector<16xf32>
          %add3A_790 = arith.constant 127 : i32
          %add3A_791 = vector.broadcast %add3A_790 : i32 to vector<16xi32>
          %add3A_792 = arith.addi %convert_element_type3A_704, %add3A_791 : vector<16xi32>
          %shift_left3A_793 = arith.constant 23 : i32
          %shift_left3A_794 = vector.broadcast %shift_left3A_793 : i32 to vector<16xi32>
          %shift_left3A_795 = arith.shli %add3A_792, %shift_left3A_794 : vector<16xi32>
          %bitcast3A_796 = vector.bitcast %shift_left3A_795 : vector<16xi32> to vector<16xf32>
          %mul3A_797 = arith.mulf %add3A_756, %bitcast3A_775 : vector<16xf32>
          %swap3A_798 = arith.index_cast %add3A_638 : i32 to index
          %swap3A_799 = arith.constant 0 : index
          %swap3A_800 = tpu.vector_load %arg7[%swap3A_798, %swap3A_799] {strides = array<i32>} : memref<200x64xf32, #tpu.memory_space<vmem>>, vector<16xf32>,
          tpu.vector_store %arg7[%swap3A_798, %swap3A_799], %mul3A_797 {strides = array<i32>} : memref<200x64xf32, #tpu.memory_space<vmem>>, vector<16xf32>,
          %mul3A_801 = arith.mulf %add3A_760, %bitcast3A_782 : vector<16xf32>
          %swap3A_802 = arith.index_cast %add3A_638 : i32 to index
          %swap3A_803 = arith.constant 16 : index
          %swap3A_804 = tpu.vector_load %arg7[%swap3A_802, %swap3A_803] {strides = array<i32>} : memref<200x64xf32, #tpu.memory_space<vmem>>, vector<16xf32>,
          tpu.vector_store %arg7[%swap3A_802, %swap3A_803], %mul3A_801 {strides = array<i32>} : memref<200x64xf32, #tpu.memory_space<vmem>>, vector<16xf32>,
          %mul3A_805 = arith.mulf %add3A_764, %bitcast3A_789 : vector<16xf32>
          %swap3A_806 = arith.index_cast %add3A_638 : i32 to index
          %swap3A_807 = arith.constant 32 : index
          %swap3A_808 = tpu.vector_load %arg7[%swap3A_806, %swap3A_807] {strides = array<i32>} : memref<200x64xf32, #tpu.memory_space<vmem>>, vector<16xf32>,
          tpu.vector_store %arg7[%swap3A_806, %swap3A_807], %mul3A_805 {strides = array<i32>} : memref<200x64xf32, #tpu.memory_space<vmem>>, vector<16xf32>,
          %mul3A_809 = arith.mulf %add3A_768, %bitcast3A_796 : vector<16xf32>
          %swap3A_810 = arith.index_cast %add3A_638 : i32 to index
          %swap3A_811 = arith.constant 48 : index
          %swap3A_812 = tpu.vector_load %arg7[%swap3A_810, %swap3A_811] {strides = array<i32>} : memref<200x64xf32, #tpu.memory_space<vmem>>, vector<16xf32>,
          tpu.vector_store %arg7[%swap3A_810, %swap3A_811], %mul3A_809 {strides = array<i32>} : memref<200x64xf32, #tpu.memory_space<vmem>>, vector<16xf32>,
          %scan3A_813 = arith.constant 0 : i32
          scf.yield %scan3A_813 : i32
        }
        %scan3A_95 = arith.constant 50 : i32
        %mul3A_96 = arith.constant 200 : i32
        %mul3A_97 = arith.muli %add3A_55, %mul3A_96 : i32
        %dma_start3A_98 = arith.constant 0 : i32
        %dma_start3A_99 = tpu.memref_slice %arg5[%mul3A_97, %dma_start3A_98] : memref<100000x64xf32, #tpu.memory_space<hbm>> -> memref<200x64xf32, #tpu.memory_space<hbm>>
        %dma_start3A_100 = arith.constant 0 : i32
        %dma_start3A_101 = tpu.memref_slice %arg5[%mul3A_97, %dma_start3A_100] : memref<100000x64xf32, #tpu.memory_space<hbm>> -> memref<200x64xf32, #tpu.memory_space<hbm>>
        tpu.enqueue_dma source(%arg7 : memref<200x64xf32, #tpu.memory_space<vmem>>) target(%dma_start3A_101 : memref<200x64xf32, #tpu.memory_space<hbm>>) target_semaphore(%arg16 : memref<!tpu.dma_semaphore, #tpu.memory_space<semaphore_mem>>)
        %add3A_102 = arith.constant 64 : i32
        %add3A_103 = arith.addi %add3A_55, %add3A_102 : i32
        %lt3A_104 = arith.constant 500 : i32
        %lt3A_105 = arith.cmpi slt, %add3A_103, %lt3A_104 : i32
        %convert_element_type3A_106 = arith.extui %lt3A_105 : i1 to i32
        %cond3A_107 = arith.constant 0 : i32
        %cond3A_108 = arith.cmpi ne, %convert_element_type3A_106, %cond3A_107 : i32
        scf.if %cond3A_108 {
          %add3A_109 = arith.constant 64 : i32
          %add3A_110 = arith.addi %add3A_55, %add3A_109 : i32
          %mul3A_111 = arith.constant 200 : i32
          %mul3A_112 = arith.muli %add3A_110, %mul3A_111 : i32
          %dma_start3A_113 = arith.constant 0 : i32
          %dma_start3A_114 = tpu.memref_slice %arg2[%mul3A_112, %dma_start3A_113] : memref<100000x64xf32, #tpu.memory_space<hbm>> -> memref<200x64xf32, #tpu.memory_space<hbm>>
          %dma_start3A_115 = arith.constant 0 : i32
          %dma_start3A_116 = tpu.memref_slice %arg2[%mul3A_112, %dma_start3A_115] : memref<100000x64xf32, #tpu.memory_space<hbm>> -> memref<200x64xf32, #tpu.memory_space<hbm>>
          tpu.enqueue_dma source(%dma_start3A_116 : memref<200x64xf32, #tpu.memory_space<hbm>>) target(%arg6 : memref<200x64xf32, #tpu.memory_space<vmem>>) target_semaphore(%arg14 : memref<!tpu.dma_semaphore, #tpu.memory_space<semaphore_mem>>)
          %mul3A_117 = arith.constant 200 : i32
          %mul3A_118 = arith.muli %add3A_110, %mul3A_117 : i32
          %dma_start3A_119 = tpu.memref_slice %arg3[%mul3A_118] : memref<100000xf32, #tpu.memory_space<hbm>> -> memref<200xf32, #tpu.memory_space<hbm>>
          %dma_start3A_120 = tpu.memref_slice %arg3[%mul3A_118] : memref<100000xf32, #tpu.memory_space<hbm>> -> memref<200xf32, #tpu.memory_space<hbm>>
          tpu.enqueue_dma source(%dma_start3A_120 : memref<200xf32, #tpu.memory_space<hbm>>) target(%arg8 : memref<200xf32, #tpu.memory_space<vmem>>) target_semaphore(%arg14 : memref<!tpu.dma_semaphore, #tpu.memory_space<semaphore_mem>>)
          %mul3A_121 = arith.constant 200 : i32
          %mul3A_122 = arith.muli %add3A_110, %mul3A_121 : i32
          %dma_start3A_123 = tpu.memref_slice %arg4[%mul3A_122] : memref<100000xf32, #tpu.memory_space<hbm>> -> memref<200xf32, #tpu.memory_space<hbm>>
          %dma_start3A_124 = tpu.memref_slice %arg4[%mul3A_122] : memref<100000xf32, #tpu.memory_space<hbm>> -> memref<200xf32, #tpu.memory_space<hbm>>
          tpu.enqueue_dma source(%dma_start3A_124 : memref<200xf32, #tpu.memory_space<hbm>>) target(%arg9 : memref<200xf32, #tpu.memory_space<vmem>>) target_semaphore(%arg14 : memref<!tpu.dma_semaphore, #tpu.memory_space<semaphore_mem>>)
        } else {
        }
      } else {
      }
      %mul3A_58 = arith.constant 2 : i32
      %mul3A_59 = arith.muli %mul3A_58, %scan3A_47 : i32
      %add3A_60 = arith.constant 1 : i32
      %add3A_61 = arith.addi %mul3A_59, %add3A_60 : i32
      %mul3A_62 = arith.constant 32 : i32
      %mul3A_63 = arith.muli %add3A_61, %mul3A_62 : i32
      %add3A_64 = arith.addi %add3A, %mul3A_63 : i32
      %lt3A_65 = arith.constant 500 : i32
      %lt3A_66 = arith.cmpi slt, %add3A_64, %lt3A_65 : i32
      %convert_element_type3A_67 = arith.extui %lt3A_66 : i1 to i32
      %cond3A_68 = arith.constant 0 : i32
      %cond3A_69 = arith.cmpi ne, %convert_element_type3A_67, %cond3A_68 : i32
      scf.if %cond3A_69 {
        %ge3A = arith.constant 1 : i32
        %ge3A_71 = arith.cmpi sge, %scan3A_47, %ge3A : i32
        %convert_element_type3A_72 = arith.extui %ge3A_71 : i1 to i32
        %cond3A_73 = arith.constant 0 : i32
        %cond3A_74 = arith.cmpi ne, %convert_element_type3A_72, %cond3A_73 : i32
        scf.if %cond3A_74 {
          %dma_wait3A_109 = arith.constant 0 : i32
          %dma_wait3A_110 = arith.constant 0 : i32
          %dma_wait3A_111 = tpu.memref_slice %arg5[%dma_wait3A_109, %dma_wait3A_110] : memref<100000x64xf32, #tpu.memory_space<hbm>> -> memref<200x64xf32, #tpu.memory_space<hbm>>
          %dma_wait3A_112 = arith.constant 0 : i32
          %dma_wait3A_113 = arith.constant 0 : i32
          %dma_wait3A_114 = tpu.memref_slice %arg5[%dma_wait3A_112, %dma_wait3A_113] : memref<100000x64xf32, #tpu.memory_space<hbm>> -> memref<200x64xf32, #tpu.memory_space<hbm>>
          tpu.wait_dma2 semaphore(%arg17 : memref<!tpu.dma_semaphore, #tpu.memory_space<semaphore_mem>>) src(%arg11 : memref<200x64xf32, #tpu.memory_space<vmem>>) dst(%dma_wait3A_114 : memref<200x64xf32, #tpu.memory_space<hbm>>)
        } else {
        }
        %dma_wait3A_75 = arith.constant 0 : i32
        %dma_wait3A_76 = arith.constant 0 : i32
        %dma_wait3A_77 = tpu.memref_slice %arg2[%dma_wait3A_75, %dma_wait3A_76] : memref<100000x64xf32, #tpu.memory_space<hbm>> -> memref<200x64xf32, #tpu.memory_space<hbm>>
        %dma_wait3A_78 = arith.constant 0 : i32
        %dma_wait3A_79 = arith.constant 0 : i32
        %dma_wait3A_80 = tpu.memref_slice %arg2[%dma_wait3A_78, %dma_wait3A_79] : memref<100000x64xf32, #tpu.memory_space<hbm>> -> memref<200x64xf32, #tpu.memory_space<hbm>>
        tpu.wait_dma2 semaphore(%arg15 : memref<!tpu.dma_semaphore, #tpu.memory_space<semaphore_mem>>) src(%dma_wait3A_80 : memref<200x64xf32, #tpu.memory_space<hbm>>) dst(%arg10 : memref<200x64xf32, #tpu.memory_space<vmem>>)
        %dma_wait3A_81 = arith.constant 0 : i32
        %dma_wait3A_82 = tpu.memref_slice %arg3[%dma_wait3A_81] : memref<100000xf32, #tpu.memory_space<hbm>> -> memref<200xf32, #tpu.memory_space<hbm>>
        %dma_wait3A_83 = arith.constant 0 : i32
        %dma_wait3A_84 = tpu.memref_slice %arg3[%dma_wait3A_83] : memref<100000xf32, #tpu.memory_space<hbm>> -> memref<200xf32, #tpu.memory_space<hbm>>
        tpu.wait_dma2 semaphore(%arg15 : memref<!tpu.dma_semaphore, #tpu.memory_space<semaphore_mem>>) src(%dma_wait3A_84 : memref<200xf32, #tpu.memory_space<hbm>>) dst(%arg12 : memref<200xf32, #tpu.memory_space<vmem>>)
        %dma_wait3A_85 = arith.constant 0 : i32
        %dma_wait3A_86 = tpu.memref_slice %arg4[%dma_wait3A_85] : memref<100000xf32, #tpu.memory_space<hbm>> -> memref<200xf32, #tpu.memory_space<hbm>>
        %dma_wait3A_87 = arith.constant 0 : i32
        %dma_wait3A_88 = tpu.memref_slice %arg4[%dma_wait3A_87] : memref<100000xf32, #tpu.memory_space<hbm>> -> memref<200xf32, #tpu.memory_space<hbm>>
        tpu.wait_dma2 semaphore(%arg15 : memref<!tpu.dma_semaphore, #tpu.memory_space<semaphore_mem>>) src(%dma_wait3A_88 : memref<200xf32, #tpu.memory_space<hbm>>) dst(%arg13 : memref<200xf32, #tpu.memory_space<vmem>>)
        %scan3A_89 = arith.constant 0 : i32
        %scan3A_90 = arith.constant 0 : i32
        %scan3A_91 = arith.constant 50 : i32
        %scan3A_92 = arith.addi %scan3A_90, %scan3A_91 : i32
        %scan3A_93 = arith.constant 1 : i32
        %scan3A_94 = scf.for %scan3A_109 = %scan3A_90 to %scan3A_92 step %scan3A_93 iter_args(%scan3A_110 = %scan3A_89) -> (i32)  : i32 {
          %mul3A_111 = arith.constant 4 : i32
          %mul3A_112 = arith.muli %scan3A_109, %mul3A_111 : i32
          %add3A_113 = arith.constant 0 : i32
          %add3A_114 = arith.addi %mul3A_112, %add3A_113 : i32
          %broadcast_in_dim3A = vector.broadcast %add3A_114 : i32 to vector<16xi32>
          %gather3A = tpu.vector_load_idx %arg12[%broadcast_in_dim3A] : memref<200xf32, #tpu.memory_space<vmem>>[vector<16xi32>], vector<16xf32>,
          %gather3A_115 = tpu.vector_load_idx %arg13[%broadcast_in_dim3A] : memref<200xf32, #tpu.memory_space<vmem>>[vector<16xi32>], vector<16xf32>,
          %div3A = arith.constant 1.44269502 : f32
          %div3A_116 = vector.broadcast %div3A : f32 to vector<16xf32>
          %div3A_117 = arith.divf %div3A_116, %gather3A_115 : vector<16xf32>
          %get3A = arith.index_cast %add3A_114 : i32 to index
          %get3A_118 = arith.constant 0 : index
          %get3A_119 = tpu.vector_load %arg10[%get3A, %get3A_118] {strides = array<i32>} : memref<200x64xf32, #tpu.memory_space<vmem>>, vector<16xf32>,
          %get3A_120 = arith.index_cast %add3A_114 : i32 to index
          %get3A_121 = arith.constant 16 : index
          %get3A_122 = tpu.vector_load %arg10[%get3A_120, %get3A_121] {strides = array<i32>} : memref<200x64xf32, #tpu.memory_space<vmem>>, vector<16xf32>,
          %get3A_123 = arith.index_cast %add3A_114 : i32 to index
          %get3A_124 = arith.constant 32 : index
          %get3A_125 = tpu.vector_load %arg10[%get3A_123, %get3A_124] {strides = array<i32>} : memref<200x64xf32, #tpu.memory_space<vmem>>, vector<16xf32>,
          %get3A_126 = arith.index_cast %add3A_114 : i32 to index
          %get3A_127 = arith.constant 48 : index
          %get3A_128 = tpu.vector_load %arg10[%get3A_126, %get3A_127] {strides = array<i32>} : memref<200x64xf32, #tpu.memory_space<vmem>>, vector<16xf32>,
          %sub3A = arith.subf %gather3A, %get3A_119 : vector<16xf32>
          %mul3A_129 = arith.mulf %sub3A, %div3A_117 : vector<16xf32>
          %min3A = arith.constant 0.000000e+00 : f32
          %min3A_130 = vector.broadcast %min3A : f32 to vector<16xf32>
          %min3A_131 = arith.minimumf %mul3A_129, %min3A_130 : vector<16xf32>
          %sub3A_132 = arith.subf %gather3A, %get3A_122 : vector<16xf32>
          %mul3A_133 = arith.mulf %sub3A_132, %div3A_117 : vector<16xf32>
          %min3A_134 = arith.constant 0.000000e+00 : f32
          %min3A_135 = vector.broadcast %min3A_134 : f32 to vector<16xf32>
          %min3A_136 = arith.minimumf %mul3A_133, %min3A_135 : vector<16xf32>
          %sub3A_137 = arith.subf %gather3A, %get3A_125 : vector<16xf32>
          %mul3A_138 = arith.mulf %sub3A_137, %div3A_117 : vector<16xf32>
          %min3A_139 = arith.constant 0.000000e+00 : f32
          %min3A_140 = vector.broadcast %min3A_139 : f32 to vector<16xf32>
          %min3A_141 = arith.minimumf %mul3A_138, %min3A_140 : vector<16xf32>
          %sub3A_142 = arith.subf %gather3A, %get3A_128 : vector<16xf32>
          %mul3A_143 = arith.mulf %sub3A_142, %div3A_117 : vector<16xf32>
          %min3A_144 = arith.constant 0.000000e+00 : f32
          %min3A_145 = vector.broadcast %min3A_144 : f32 to vector<16xf32>
          %min3A_146 = arith.minimumf %mul3A_143, %min3A_145 : vector<16xf32>
          %max3A = arith.constant -1.260000e+02 : f32
          %max3A_147 = vector.broadcast %max3A : f32 to vector<16xf32>
          %max3A_148 = arith.maximumf %min3A_131, %max3A_147 : vector<16xf32>
          %max3A_149 = arith.constant -1.260000e+02 : f32
          %max3A_150 = vector.broadcast %max3A_149 : f32 to vector<16xf32>
          %max3A_151 = arith.maximumf %min3A_136, %max3A_150 : vector<16xf32>
          %max3A_152 = arith.constant -1.260000e+02 : f32
          %max3A_153 = vector.broadcast %max3A_152 : f32 to vector<16xf32>
          %max3A_154 = arith.maximumf %min3A_141, %max3A_153 : vector<16xf32>
          %max3A_155 = arith.constant -1.260000e+02 : f32
          %max3A_156 = vector.broadcast %max3A_155 : f32 to vector<16xf32>
          %max3A_157 = arith.maximumf %min3A_146, %max3A_156 : vector<16xf32>
          %sub3A_158 = arith.constant 5.000000e-01 : f32
          %sub3A_159 = vector.broadcast %sub3A_158 : f32 to vector<16xf32>
          %sub3A_160 = arith.subf %max3A_148, %sub3A_159 : vector<16xf32>
          %convert_element_type3A_161 = arith.fptosi %sub3A_160 : vector<16xf32> to vector<16xi32>
          %sub3A_162 = arith.constant 5.000000e-01 : f32
          %sub3A_163 = vector.broadcast %sub3A_162 : f32 to vector<16xf32>
          %sub3A_164 = arith.subf %max3A_151, %sub3A_163 : vector<16xf32>
          %convert_element_type3A_165 = arith.fptosi %sub3A_164 : vector<16xf32> to vector<16xi32>
          %sub3A_166 = arith.constant 5.000000e-01 : f32
          %sub3A_167 = vector.broadcast %sub3A_166 : f32 to vector<16xf32>
          %sub3A_168 = arith.subf %max3A_154, %sub3A_167 : vector<16xf32>
          %convert_element_type3A_169 = arith.fptosi %sub3A_168 : vector<16xf32> to vector<16xi32>
          %sub3A_170 = arith.constant 5.000000e-01 : f32
          %sub3A_171 = vector.broadcast %sub3A_170 : f32 to vector<16xf32>
          %sub3A_172 = arith.subf %max3A_157, %sub3A_171 : vector<16xf32>
          %convert_element_type3A_173 = arith.fptosi %sub3A_172 : vector<16xf32> to vector<16xi32>
          %convert_element_type3A_174 = arith.sitofp %convert_element_type3A_161 : vector<16xi32> to vector<16xf32>
          %sub3A_175 = arith.subf %max3A_148, %convert_element_type3A_174 : vector<16xf32>
          %convert_element_type3A_176 = arith.sitofp %convert_element_type3A_165 : vector<16xi32> to vector<16xf32>
          %sub3A_177 = arith.subf %max3A_151, %convert_element_type3A_176 : vector<16xf32>
          %convert_element_type3A_178 = arith.sitofp %convert_element_type3A_169 : vector<16xi32> to vector<16xf32>
          %sub3A_179 = arith.subf %max3A_154, %convert_element_type3A_178 : vector<16xf32>
          %convert_element_type3A_180 = arith.sitofp %convert_element_type3A_173 : vector<16xi32> to vector<16xf32>
          %sub3A_181 = arith.subf %max3A_157, %convert_element_type3A_180 : vector<16xf32>
          %mul3A_182 = arith.constant 0.0558755361 : f32
          %mul3A_183 = vector.broadcast %mul3A_182 : f32 to vector<16xf32>
          %mul3A_184 = arith.mulf %mul3A_183, %sub3A_175 : vector<16xf32>
          %add3A_185 = arith.constant 0.242294624 : f32
          %add3A_186 = vector.broadcast %add3A_185 : f32 to vector<16xf32>
          %add3A_187 = arith.addf %mul3A_184, %add3A_186 : vector<16xf32>
          %mul3A_188 = arith.constant 0.0558755361 : f32
          %mul3A_189 = vector.broadcast %mul3A_188 : f32 to vector<16xf32>
          %mul3A_190 = arith.mulf %mul3A_189, %sub3A_177 : vector<16xf32>
          %add3A_191 = arith.constant 0.242294624 : f32
          %add3A_192 = vector.broadcast %add3A_191 : f32 to vector<16xf32>
          %add3A_193 = arith.addf %mul3A_190, %add3A_192 : vector<16xf32>
          %mul3A_194 = arith.constant 0.0558755361 : f32
          %mul3A_195 = vector.broadcast %mul3A_194 : f32 to vector<16xf32>
          %mul3A_196 = arith.mulf %mul3A_195, %sub3A_179 : vector<16xf32>
          %add3A_197 = arith.constant 0.242294624 : f32
          %add3A_198 = vector.broadcast %add3A_197 : f32 to vector<16xf32>
          %add3A_199 = arith.addf %mul3A_196, %add3A_198 : vector<16xf32>
          %mul3A_200 = arith.constant 0.0558755361 : f32
          %mul3A_201 = vector.broadcast %mul3A_200 : f32 to vector<16xf32>
          %mul3A_202 = arith.mulf %mul3A_201, %sub3A_181 : vector<16xf32>
          %add3A_203 = arith.constant 0.242294624 : f32
          %add3A_204 = vector.broadcast %add3A_203 : f32 to vector<16xf32>
          %add3A_205 = arith.addf %mul3A_202, %add3A_204 : vector<16xf32>
          %mul3A_206 = arith.mulf %add3A_187, %sub3A_175 : vector<16xf32>
          %add3A_207 = arith.constant 0.693127275 : f32
          %add3A_208 = vector.broadcast %add3A_207 : f32 to vector<16xf32>
          %add3A_209 = arith.addf %mul3A_206, %add3A_208 : vector<16xf32>
          %mul3A_210 = arith.mulf %add3A_193, %sub3A_177 : vector<16xf32>
          %add3A_211 = arith.constant 0.693127275 : f32
          %add3A_212 = vector.broadcast %add3A_211 : f32 to vector<16xf32>
          %add3A_213 = arith.addf %mul3A_210, %add3A_212 : vector<16xf32>
          %mul3A_214 = arith.mulf %add3A_199, %sub3A_179 : vector<16xf32>
          %add3A_215 = arith.constant 0.693127275 : f32
          %add3A_216 = vector.broadcast %add3A_215 : f32 to vector<16xf32>
          %add3A_217 = arith.addf %mul3A_214, %add3A_216 : vector<16xf32>
          %mul3A_218 = arith.mulf %add3A_205, %sub3A_181 : vector<16xf32>
          %add3A_219 = arith.constant 0.693127275 : f32
          %add3A_220 = vector.broadcast %add3A_219 : f32 to vector<16xf32>
          %add3A_221 = arith.addf %mul3A_218, %add3A_220 : vector<16xf32>
          %mul3A_222 = arith.mulf %add3A_209, %sub3A_175 : vector<16xf32>
          %add3A_223 = arith.constant 0.999948263 : f32
          %add3A_224 = vector.broadcast %add3A_223 : f32 to vector<16xf32>
          %add3A_225 = arith.addf %mul3A_222, %add3A_224 : vector<16xf32>
          %mul3A_226 = arith.mulf %add3A_213, %sub3A_177 : vector<16xf32>
          %add3A_227 = arith.constant 0.999948263 : f32
          %add3A_228 = vector.broadcast %add3A_227 : f32 to vector<16xf32>
          %add3A_229 = arith.addf %mul3A_226, %add3A_228 : vector<16xf32>
          %mul3A_230 = arith.mulf %add3A_217, %sub3A_179 : vector<16xf32>
          %add3A_231 = arith.constant 0.999948263 : f32
          %add3A_232 = vector.broadcast %add3A_231 : f32 to vector<16xf32>
          %add3A_233 = arith.addf %mul3A_230, %add3A_232 : vector<16xf32>
          %mul3A_234 = arith.mulf %add3A_221, %sub3A_181 : vector<16xf32>
          %add3A_235 = arith.constant 0.999948263 : f32
          %add3A_236 = vector.broadcast %add3A_235 : f32 to vector<16xf32>
          %add3A_237 = arith.addf %mul3A_234, %add3A_236 : vector<16xf32>
          %add3A_238 = arith.constant 127 : i32
          %add3A_239 = vector.broadcast %add3A_238 : i32 to vector<16xi32>
          %add3A_240 = arith.addi %convert_element_type3A_161, %add3A_239 : vector<16xi32>
          %shift_left3A = arith.constant 23 : i32
          %shift_left3A_241 = vector.broadcast %shift_left3A : i32 to vector<16xi32>
          %shift_left3A_242 = arith.shli %add3A_240, %shift_left3A_241 : vector<16xi32>
          %bitcast3A = vector.bitcast %shift_left3A_242 : vector<16xi32> to vector<16xf32>
          %add3A_243 = arith.constant 127 : i32
          %add3A_244 = vector.broadcast %add3A_243 : i32 to vector<16xi32>
          %add3A_245 = arith.addi %convert_element_type3A_165, %add3A_244 : vector<16xi32>
          %shift_left3A_246 = arith.constant 23 : i32
          %shift_left3A_247 = vector.broadcast %shift_left3A_246 : i32 to vector<16xi32>
          %shift_left3A_248 = arith.shli %add3A_245, %shift_left3A_247 : vector<16xi32>
          %bitcast3A_249 = vector.bitcast %shift_left3A_248 : vector<16xi32> to vector<16xf32>
          %add3A_250 = arith.constant 127 : i32
          %add3A_251 = vector.broadcast %add3A_250 : i32 to vector<16xi32>
          %add3A_252 = arith.addi %convert_element_type3A_169, %add3A_251 : vector<16xi32>
          %shift_left3A_253 = arith.constant 23 : i32
          %shift_left3A_254 = vector.broadcast %shift_left3A_253 : i32 to vector<16xi32>
          %shift_left3A_255 = arith.shli %add3A_252, %shift_left3A_254 : vector<16xi32>
          %bitcast3A_256 = vector.bitcast %shift_left3A_255 : vector<16xi32> to vector<16xf32>
          %add3A_257 = arith.constant 127 : i32
          %add3A_258 = vector.broadcast %add3A_257 : i32 to vector<16xi32>
          %add3A_259 = arith.addi %convert_element_type3A_173, %add3A_258 : vector<16xi32>
          %shift_left3A_260 = arith.constant 23 : i32
          %shift_left3A_261 = vector.broadcast %shift_left3A_260 : i32 to vector<16xi32>
          %shift_left3A_262 = arith.shli %add3A_259, %shift_left3A_261 : vector<16xi32>
          %bitcast3A_263 = vector.bitcast %shift_left3A_262 : vector<16xi32> to vector<16xf32>
          %mul3A_264 = arith.mulf %add3A_225, %bitcast3A : vector<16xf32>
          %swap3A = arith.index_cast %add3A_114 : i32 to index
          %swap3A_265 = arith.constant 0 : index
          %swap3A_266 = tpu.vector_load %arg11[%swap3A, %swap3A_265] {strides = array<i32>} : memref<200x64xf32, #tpu.memory_space<vmem>>, vector<16xf32>,
          tpu.vector_store %arg11[%swap3A, %swap3A_265], %mul3A_264 {strides = array<i32>} : memref<200x64xf32, #tpu.memory_space<vmem>>, vector<16xf32>,
          %mul3A_267 = arith.mulf %add3A_229, %bitcast3A_249 : vector<16xf32>
          %swap3A_268 = arith.index_cast %add3A_114 : i32 to index
          %swap3A_269 = arith.constant 16 : index
          %swap3A_270 = tpu.vector_load %arg11[%swap3A_268, %swap3A_269] {strides = array<i32>} : memref<200x64xf32, #tpu.memory_space<vmem>>, vector<16xf32>,
          tpu.vector_store %arg11[%swap3A_268, %swap3A_269], %mul3A_267 {strides = array<i32>} : memref<200x64xf32, #tpu.memory_space<vmem>>, vector<16xf32>,
          %mul3A_271 = arith.mulf %add3A_233, %bitcast3A_256 : vector<16xf32>
          %swap3A_272 = arith.index_cast %add3A_114 : i32 to index
          %swap3A_273 = arith.constant 32 : index
          %swap3A_274 = tpu.vector_load %arg11[%swap3A_272, %swap3A_273] {strides = array<i32>} : memref<200x64xf32, #tpu.memory_space<vmem>>, vector<16xf32>,
          tpu.vector_store %arg11[%swap3A_272, %swap3A_273], %mul3A_271 {strides = array<i32>} : memref<200x64xf32, #tpu.memory_space<vmem>>, vector<16xf32>,
          %mul3A_275 = arith.mulf %add3A_237, %bitcast3A_263 : vector<16xf32>
          %swap3A_276 = arith.index_cast %add3A_114 : i32 to index
          %swap3A_277 = arith.constant 48 : index
          %swap3A_278 = tpu.vector_load %arg11[%swap3A_276, %swap3A_277] {strides = array<i32>} : memref<200x64xf32, #tpu.memory_space<vmem>>, vector<16xf32>,
          tpu.vector_store %arg11[%swap3A_276, %swap3A_277], %mul3A_275 {strides = array<i32>} : memref<200x64xf32, #tpu.memory_space<vmem>>, vector<16xf32>,
          %mul3A_279 = arith.constant 4 : i32
          %mul3A_280 = arith.muli %scan3A_109, %mul3A_279 : i32
          %add3A_281 = arith.constant 1 : i32
          %add3A_282 = arith.addi %mul3A_280, %add3A_281 : i32
          %broadcast_in_dim3A_283 = vector.broadcast %add3A_282 : i32 to vector<16xi32>
          %gather3A_284 = tpu.vector_load_idx %arg12[%broadcast_in_dim3A_283] : memref<200xf32, #tpu.memory_space<vmem>>[vector<16xi32>], vector<16xf32>,
          %gather3A_285 = tpu.vector_load_idx %arg13[%broadcast_in_dim3A_283] : memref<200xf32, #tpu.memory_space<vmem>>[vector<16xi32>], vector<16xf32>,
          %div3A_286 = arith.constant 1.44269502 : f32
          %div3A_287 = vector.broadcast %div3A_286 : f32 to vector<16xf32>
          %div3A_288 = arith.divf %div3A_287, %gather3A_285 : vector<16xf32>
          %get3A_289 = arith.index_cast %add3A_282 : i32 to index
          %get3A_290 = arith.constant 0 : index
          %get3A_291 = tpu.vector_load %arg10[%get3A_289, %get3A_290] {strides = array<i32>} : memref<200x64xf32, #tpu.memory_space<vmem>>, vector<16xf32>,
          %get3A_292 = arith.index_cast %add3A_282 : i32 to index
          %get3A_293 = arith.constant 16 : index
          %get3A_294 = tpu.vector_load %arg10[%get3A_292, %get3A_293] {strides = array<i32>} : memref<200x64xf32, #tpu.memory_space<vmem>>, vector<16xf32>,
          %get3A_295 = arith.index_cast %add3A_282 : i32 to index
          %get3A_296 = arith.constant 32 : index
          %get3A_297 = tpu.vector_load %arg10[%get3A_295, %get3A_296] {strides = array<i32>} : memref<200x64xf32, #tpu.memory_space<vmem>>, vector<16xf32>,
          %get3A_298 = arith.index_cast %add3A_282 : i32 to index
          %get3A_299 = arith.constant 48 : index
          %get3A_300 = tpu.vector_load %arg10[%get3A_298, %get3A_299] {strides = array<i32>} : memref<200x64xf32, #tpu.memory_space<vmem>>, vector<16xf32>,
          %sub3A_301 = arith.subf %gather3A_284, %get3A_291 : vector<16xf32>
          %mul3A_302 = arith.mulf %sub3A_301, %div3A_288 : vector<16xf32>
          %min3A_303 = arith.constant 0.000000e+00 : f32
          %min3A_304 = vector.broadcast %min3A_303 : f32 to vector<16xf32>
          %min3A_305 = arith.minimumf %mul3A_302, %min3A_304 : vector<16xf32>
          %sub3A_306 = arith.subf %gather3A_284, %get3A_294 : vector<16xf32>
          %mul3A_307 = arith.mulf %sub3A_306, %div3A_288 : vector<16xf32>
          %min3A_308 = arith.constant 0.000000e+00 : f32
          %min3A_309 = vector.broadcast %min3A_308 : f32 to vector<16xf32>
          %min3A_310 = arith.minimumf %mul3A_307, %min3A_309 : vector<16xf32>
          %sub3A_311 = arith.subf %gather3A_284, %get3A_297 : vector<16xf32>
          %mul3A_312 = arith.mulf %sub3A_311, %div3A_288 : vector<16xf32>
          %min3A_313 = arith.constant 0.000000e+00 : f32
          %min3A_314 = vector.broadcast %min3A_313 : f32 to vector<16xf32>
          %min3A_315 = arith.minimumf %mul3A_312, %min3A_314 : vector<16xf32>
          %sub3A_316 = arith.subf %gather3A_284, %get3A_300 : vector<16xf32>
          %mul3A_317 = arith.mulf %sub3A_316, %div3A_288 : vector<16xf32>
          %min3A_318 = arith.constant 0.000000e+00 : f32
          %min3A_319 = vector.broadcast %min3A_318 : f32 to vector<16xf32>
          %min3A_320 = arith.minimumf %mul3A_317, %min3A_319 : vector<16xf32>
          %max3A_321 = arith.constant -1.260000e+02 : f32
          %max3A_322 = vector.broadcast %max3A_321 : f32 to vector<16xf32>
          %max3A_323 = arith.maximumf %min3A_305, %max3A_322 : vector<16xf32>
          %max3A_324 = arith.constant -1.260000e+02 : f32
          %max3A_325 = vector.broadcast %max3A_324 : f32 to vector<16xf32>
          %max3A_326 = arith.maximumf %min3A_310, %max3A_325 : vector<16xf32>
          %max3A_327 = arith.constant -1.260000e+02 : f32
          %max3A_328 = vector.broadcast %max3A_327 : f32 to vector<16xf32>
          %max3A_329 = arith.maximumf %min3A_315, %max3A_328 : vector<16xf32>
          %max3A_330 = arith.constant -1.260000e+02 : f32
          %max3A_331 = vector.broadcast %max3A_330 : f32 to vector<16xf32>
          %max3A_332 = arith.maximumf %min3A_320, %max3A_331 : vector<16xf32>
          %sub3A_333 = arith.constant 5.000000e-01 : f32
          %sub3A_334 = vector.broadcast %sub3A_333 : f32 to vector<16xf32>
          %sub3A_335 = arith.subf %max3A_323, %sub3A_334 : vector<16xf32>
          %convert_element_type3A_336 = arith.fptosi %sub3A_335 : vector<16xf32> to vector<16xi32>
          %sub3A_337 = arith.constant 5.000000e-01 : f32
          %sub3A_338 = vector.broadcast %sub3A_337 : f32 to vector<16xf32>
          %sub3A_339 = arith.subf %max3A_326, %sub3A_338 : vector<16xf32>
          %convert_element_type3A_340 = arith.fptosi %sub3A_339 : vector<16xf32> to vector<16xi32>
          %sub3A_341 = arith.constant 5.000000e-01 : f32
          %sub3A_342 = vector.broadcast %sub3A_341 : f32 to vector<16xf32>
          %sub3A_343 = arith.subf %max3A_329, %sub3A_342 : vector<16xf32>
          %convert_element_type3A_344 = arith.fptosi %sub3A_343 : vector<16xf32> to vector<16xi32>
          %sub3A_345 = arith.constant 5.000000e-01 : f32
          %sub3A_346 = vector.broadcast %sub3A_345 : f32 to vector<16xf32>
          %sub3A_347 = arith.subf %max3A_332, %sub3A_346 : vector<16xf32>
          %convert_element_type3A_348 = arith.fptosi %sub3A_347 : vector<16xf32> to vector<16xi32>
          %convert_element_type3A_349 = arith.sitofp %convert_element_type3A_336 : vector<16xi32> to vector<16xf32>
          %sub3A_350 = arith.subf %max3A_323, %convert_element_type3A_349 : vector<16xf32>
          %convert_element_type3A_351 = arith.sitofp %convert_element_type3A_340 : vector<16xi32> to vector<16xf32>
          %sub3A_352 = arith.subf %max3A_326, %convert_element_type3A_351 : vector<16xf32>
          %convert_element_type3A_353 = arith.sitofp %convert_element_type3A_344 : vector<16xi32> to vector<16xf32>
          %sub3A_354 = arith.subf %max3A_329, %convert_element_type3A_353 : vector<16xf32>
          %convert_element_type3A_355 = arith.sitofp %convert_element_type3A_348 : vector<16xi32> to vector<16xf32>
          %sub3A_356 = arith.subf %max3A_332, %convert_element_type3A_355 : vector<16xf32>
          %mul3A_357 = arith.constant 0.0558755361 : f32
          %mul3A_358 = vector.broadcast %mul3A_357 : f32 to vector<16xf32>
          %mul3A_359 = arith.mulf %mul3A_358, %sub3A_350 : vector<16xf32>
          %add3A_360 = arith.constant 0.242294624 : f32
          %add3A_361 = vector.broadcast %add3A_360 : f32 to vector<16xf32>
          %add3A_362 = arith.addf %mul3A_359, %add3A_361 : vector<16xf32>
          %mul3A_363 = arith.constant 0.0558755361 : f32
          %mul3A_364 = vector.broadcast %mul3A_363 : f32 to vector<16xf32>
          %mul3A_365 = arith.mulf %mul3A_364, %sub3A_352 : vector<16xf32>
          %add3A_366 = arith.constant 0.242294624 : f32
          %add3A_367 = vector.broadcast %add3A_366 : f32 to vector<16xf32>
          %add3A_368 = arith.addf %mul3A_365, %add3A_367 : vector<16xf32>
          %mul3A_369 = arith.constant 0.0558755361 : f32
          %mul3A_370 = vector.broadcast %mul3A_369 : f32 to vector<16xf32>
          %mul3A_371 = arith.mulf %mul3A_370, %sub3A_354 : vector<16xf32>
          %add3A_372 = arith.constant 0.242294624 : f32
          %add3A_373 = vector.broadcast %add3A_372 : f32 to vector<16xf32>
          %add3A_374 = arith.addf %mul3A_371, %add3A_373 : vector<16xf32>
          %mul3A_375 = arith.constant 0.0558755361 : f32
          %mul3A_376 = vector.broadcast %mul3A_375 : f32 to vector<16xf32>
          %mul3A_377 = arith.mulf %mul3A_376, %sub3A_356 : vector<16xf32>
          %add3A_378 = arith.constant 0.242294624 : f32
          %add3A_379 = vector.broadcast %add3A_378 : f32 to vector<16xf32>
          %add3A_380 = arith.addf %mul3A_377, %add3A_379 : vector<16xf32>
          %mul3A_381 = arith.mulf %add3A_362, %sub3A_350 : vector<16xf32>
          %add3A_382 = arith.constant 0.693127275 : f32
          %add3A_383 = vector.broadcast %add3A_382 : f32 to vector<16xf32>
          %add3A_384 = arith.addf %mul3A_381, %add3A_383 : vector<16xf32>
          %mul3A_385 = arith.mulf %add3A_368, %sub3A_352 : vector<16xf32>
          %add3A_386 = arith.constant 0.693127275 : f32
          %add3A_387 = vector.broadcast %add3A_386 : f32 to vector<16xf32>
          %add3A_388 = arith.addf %mul3A_385, %add3A_387 : vector<16xf32>
          %mul3A_389 = arith.mulf %add3A_374, %sub3A_354 : vector<16xf32>
          %add3A_390 = arith.constant 0.693127275 : f32
          %add3A_391 = vector.broadcast %add3A_390 : f32 to vector<16xf32>
          %add3A_392 = arith.addf %mul3A_389, %add3A_391 : vector<16xf32>
          %mul3A_393 = arith.mulf %add3A_380, %sub3A_356 : vector<16xf32>
          %add3A_394 = arith.constant 0.693127275 : f32
          %add3A_395 = vector.broadcast %add3A_394 : f32 to vector<16xf32>
          %add3A_396 = arith.addf %mul3A_393, %add3A_395 : vector<16xf32>
          %mul3A_397 = arith.mulf %add3A_384, %sub3A_350 : vector<16xf32>
          %add3A_398 = arith.constant 0.999948263 : f32
          %add3A_399 = vector.broadcast %add3A_398 : f32 to vector<16xf32>
          %add3A_400 = arith.addf %mul3A_397, %add3A_399 : vector<16xf32>
          %mul3A_401 = arith.mulf %add3A_388, %sub3A_352 : vector<16xf32>
          %add3A_402 = arith.constant 0.999948263 : f32
          %add3A_403 = vector.broadcast %add3A_402 : f32 to vector<16xf32>
          %add3A_404 = arith.addf %mul3A_401, %add3A_403 : vector<16xf32>
          %mul3A_405 = arith.mulf %add3A_392, %sub3A_354 : vector<16xf32>
          %add3A_406 = arith.constant 0.999948263 : f32
          %add3A_407 = vector.broadcast %add3A_406 : f32 to vector<16xf32>
          %add3A_408 = arith.addf %mul3A_405, %add3A_407 : vector<16xf32>
          %mul3A_409 = arith.mulf %add3A_396, %sub3A_356 : vector<16xf32>
          %add3A_410 = arith.constant 0.999948263 : f32
          %add3A_411 = vector.broadcast %add3A_410 : f32 to vector<16xf32>
          %add3A_412 = arith.addf %mul3A_409, %add3A_411 : vector<16xf32>
          %add3A_413 = arith.constant 127 : i32
          %add3A_414 = vector.broadcast %add3A_413 : i32 to vector<16xi32>
          %add3A_415 = arith.addi %convert_element_type3A_336, %add3A_414 : vector<16xi32>
          %shift_left3A_416 = arith.constant 23 : i32
          %shift_left3A_417 = vector.broadcast %shift_left3A_416 : i32 to vector<16xi32>
          %shift_left3A_418 = arith.shli %add3A_415, %shift_left3A_417 : vector<16xi32>
          %bitcast3A_419 = vector.bitcast %shift_left3A_418 : vector<16xi32> to vector<16xf32>
          %add3A_420 = arith.constant 127 : i32
          %add3A_421 = vector.broadcast %add3A_420 : i32 to vector<16xi32>
          %add3A_422 = arith.addi %convert_element_type3A_340, %add3A_421 : vector<16xi32>
          %shift_left3A_423 = arith.constant 23 : i32
          %shift_left3A_424 = vector.broadcast %shift_left3A_423 : i32 to vector<16xi32>
          %shift_left3A_425 = arith.shli %add3A_422, %shift_left3A_424 : vector<16xi32>
          %bitcast3A_426 = vector.bitcast %shift_left3A_425 : vector<16xi32> to vector<16xf32>
          %add3A_427 = arith.constant 127 : i32
          %add3A_428 = vector.broadcast %add3A_427 : i32 to vector<16xi32>
          %add3A_429 = arith.addi %convert_element_type3A_344, %add3A_428 : vector<16xi32>
          %shift_left3A_430 = arith.constant 23 : i32
          %shift_left3A_431 = vector.broadcast %shift_left3A_430 : i32 to vector<16xi32>
          %shift_left3A_432 = arith.shli %add3A_429, %shift_left3A_431 : vector<16xi32>
          %bitcast3A_433 = vector.bitcast %shift_left3A_432 : vector<16xi32> to vector<16xf32>
          %add3A_434 = arith.constant 127 : i32
          %add3A_435 = vector.broadcast %add3A_434 : i32 to vector<16xi32>
          %add3A_436 = arith.addi %convert_element_type3A_348, %add3A_435 : vector<16xi32>
          %shift_left3A_437 = arith.constant 23 : i32
          %shift_left3A_438 = vector.broadcast %shift_left3A_437 : i32 to vector<16xi32>
          %shift_left3A_439 = arith.shli %add3A_436, %shift_left3A_438 : vector<16xi32>
          %bitcast3A_440 = vector.bitcast %shift_left3A_439 : vector<16xi32> to vector<16xf32>
          %mul3A_441 = arith.mulf %add3A_400, %bitcast3A_419 : vector<16xf32>
          %swap3A_442 = arith.index_cast %add3A_282 : i32 to index
          %swap3A_443 = arith.constant 0 : index
          %swap3A_444 = tpu.vector_load %arg11[%swap3A_442, %swap3A_443] {strides = array<i32>} : memref<200x64xf32, #tpu.memory_space<vmem>>, vector<16xf32>,
          tpu.vector_store %arg11[%swap3A_442, %swap3A_443], %mul3A_441 {strides = array<i32>} : memref<200x64xf32, #tpu.memory_space<vmem>>, vector<16xf32>,
          %mul3A_445 = arith.mulf %add3A_404, %bitcast3A_426 : vector<16xf32>
          %swap3A_446 = arith.index_cast %add3A_282 : i32 to index
          %swap3A_447 = arith.constant 16 : index
          %swap3A_448 = tpu.vector_load %arg11[%swap3A_446, %swap3A_447] {strides = array<i32>} : memref<200x64xf32, #tpu.memory_space<vmem>>, vector<16xf32>,
          tpu.vector_store %arg11[%swap3A_446, %swap3A_447], %mul3A_445 {strides = array<i32>} : memref<200x64xf32, #tpu.memory_space<vmem>>, vector<16xf32>,
          %mul3A_449 = arith.mulf %add3A_408, %bitcast3A_433 : vector<16xf32>
          %swap3A_450 = arith.index_cast %add3A_282 : i32 to index
          %swap3A_451 = arith.constant 32 : index
          %swap3A_452 = tpu.vector_load %arg11[%swap3A_450, %swap3A_451] {strides = array<i32>} : memref<200x64xf32, #tpu.memory_space<vmem>>, vector<16xf32>,
          tpu.vector_store %arg11[%swap3A_450, %swap3A_451], %mul3A_449 {strides = array<i32>} : memref<200x64xf32, #tpu.memory_space<vmem>>, vector<16xf32>,
          %mul3A_453 = arith.mulf %add3A_412, %bitcast3A_440 : vector<16xf32>
          %swap3A_454 = arith.index_cast %add3A_282 : i32 to index
          %swap3A_455 = arith.constant 48 : index
          %swap3A_456 = tpu.vector_load %arg11[%swap3A_454, %swap3A_455] {strides = array<i32>} : memref<200x64xf32, #tpu.memory_space<vmem>>, vector<16xf32>,
          tpu.vector_store %arg11[%swap3A_454, %swap3A_455], %mul3A_453 {strides = array<i32>} : memref<200x64xf32, #tpu.memory_space<vmem>>, vector<16xf32>,
          %mul3A_457 = arith.constant 4 : i32
          %mul3A_458 = arith.muli %scan3A_109, %mul3A_457 : i32
          %add3A_459 = arith.constant 2 : i32
          %add3A_460 = arith.addi %mul3A_458, %add3A_459 : i32
          %broadcast_in_dim3A_461 = vector.broadcast %add3A_460 : i32 to vector<16xi32>
          %gather3A_462 = tpu.vector_load_idx %arg12[%broadcast_in_dim3A_461] : memref<200xf32, #tpu.memory_space<vmem>>[vector<16xi32>], vector<16xf32>,
          %gather3A_463 = tpu.vector_load_idx %arg13[%broadcast_in_dim3A_461] : memref<200xf32, #tpu.memory_space<vmem>>[vector<16xi32>], vector<16xf32>,
          %div3A_464 = arith.constant 1.44269502 : f32
          %div3A_465 = vector.broadcast %div3A_464 : f32 to vector<16xf32>
          %div3A_466 = arith.divf %div3A_465, %gather3A_463 : vector<16xf32>
          %get3A_467 = arith.index_cast %add3A_460 : i32 to index
          %get3A_468 = arith.constant 0 : index
          %get3A_469 = tpu.vector_load %arg10[%get3A_467, %get3A_468] {strides = array<i32>} : memref<200x64xf32, #tpu.memory_space<vmem>>, vector<16xf32>,
          %get3A_470 = arith.index_cast %add3A_460 : i32 to index
          %get3A_471 = arith.constant 16 : index
          %get3A_472 = tpu.vector_load %arg10[%get3A_470, %get3A_471] {strides = array<i32>} : memref<200x64xf32, #tpu.memory_space<vmem>>, vector<16xf32>,
          %get3A_473 = arith.index_cast %add3A_460 : i32 to index
          %get3A_474 = arith.constant 32 : index
          %get3A_475 = tpu.vector_load %arg10[%get3A_473, %get3A_474] {strides = array<i32>} : memref<200x64xf32, #tpu.memory_space<vmem>>, vector<16xf32>,
          %get3A_476 = arith.index_cast %add3A_460 : i32 to index
          %get3A_477 = arith.constant 48 : index
          %get3A_478 = tpu.vector_load %arg10[%get3A_476, %get3A_477] {strides = array<i32>} : memref<200x64xf32, #tpu.memory_space<vmem>>, vector<16xf32>,
          %sub3A_479 = arith.subf %gather3A_462, %get3A_469 : vector<16xf32>
          %mul3A_480 = arith.mulf %sub3A_479, %div3A_466 : vector<16xf32>
          %min3A_481 = arith.constant 0.000000e+00 : f32
          %min3A_482 = vector.broadcast %min3A_481 : f32 to vector<16xf32>
          %min3A_483 = arith.minimumf %mul3A_480, %min3A_482 : vector<16xf32>
          %sub3A_484 = arith.subf %gather3A_462, %get3A_472 : vector<16xf32>
          %mul3A_485 = arith.mulf %sub3A_484, %div3A_466 : vector<16xf32>
          %min3A_486 = arith.constant 0.000000e+00 : f32
          %min3A_487 = vector.broadcast %min3A_486 : f32 to vector<16xf32>
          %min3A_488 = arith.minimumf %mul3A_485, %min3A_487 : vector<16xf32>
          %sub3A_489 = arith.subf %gather3A_462, %get3A_475 : vector<16xf32>
          %mul3A_490 = arith.mulf %sub3A_489, %div3A_466 : vector<16xf32>
          %min3A_491 = arith.constant 0.000000e+00 : f32
          %min3A_492 = vector.broadcast %min3A_491 : f32 to vector<16xf32>
          %min3A_493 = arith.minimumf %mul3A_490, %min3A_492 : vector<16xf32>
          %sub3A_494 = arith.subf %gather3A_462, %get3A_478 : vector<16xf32>
          %mul3A_495 = arith.mulf %sub3A_494, %div3A_466 : vector<16xf32>
          %min3A_496 = arith.constant 0.000000e+00 : f32
          %min3A_497 = vector.broadcast %min3A_496 : f32 to vector<16xf32>
          %min3A_498 = arith.minimumf %mul3A_495, %min3A_497 : vector<16xf32>
          %max3A_499 = arith.constant -1.260000e+02 : f32
          %max3A_500 = vector.broadcast %max3A_499 : f32 to vector<16xf32>
          %max3A_501 = arith.maximumf %min3A_483, %max3A_500 : vector<16xf32>
          %max3A_502 = arith.constant -1.260000e+02 : f32
          %max3A_503 = vector.broadcast %max3A_502 : f32 to vector<16xf32>
          %max3A_504 = arith.maximumf %min3A_488, %max3A_503 : vector<16xf32>
          %max3A_505 = arith.constant -1.260000e+02 : f32
          %max3A_506 = vector.broadcast %max3A_505 : f32 to vector<16xf32>
          %max3A_507 = arith.maximumf %min3A_493, %max3A_506 : vector<16xf32>
          %max3A_508 = arith.constant -1.260000e+02 : f32
          %max3A_509 = vector.broadcast %max3A_508 : f32 to vector<16xf32>
          %max3A_510 = arith.maximumf %min3A_498, %max3A_509 : vector<16xf32>
          %sub3A_511 = arith.constant 5.000000e-01 : f32
          %sub3A_512 = vector.broadcast %sub3A_511 : f32 to vector<16xf32>
          %sub3A_513 = arith.subf %max3A_501, %sub3A_512 : vector<16xf32>
          %convert_element_type3A_514 = arith.fptosi %sub3A_513 : vector<16xf32> to vector<16xi32>
          %sub3A_515 = arith.constant 5.000000e-01 : f32
          %sub3A_516 = vector.broadcast %sub3A_515 : f32 to vector<16xf32>
          %sub3A_517 = arith.subf %max3A_504, %sub3A_516 : vector<16xf32>
          %convert_element_type3A_518 = arith.fptosi %sub3A_517 : vector<16xf32> to vector<16xi32>
          %sub3A_519 = arith.constant 5.000000e-01 : f32
          %sub3A_520 = vector.broadcast %sub3A_519 : f32 to vector<16xf32>
          %sub3A_521 = arith.subf %max3A_507, %sub3A_520 : vector<16xf32>
          %convert_element_type3A_522 = arith.fptosi %sub3A_521 : vector<16xf32> to vector<16xi32>
          %sub3A_523 = arith.constant 5.000000e-01 : f32
          %sub3A_524 = vector.broadcast %sub3A_523 : f32 to vector<16xf32>
          %sub3A_525 = arith.subf %max3A_510, %sub3A_524 : vector<16xf32>
          %convert_element_type3A_526 = arith.fptosi %sub3A_525 : vector<16xf32> to vector<16xi32>
          %convert_element_type3A_527 = arith.sitofp %convert_element_type3A_514 : vector<16xi32> to vector<16xf32>
          %sub3A_528 = arith.subf %max3A_501, %convert_element_type3A_527 : vector<16xf32>
          %convert_element_type3A_529 = arith.sitofp %convert_element_type3A_518 : vector<16xi32> to vector<16xf32>
          %sub3A_530 = arith.subf %max3A_504, %convert_element_type3A_529 : vector<16xf32>
          %convert_element_type3A_531 = arith.sitofp %convert_element_type3A_522 : vector<16xi32> to vector<16xf32>
          %sub3A_532 = arith.subf %max3A_507, %convert_element_type3A_531 : vector<16xf32>
          %convert_element_type3A_533 = arith.sitofp %convert_element_type3A_526 : vector<16xi32> to vector<16xf32>
          %sub3A_534 = arith.subf %max3A_510, %convert_element_type3A_533 : vector<16xf32>
          %mul3A_535 = arith.constant 0.0558755361 : f32
          %mul3A_536 = vector.broadcast %mul3A_535 : f32 to vector<16xf32>
          %mul3A_537 = arith.mulf %mul3A_536, %sub3A_528 : vector<16xf32>
          %add3A_538 = arith.constant 0.242294624 : f32
          %add3A_539 = vector.broadcast %add3A_538 : f32 to vector<16xf32>
          %add3A_540 = arith.addf %mul3A_537, %add3A_539 : vector<16xf32>
          %mul3A_541 = arith.constant 0.0558755361 : f32
          %mul3A_542 = vector.broadcast %mul3A_541 : f32 to vector<16xf32>
          %mul3A_543 = arith.mulf %mul3A_542, %sub3A_530 : vector<16xf32>
          %add3A_544 = arith.constant 0.242294624 : f32
          %add3A_545 = vector.broadcast %add3A_544 : f32 to vector<16xf32>
          %add3A_546 = arith.addf %mul3A_543, %add3A_545 : vector<16xf32>
          %mul3A_547 = arith.constant 0.0558755361 : f32
          %mul3A_548 = vector.broadcast %mul3A_547 : f32 to vector<16xf32>
          %mul3A_549 = arith.mulf %mul3A_548, %sub3A_532 : vector<16xf32>
          %add3A_550 = arith.constant 0.242294624 : f32
          %add3A_551 = vector.broadcast %add3A_550 : f32 to vector<16xf32>
          %add3A_552 = arith.addf %mul3A_549, %add3A_551 : vector<16xf32>
          %mul3A_553 = arith.constant 0.0558755361 : f32
          %mul3A_554 = vector.broadcast %mul3A_553 : f32 to vector<16xf32>
          %mul3A_555 = arith.mulf %mul3A_554, %sub3A_534 : vector<16xf32>
          %add3A_556 = arith.constant 0.242294624 : f32
          %add3A_557 = vector.broadcast %add3A_556 : f32 to vector<16xf32>
          %add3A_558 = arith.addf %mul3A_555, %add3A_557 : vector<16xf32>
          %mul3A_559 = arith.mulf %add3A_540, %sub3A_528 : vector<16xf32>
          %add3A_560 = arith.constant 0.693127275 : f32
          %add3A_561 = vector.broadcast %add3A_560 : f32 to vector<16xf32>
          %add3A_562 = arith.addf %mul3A_559, %add3A_561 : vector<16xf32>
          %mul3A_563 = arith.mulf %add3A_546, %sub3A_530 : vector<16xf32>
          %add3A_564 = arith.constant 0.693127275 : f32
          %add3A_565 = vector.broadcast %add3A_564 : f32 to vector<16xf32>
          %add3A_566 = arith.addf %mul3A_563, %add3A_565 : vector<16xf32>
          %mul3A_567 = arith.mulf %add3A_552, %sub3A_532 : vector<16xf32>
          %add3A_568 = arith.constant 0.693127275 : f32
          %add3A_569 = vector.broadcast %add3A_568 : f32 to vector<16xf32>
          %add3A_570 = arith.addf %mul3A_567, %add3A_569 : vector<16xf32>
          %mul3A_571 = arith.mulf %add3A_558, %sub3A_534 : vector<16xf32>
          %add3A_572 = arith.constant 0.693127275 : f32
          %add3A_573 = vector.broadcast %add3A_572 : f32 to vector<16xf32>
          %add3A_574 = arith.addf %mul3A_571, %add3A_573 : vector<16xf32>
          %mul3A_575 = arith.mulf %add3A_562, %sub3A_528 : vector<16xf32>
          %add3A_576 = arith.constant 0.999948263 : f32
          %add3A_577 = vector.broadcast %add3A_576 : f32 to vector<16xf32>
          %add3A_578 = arith.addf %mul3A_575, %add3A_577 : vector<16xf32>
          %mul3A_579 = arith.mulf %add3A_566, %sub3A_530 : vector<16xf32>
          %add3A_580 = arith.constant 0.999948263 : f32
          %add3A_581 = vector.broadcast %add3A_580 : f32 to vector<16xf32>
          %add3A_582 = arith.addf %mul3A_579, %add3A_581 : vector<16xf32>
          %mul3A_583 = arith.mulf %add3A_570, %sub3A_532 : vector<16xf32>
          %add3A_584 = arith.constant 0.999948263 : f32
          %add3A_585 = vector.broadcast %add3A_584 : f32 to vector<16xf32>
          %add3A_586 = arith.addf %mul3A_583, %add3A_585 : vector<16xf32>
          %mul3A_587 = arith.mulf %add3A_574, %sub3A_534 : vector<16xf32>
          %add3A_588 = arith.constant 0.999948263 : f32
          %add3A_589 = vector.broadcast %add3A_588 : f32 to vector<16xf32>
          %add3A_590 = arith.addf %mul3A_587, %add3A_589 : vector<16xf32>
          %add3A_591 = arith.constant 127 : i32
          %add3A_592 = vector.broadcast %add3A_591 : i32 to vector<16xi32>
          %add3A_593 = arith.addi %convert_element_type3A_514, %add3A_592 : vector<16xi32>
          %shift_left3A_594 = arith.constant 23 : i32
          %shift_left3A_595 = vector.broadcast %shift_left3A_594 : i32 to vector<16xi32>
          %shift_left3A_596 = arith.shli %add3A_593, %shift_left3A_595 : vector<16xi32>
          %bitcast3A_597 = vector.bitcast %shift_left3A_596 : vector<16xi32> to vector<16xf32>
          %add3A_598 = arith.constant 127 : i32
          %add3A_599 = vector.broadcast %add3A_598 : i32 to vector<16xi32>
          %add3A_600 = arith.addi %convert_element_type3A_518, %add3A_599 : vector<16xi32>
          %shift_left3A_601 = arith.constant 23 : i32
          %shift_left3A_602 = vector.broadcast %shift_left3A_601 : i32 to vector<16xi32>
          %shift_left3A_603 = arith.shli %add3A_600, %shift_left3A_602 : vector<16xi32>
          %bitcast3A_604 = vector.bitcast %shift_left3A_603 : vector<16xi32> to vector<16xf32>
          %add3A_605 = arith.constant 127 : i32
          %add3A_606 = vector.broadcast %add3A_605 : i32 to vector<16xi32>
          %add3A_607 = arith.addi %convert_element_type3A_522, %add3A_606 : vector<16xi32>
          %shift_left3A_608 = arith.constant 23 : i32
          %shift_left3A_609 = vector.broadcast %shift_left3A_608 : i32 to vector<16xi32>
          %shift_left3A_610 = arith.shli %add3A_607, %shift_left3A_609 : vector<16xi32>
          %bitcast3A_611 = vector.bitcast %shift_left3A_610 : vector<16xi32> to vector<16xf32>
          %add3A_612 = arith.constant 127 : i32
          %add3A_613 = vector.broadcast %add3A_612 : i32 to vector<16xi32>
          %add3A_614 = arith.addi %convert_element_type3A_526, %add3A_613 : vector<16xi32>
          %shift_left3A_615 = arith.constant 23 : i32
          %shift_left3A_616 = vector.broadcast %shift_left3A_615 : i32 to vector<16xi32>
          %shift_left3A_617 = arith.shli %add3A_614, %shift_left3A_616 : vector<16xi32>
          %bitcast3A_618 = vector.bitcast %shift_left3A_617 : vector<16xi32> to vector<16xf32>
          %mul3A_619 = arith.mulf %add3A_578, %bitcast3A_597 : vector<16xf32>
          %swap3A_620 = arith.index_cast %add3A_460 : i32 to index
          %swap3A_621 = arith.constant 0 : index
          %swap3A_622 = tpu.vector_load %arg11[%swap3A_620, %swap3A_621] {strides = array<i32>} : memref<200x64xf32, #tpu.memory_space<vmem>>, vector<16xf32>,
          tpu.vector_store %arg11[%swap3A_620, %swap3A_621], %mul3A_619 {strides = array<i32>} : memref<200x64xf32, #tpu.memory_space<vmem>>, vector<16xf32>,
          %mul3A_623 = arith.mulf %add3A_582, %bitcast3A_604 : vector<16xf32>
          %swap3A_624 = arith.index_cast %add3A_460 : i32 to index
          %swap3A_625 = arith.constant 16 : index
          %swap3A_626 = tpu.vector_load %arg11[%swap3A_624, %swap3A_625] {strides = array<i32>} : memref<200x64xf32, #tpu.memory_space<vmem>>, vector<16xf32>,
          tpu.vector_store %arg11[%swap3A_624, %swap3A_625], %mul3A_623 {strides = array<i32>} : memref<200x64xf32, #tpu.memory_space<vmem>>, vector<16xf32>,
          %mul3A_627 = arith.mulf %add3A_586, %bitcast3A_611 : vector<16xf32>
          %swap3A_628 = arith.index_cast %add3A_460 : i32 to index
          %swap3A_629 = arith.constant 32 : index
          %swap3A_630 = tpu.vector_load %arg11[%swap3A_628, %swap3A_629] {strides = array<i32>} : memref<200x64xf32, #tpu.memory_space<vmem>>, vector<16xf32>,
          tpu.vector_store %arg11[%swap3A_628, %swap3A_629], %mul3A_627 {strides = array<i32>} : memref<200x64xf32, #tpu.memory_space<vmem>>, vector<16xf32>,
          %mul3A_631 = arith.mulf %add3A_590, %bitcast3A_618 : vector<16xf32>
          %swap3A_632 = arith.index_cast %add3A_460 : i32 to index
          %swap3A_633 = arith.constant 48 : index
          %swap3A_634 = tpu.vector_load %arg11[%swap3A_632, %swap3A_633] {strides = array<i32>} : memref<200x64xf32, #tpu.memory_space<vmem>>, vector<16xf32>,
          tpu.vector_store %arg11[%swap3A_632, %swap3A_633], %mul3A_631 {strides = array<i32>} : memref<200x64xf32, #tpu.memory_space<vmem>>, vector<16xf32>,
          %mul3A_635 = arith.constant 4 : i32
          %mul3A_636 = arith.muli %scan3A_109, %mul3A_635 : i32
          %add3A_637 = arith.constant 3 : i32
          %add3A_638 = arith.addi %mul3A_636, %add3A_637 : i32
          %broadcast_in_dim3A_639 = vector.broadcast %add3A_638 : i32 to vector<16xi32>
          %gather3A_640 = tpu.vector_load_idx %arg12[%broadcast_in_dim3A_639] : memref<200xf32, #tpu.memory_space<vmem>>[vector<16xi32>], vector<16xf32>,
          %gather3A_641 = tpu.vector_load_idx %arg13[%broadcast_in_dim3A_639] : memref<200xf32, #tpu.memory_space<vmem>>[vector<16xi32>], vector<16xf32>,
          %div3A_642 = arith.constant 1.44269502 : f32
          %div3A_643 = vector.broadcast %div3A_642 : f32 to vector<16xf32>
          %div3A_644 = arith.divf %div3A_643, %gather3A_641 : vector<16xf32>
          %get3A_645 = arith.index_cast %add3A_638 : i32 to index
          %get3A_646 = arith.constant 0 : index
          %get3A_647 = tpu.vector_load %arg10[%get3A_645, %get3A_646] {strides = array<i32>} : memref<200x64xf32, #tpu.memory_space<vmem>>, vector<16xf32>,
          %get3A_648 = arith.index_cast %add3A_638 : i32 to index
          %get3A_649 = arith.constant 16 : index
          %get3A_650 = tpu.vector_load %arg10[%get3A_648, %get3A_649] {strides = array<i32>} : memref<200x64xf32, #tpu.memory_space<vmem>>, vector<16xf32>,
          %get3A_651 = arith.index_cast %add3A_638 : i32 to index
          %get3A_652 = arith.constant 32 : index
          %get3A_653 = tpu.vector_load %arg10[%get3A_651, %get3A_652] {strides = array<i32>} : memref<200x64xf32, #tpu.memory_space<vmem>>, vector<16xf32>,
          %get3A_654 = arith.index_cast %add3A_638 : i32 to index
          %get3A_655 = arith.constant 48 : index
          %get3A_656 = tpu.vector_load %arg10[%get3A_654, %get3A_655] {strides = array<i32>} : memref<200x64xf32, #tpu.memory_space<vmem>>, vector<16xf32>,
          %sub3A_657 = arith.subf %gather3A_640, %get3A_647 : vector<16xf32>
          %mul3A_658 = arith.mulf %sub3A_657, %div3A_644 : vector<16xf32>
          %min3A_659 = arith.constant 0.000000e+00 : f32
          %min3A_660 = vector.broadcast %min3A_659 : f32 to vector<16xf32>
          %min3A_661 = arith.minimumf %mul3A_658, %min3A_660 : vector<16xf32>
          %sub3A_662 = arith.subf %gather3A_640, %get3A_650 : vector<16xf32>
          %mul3A_663 = arith.mulf %sub3A_662, %div3A_644 : vector<16xf32>
          %min3A_664 = arith.constant 0.000000e+00 : f32
          %min3A_665 = vector.broadcast %min3A_664 : f32 to vector<16xf32>
          %min3A_666 = arith.minimumf %mul3A_663, %min3A_665 : vector<16xf32>
          %sub3A_667 = arith.subf %gather3A_640, %get3A_653 : vector<16xf32>
          %mul3A_668 = arith.mulf %sub3A_667, %div3A_644 : vector<16xf32>
          %min3A_669 = arith.constant 0.000000e+00 : f32
          %min3A_670 = vector.broadcast %min3A_669 : f32 to vector<16xf32>
          %min3A_671 = arith.minimumf %mul3A_668, %min3A_670 : vector<16xf32>
          %sub3A_672 = arith.subf %gather3A_640, %get3A_656 : vector<16xf32>
          %mul3A_673 = arith.mulf %sub3A_672, %div3A_644 : vector<16xf32>
          %min3A_674 = arith.constant 0.000000e+00 : f32
          %min3A_675 = vector.broadcast %min3A_674 : f32 to vector<16xf32>
          %min3A_676 = arith.minimumf %mul3A_673, %min3A_675 : vector<16xf32>
          %max3A_677 = arith.constant -1.260000e+02 : f32
          %max3A_678 = vector.broadcast %max3A_677 : f32 to vector<16xf32>
          %max3A_679 = arith.maximumf %min3A_661, %max3A_678 : vector<16xf32>
          %max3A_680 = arith.constant -1.260000e+02 : f32
          %max3A_681 = vector.broadcast %max3A_680 : f32 to vector<16xf32>
          %max3A_682 = arith.maximumf %min3A_666, %max3A_681 : vector<16xf32>
          %max3A_683 = arith.constant -1.260000e+02 : f32
          %max3A_684 = vector.broadcast %max3A_683 : f32 to vector<16xf32>
          %max3A_685 = arith.maximumf %min3A_671, %max3A_684 : vector<16xf32>
          %max3A_686 = arith.constant -1.260000e+02 : f32
          %max3A_687 = vector.broadcast %max3A_686 : f32 to vector<16xf32>
          %max3A_688 = arith.maximumf %min3A_676, %max3A_687 : vector<16xf32>
          %sub3A_689 = arith.constant 5.000000e-01 : f32
          %sub3A_690 = vector.broadcast %sub3A_689 : f32 to vector<16xf32>
          %sub3A_691 = arith.subf %max3A_679, %sub3A_690 : vector<16xf32>
          %convert_element_type3A_692 = arith.fptosi %sub3A_691 : vector<16xf32> to vector<16xi32>
          %sub3A_693 = arith.constant 5.000000e-01 : f32
          %sub3A_694 = vector.broadcast %sub3A_693 : f32 to vector<16xf32>
          %sub3A_695 = arith.subf %max3A_682, %sub3A_694 : vector<16xf32>
          %convert_element_type3A_696 = arith.fptosi %sub3A_695 : vector<16xf32> to vector<16xi32>
          %sub3A_697 = arith.constant 5.000000e-01 : f32
          %sub3A_698 = vector.broadcast %sub3A_697 : f32 to vector<16xf32>
          %sub3A_699 = arith.subf %max3A_685, %sub3A_698 : vector<16xf32>
          %convert_element_type3A_700 = arith.fptosi %sub3A_699 : vector<16xf32> to vector<16xi32>
          %sub3A_701 = arith.constant 5.000000e-01 : f32
          %sub3A_702 = vector.broadcast %sub3A_701 : f32 to vector<16xf32>
          %sub3A_703 = arith.subf %max3A_688, %sub3A_702 : vector<16xf32>
          %convert_element_type3A_704 = arith.fptosi %sub3A_703 : vector<16xf32> to vector<16xi32>
          %convert_element_type3A_705 = arith.sitofp %convert_element_type3A_692 : vector<16xi32> to vector<16xf32>
          %sub3A_706 = arith.subf %max3A_679, %convert_element_type3A_705 : vector<16xf32>
          %convert_element_type3A_707 = arith.sitofp %convert_element_type3A_696 : vector<16xi32> to vector<16xf32>
          %sub3A_708 = arith.subf %max3A_682, %convert_element_type3A_707 : vector<16xf32>
          %convert_element_type3A_709 = arith.sitofp %convert_element_type3A_700 : vector<16xi32> to vector<16xf32>
          %sub3A_710 = arith.subf %max3A_685, %convert_element_type3A_709 : vector<16xf32>
          %convert_element_type3A_711 = arith.sitofp %convert_element_type3A_704 : vector<16xi32> to vector<16xf32>
          %sub3A_712 = arith.subf %max3A_688, %convert_element_type3A_711 : vector<16xf32>
          %mul3A_713 = arith.constant 0.0558755361 : f32
          %mul3A_714 = vector.broadcast %mul3A_713 : f32 to vector<16xf32>
          %mul3A_715 = arith.mulf %mul3A_714, %sub3A_706 : vector<16xf32>
          %add3A_716 = arith.constant 0.242294624 : f32
          %add3A_717 = vector.broadcast %add3A_716 : f32 to vector<16xf32>
          %add3A_718 = arith.addf %mul3A_715, %add3A_717 : vector<16xf32>
          %mul3A_719 = arith.constant 0.0558755361 : f32
          %mul3A_720 = vector.broadcast %mul3A_719 : f32 to vector<16xf32>
          %mul3A_721 = arith.mulf %mul3A_720, %sub3A_708 : vector<16xf32>
          %add3A_722 = arith.constant 0.242294624 : f32
          %add3A_723 = vector.broadcast %add3A_722 : f32 to vector<16xf32>
          %add3A_724 = arith.addf %mul3A_721, %add3A_723 : vector<16xf32>
          %mul3A_725 = arith.constant 0.0558755361 : f32
          %mul3A_726 = vector.broadcast %mul3A_725 : f32 to vector<16xf32>
          %mul3A_727 = arith.mulf %mul3A_726, %sub3A_710 : vector<16xf32>
          %add3A_728 = arith.constant 0.242294624 : f32
          %add3A_729 = vector.broadcast %add3A_728 : f32 to vector<16xf32>
          %add3A_730 = arith.addf %mul3A_727, %add3A_729 : vector<16xf32>
          %mul3A_731 = arith.constant 0.0558755361 : f32
          %mul3A_732 = vector.broadcast %mul3A_731 : f32 to vector<16xf32>
          %mul3A_733 = arith.mulf %mul3A_732, %sub3A_712 : vector<16xf32>
          %add3A_734 = arith.constant 0.242294624 : f32
          %add3A_735 = vector.broadcast %add3A_734 : f32 to vector<16xf32>
          %add3A_736 = arith.addf %mul3A_733, %add3A_735 : vector<16xf32>
          %mul3A_737 = arith.mulf %add3A_718, %sub3A_706 : vector<16xf32>
          %add3A_738 = arith.constant 0.693127275 : f32
          %add3A_739 = vector.broadcast %add3A_738 : f32 to vector<16xf32>
          %add3A_740 = arith.addf %mul3A_737, %add3A_739 : vector<16xf32>
          %mul3A_741 = arith.mulf %add3A_724, %sub3A_708 : vector<16xf32>
          %add3A_742 = arith.constant 0.693127275 : f32
          %add3A_743 = vector.broadcast %add3A_742 : f32 to vector<16xf32>
          %add3A_744 = arith.addf %mul3A_741, %add3A_743 : vector<16xf32>
          %mul3A_745 = arith.mulf %add3A_730, %sub3A_710 : vector<16xf32>
          %add3A_746 = arith.constant 0.693127275 : f32
          %add3A_747 = vector.broadcast %add3A_746 : f32 to vector<16xf32>
          %add3A_748 = arith.addf %mul3A_745, %add3A_747 : vector<16xf32>
          %mul3A_749 = arith.mulf %add3A_736, %sub3A_712 : vector<16xf32>
          %add3A_750 = arith.constant 0.693127275 : f32
          %add3A_751 = vector.broadcast %add3A_750 : f32 to vector<16xf32>
          %add3A_752 = arith.addf %mul3A_749, %add3A_751 : vector<16xf32>
          %mul3A_753 = arith.mulf %add3A_740, %sub3A_706 : vector<16xf32>
          %add3A_754 = arith.constant 0.999948263 : f32
          %add3A_755 = vector.broadcast %add3A_754 : f32 to vector<16xf32>
          %add3A_756 = arith.addf %mul3A_753, %add3A_755 : vector<16xf32>
          %mul3A_757 = arith.mulf %add3A_744, %sub3A_708 : vector<16xf32>
          %add3A_758 = arith.constant 0.999948263 : f32
          %add3A_759 = vector.broadcast %add3A_758 : f32 to vector<16xf32>
          %add3A_760 = arith.addf %mul3A_757, %add3A_759 : vector<16xf32>
          %mul3A_761 = arith.mulf %add3A_748, %sub3A_710 : vector<16xf32>
          %add3A_762 = arith.constant 0.999948263 : f32
          %add3A_763 = vector.broadcast %add3A_762 : f32 to vector<16xf32>
          %add3A_764 = arith.addf %mul3A_761, %add3A_763 : vector<16xf32>
          %mul3A_765 = arith.mulf %add3A_752, %sub3A_712 : vector<16xf32>
          %add3A_766 = arith.constant 0.999948263 : f32
          %add3A_767 = vector.broadcast %add3A_766 : f32 to vector<16xf32>
          %add3A_768 = arith.addf %mul3A_765, %add3A_767 : vector<16xf32>
          %add3A_769 = arith.constant 127 : i32
          %add3A_770 = vector.broadcast %add3A_769 : i32 to vector<16xi32>
          %add3A_771 = arith.addi %convert_element_type3A_692, %add3A_770 : vector<16xi32>
          %shift_left3A_772 = arith.constant 23 : i32
          %shift_left3A_773 = vector.broadcast %shift_left3A_772 : i32 to vector<16xi32>
          %shift_left3A_774 = arith.shli %add3A_771, %shift_left3A_773 : vector<16xi32>
          %bitcast3A_775 = vector.bitcast %shift_left3A_774 : vector<16xi32> to vector<16xf32>
          %add3A_776 = arith.constant 127 : i32
          %add3A_777 = vector.broadcast %add3A_776 : i32 to vector<16xi32>
          %add3A_778 = arith.addi %convert_element_type3A_696, %add3A_777 : vector<16xi32>
          %shift_left3A_779 = arith.constant 23 : i32
          %shift_left3A_780 = vector.broadcast %shift_left3A_779 : i32 to vector<16xi32>
          %shift_left3A_781 = arith.shli %add3A_778, %shift_left3A_780 : vector<16xi32>
          %bitcast3A_782 = vector.bitcast %shift_left3A_781 : vector<16xi32> to vector<16xf32>
          %add3A_783 = arith.constant 127 : i32
          %add3A_784 = vector.broadcast %add3A_783 : i32 to vector<16xi32>
          %add3A_785 = arith.addi %convert_element_type3A_700, %add3A_784 : vector<16xi32>
          %shift_left3A_786 = arith.constant 23 : i32
          %shift_left3A_787 = vector.broadcast %shift_left3A_786 : i32 to vector<16xi32>
          %shift_left3A_788 = arith.shli %add3A_785, %shift_left3A_787 : vector<16xi32>
          %bitcast3A_789 = vector.bitcast %shift_left3A_788 : vector<16xi32> to vector<16xf32>
          %add3A_790 = arith.constant 127 : i32
          %add3A_791 = vector.broadcast %add3A_790 : i32 to vector<16xi32>
          %add3A_792 = arith.addi %convert_element_type3A_704, %add3A_791 : vector<16xi32>
          %shift_left3A_793 = arith.constant 23 : i32
          %shift_left3A_794 = vector.broadcast %shift_left3A_793 : i32 to vector<16xi32>
          %shift_left3A_795 = arith.shli %add3A_792, %shift_left3A_794 : vector<16xi32>
          %bitcast3A_796 = vector.bitcast %shift_left3A_795 : vector<16xi32> to vector<16xf32>
          %mul3A_797 = arith.mulf %add3A_756, %bitcast3A_775 : vector<16xf32>
          %swap3A_798 = arith.index_cast %add3A_638 : i32 to index
          %swap3A_799 = arith.constant 0 : index
          %swap3A_800 = tpu.vector_load %arg11[%swap3A_798, %swap3A_799] {strides = array<i32>} : memref<200x64xf32, #tpu.memory_space<vmem>>, vector<16xf32>,
          tpu.vector_store %arg11[%swap3A_798, %swap3A_799], %mul3A_797 {strides = array<i32>} : memref<200x64xf32, #tpu.memory_space<vmem>>, vector<16xf32>,
          %mul3A_801 = arith.mulf %add3A_760, %bitcast3A_782 : vector<16xf32>
          %swap3A_802 = arith.index_cast %add3A_638 : i32 to index
          %swap3A_803 = arith.constant 16 : index
          %swap3A_804 = tpu.vector_load %arg11[%swap3A_802, %swap3A_803] {strides = array<i32>} : memref<200x64xf32, #tpu.memory_space<vmem>>, vector<16xf32>,
          tpu.vector_store %arg11[%swap3A_802, %swap3A_803], %mul3A_801 {strides = array<i32>} : memref<200x64xf32, #tpu.memory_space<vmem>>, vector<16xf32>,
          %mul3A_805 = arith.mulf %add3A_764, %bitcast3A_789 : vector<16xf32>
          %swap3A_806 = arith.index_cast %add3A_638 : i32 to index
          %swap3A_807 = arith.constant 32 : index
          %swap3A_808 = tpu.vector_load %arg11[%swap3A_806, %swap3A_807] {strides = array<i32>} : memref<200x64xf32, #tpu.memory_space<vmem>>, vector<16xf32>,
          tpu.vector_store %arg11[%swap3A_806, %swap3A_807], %mul3A_805 {strides = array<i32>} : memref<200x64xf32, #tpu.memory_space<vmem>>, vector<16xf32>,
          %mul3A_809 = arith.mulf %add3A_768, %bitcast3A_796 : vector<16xf32>
          %swap3A_810 = arith.index_cast %add3A_638 : i32 to index
          %swap3A_811 = arith.constant 48 : index
          %swap3A_812 = tpu.vector_load %arg11[%swap3A_810, %swap3A_811] {strides = array<i32>} : memref<200x64xf32, #tpu.memory_space<vmem>>, vector<16xf32>,
          tpu.vector_store %arg11[%swap3A_810, %swap3A_811], %mul3A_809 {strides = array<i32>} : memref<200x64xf32, #tpu.memory_space<vmem>>, vector<16xf32>,
          %scan3A_813 = arith.constant 0 : i32
          scf.yield %scan3A_813 : i32
        }
        %scan3A_95 = arith.constant 50 : i32
        %mul3A_96 = arith.constant 200 : i32
        %mul3A_97 = arith.muli %add3A_64, %mul3A_96 : i32
        %dma_start3A_98 = arith.constant 0 : i32
        %dma_start3A_99 = tpu.memref_slice %arg5[%mul3A_97, %dma_start3A_98] : memref<100000x64xf32, #tpu.memory_space<hbm>> -> memref<200x64xf32, #tpu.memory_space<hbm>>
        %dma_start3A_100 = arith.constant 0 : i32
        %dma_start3A_101 = tpu.memref_slice %arg5[%mul3A_97, %dma_start3A_100] : memref<100000x64xf32, #tpu.memory_space<hbm>> -> memref<200x64xf32, #tpu.memory_space<hbm>>
        tpu.enqueue_dma source(%arg11 : memref<200x64xf32, #tpu.memory_space<vmem>>) target(%dma_start3A_101 : memref<200x64xf32, #tpu.memory_space<hbm>>) target_semaphore(%arg17 : memref<!tpu.dma_semaphore, #tpu.memory_space<semaphore_mem>>)
        %add3A_102 = arith.constant 64 : i32
        %add3A_103 = arith.addi %add3A_64, %add3A_102 : i32
        %lt3A_104 = arith.constant 500 : i32
        %lt3A_105 = arith.cmpi slt, %add3A_103, %lt3A_104 : i32
        %convert_element_type3A_106 = arith.extui %lt3A_105 : i1 to i32
        %cond3A_107 = arith.constant 0 : i32
        %cond3A_108 = arith.cmpi ne, %convert_element_type3A_106, %cond3A_107 : i32
        scf.if %cond3A_108 {
          %add3A_109 = arith.constant 64 : i32
          %add3A_110 = arith.addi %add3A_64, %add3A_109 : i32
          %mul3A_111 = arith.constant 200 : i32
          %mul3A_112 = arith.muli %add3A_110, %mul3A_111 : i32
          %dma_start3A_113 = arith.constant 0 : i32
          %dma_start3A_114 = tpu.memref_slice %arg2[%mul3A_112, %dma_start3A_113] : memref<100000x64xf32, #tpu.memory_space<hbm>> -> memref<200x64xf32, #tpu.memory_space<hbm>>
          %dma_start3A_115 = arith.constant 0 : i32
          %dma_start3A_116 = tpu.memref_slice %arg2[%mul3A_112, %dma_start3A_115] : memref<100000x64xf32, #tpu.memory_space<hbm>> -> memref<200x64xf32, #tpu.memory_space<hbm>>
          tpu.enqueue_dma source(%dma_start3A_116 : memref<200x64xf32, #tpu.memory_space<hbm>>) target(%arg10 : memref<200x64xf32, #tpu.memory_space<vmem>>) target_semaphore(%arg15 : memref<!tpu.dma_semaphore, #tpu.memory_space<semaphore_mem>>)
          %mul3A_117 = arith.constant 200 : i32
          %mul3A_118 = arith.muli %add3A_110, %mul3A_117 : i32
          %dma_start3A_119 = tpu.memref_slice %arg3[%mul3A_118] : memref<100000xf32, #tpu.memory_space<hbm>> -> memref<200xf32, #tpu.memory_space<hbm>>
          %dma_start3A_120 = tpu.memref_slice %arg3[%mul3A_118] : memref<100000xf32, #tpu.memory_space<hbm>> -> memref<200xf32, #tpu.memory_space<hbm>>
          tpu.enqueue_dma source(%dma_start3A_120 : memref<200xf32, #tpu.memory_space<hbm>>) target(%arg12 : memref<200xf32, #tpu.memory_space<vmem>>) target_semaphore(%arg15 : memref<!tpu.dma_semaphore, #tpu.memory_space<semaphore_mem>>)
          %mul3A_121 = arith.constant 200 : i32
          %mul3A_122 = arith.muli %add3A_110, %mul3A_121 : i32
          %dma_start3A_123 = tpu.memref_slice %arg4[%mul3A_122] : memref<100000xf32, #tpu.memory_space<hbm>> -> memref<200xf32, #tpu.memory_space<hbm>>
          %dma_start3A_124 = tpu.memref_slice %arg4[%mul3A_122] : memref<100000xf32, #tpu.memory_space<hbm>> -> memref<200xf32, #tpu.memory_space<hbm>>
          tpu.enqueue_dma source(%dma_start3A_124 : memref<200xf32, #tpu.memory_space<hbm>>) target(%arg13 : memref<200xf32, #tpu.memory_space<vmem>>) target_semaphore(%arg15 : memref<!tpu.dma_semaphore, #tpu.memory_space<semaphore_mem>>)
        } else {
        }
      } else {
      }
      %scan3A_70 = arith.constant 0 : i32
      scf.yield %scan3A_70 : i32
    }
    %scan3A_35 = arith.constant 8 : i32
    %dma_wait3A = arith.constant 0 : i32
    %dma_wait3A_36 = arith.constant 0 : i32
    %dma_wait3A_37 = tpu.memref_slice %arg5[%dma_wait3A, %dma_wait3A_36] : memref<100000x64xf32, #tpu.memory_space<hbm>> -> memref<200x64xf32, #tpu.memory_space<hbm>>
    %dma_wait3A_38 = arith.constant 0 : i32
    %dma_wait3A_39 = arith.constant 0 : i32
    %dma_wait3A_40 = tpu.memref_slice %arg5[%dma_wait3A_38, %dma_wait3A_39] : memref<100000x64xf32, #tpu.memory_space<hbm>> -> memref<200x64xf32, #tpu.memory_space<hbm>>
    tpu.wait_dma2 semaphore(%arg16 : memref<!tpu.dma_semaphore, #tpu.memory_space<semaphore_mem>>) src(%arg7 : memref<200x64xf32, #tpu.memory_space<vmem>>) dst(%dma_wait3A_40 : memref<200x64xf32, #tpu.memory_space<hbm>>)
    %dma_wait3A_41 = arith.constant 0 : i32
    %dma_wait3A_42 = arith.constant 0 : i32
    %dma_wait3A_43 = tpu.memref_slice %arg5[%dma_wait3A_41, %dma_wait3A_42] : memref<100000x64xf32, #tpu.memory_space<hbm>> -> memref<200x64xf32, #tpu.memory_space<hbm>>
    %dma_wait3A_44 = arith.constant 0 : i32
    %dma_wait3A_45 = arith.constant 0 : i32
    %dma_wait3A_46 = tpu.memref_slice %arg5[%dma_wait3A_44, %dma_wait3A_45] : memref<100000x64xf32, #tpu.memory_space<hbm>> -> memref<200x64xf32, #tpu.memory_space<hbm>>
    tpu.wait_dma2 semaphore(%arg17 : memref<!tpu.dma_semaphore, #tpu.memory_space<semaphore_mem>>) src(%arg11 : memref<200x64xf32, #tpu.memory_space<vmem>>) dst(%dma_wait3A_46 : memref<200x64xf32, #tpu.memory_space<hbm>>)
    return
  }
}

</mosaic_0001>

<sc_bundles>
// kernel: kernel.3.cloned.1.call-start
scs
__scs_entry_jumppad:
0x0: {  	(pc) =	sbr.rel $0x88, $3  }
0x1: {  	(tag) =	ssettag $0x0;
	lr =	simm.s32 $0x1  }
0x2: {  	[smem:$0x3F9E] =	sst lr;
	_ =	strace $0xD0000000  }
0x3: {  	_ = 	snop  }
0x4: {  	_ = 	snop  }
0x5: {  	_ = 	snop  }
0x6: {  	_ = 	snop  }
0x7: {  	_ = 	snop  }
__scs_overlays_trampoline_lowered:
0x8: {  	[smem:$0x3FAD] =	sst s0  }
0x9: {  	[smem:$0x3FAE] =	sst s1  }
0xa: {  	[smem:$0x3FAF] =	sst s2  }
0xb: {  	[smem:$0x3FB0] =	sst s3  }
0xc: {  	[smem:$0x3FB1] =	sst s4  }
0xd: {  	[smem:$0x3FB2] =	sst s5  }
0xe: {  	[smem:$0x3FB3] =	sst s6  }
0xf: {  	[smem:$0x3FB4] =	sst s7  }
0x10: {  	[smem:$0x3FB5] =	sst s8  }
0x11: {  	[smem:$0x3FB6] =	sst s9;
	s0 =	simm.s32 @!p0 $0x0  }
0x12: {  	s1 =	sld [smem:$0x3F9C];
	s0 =	simm.s32 @p0 $0x1  }
0x13: {  	[smem:$0x3FB7] =	sst s0;
	s0 =	simm.s32 @!p1 $0x0  }
0x14: {  	s2 =	sld [smem:$0x3F9B];
	s0 =	simm.s32 @p1 $0x1  }
0x15: {  	[smem:$0x3FB8] =	sst s0;
	s0 =	simm.s32 @!p2 $0x0  }
0x16: {  	s3 =	sld [smem:$0x3FDB];
	s0 =	simm.s32 @p2 $0x1  }
0x17: {  	s4 =	simm.s32 $0x1BF5;
	[smem:$0x3FBA] =	sst s0  }
0x18: {  	s0 =	sld [smem:$0x3F9D];
	_ =	swait.ge [sflag:s4], $0x0  }
0x19: {  	s7 =	sld [smem:$0x3F9E]  }
0x1a: {  	s8 =	sadd.s32 $0xFFFFE003, lr  }
0x1b: {  	s9 =	sadd.s32 $0xFFFFFEF7, lr;
	s5 =	simm.s32 $0xFFFFFFFF;
	p2 =	slt.u32 s8, $0xFFFFF086  }
0x1c: {  	p1 =	slt.u32 s9, $0xF7A;
	s5 =	simm.s32 @!p2 $0x0  }
0x1d: {  	s5 =	simm.s32 @p1 $0x1;
	p0 =	seq.s32 s7, s2  }
0x1e: {  	s7 =	smul.u32 @!p0 $0xF7A, s2;
	p2 =	seq.s32 @!p0 s5, $0x0  }
0x1f: {  	s9 =	smul.u32 $0xF7A, s1;
	s8 =	simm.s32 @!p0 $0x1BF5;
	p2 =	por !p2, p0  }
0x20: {  	[sflag:s8] =	ssyncset.s32 @!p0 $0xFFFFF086;
	s6 =	sadd.s32 @!p0 s3, s7;
	s7 =	simm.s32 @!p0 $0x108  }
0x21: {  	s3 =	sadd.s32 s3, s9;
	s6 =	sadd.s32 @!p0 $0x88, s6;
	s7 =	simm.s32 @p2 $0x1082  }
0x22: {  	[simem:s7], [sflag:s8] =	dma.local @!p0 [hbm:s6], $0xF7A  }
0x23: {  	s9 =	sor.u32 $0xD0000000, s2;
	s6 =	simm.s32 $0x108;
	_ =	swait.ge @!p0 [sflag:s8], $0x0  }
0x24: {  	s3 =	sadd.s32 $0x88, s3;
	s6 =	simm.s32 @!p1 $0x1082;
	[sflag:s4] =	ssyncset.s32 $0xFFFFF086  }
0x25: {  	[simem:s6], [sflag:s4] =	dma.local [hbm:s3], $0xF7A  }
0x26: {  	[smem:$0x3F9E] =	sst s1;
	(tag) =	ssettag s2;
	_ =	strace s9  }
0x27: {  	s1 =	sld [smem:$0x3FAE]  }
0x28: {  	s2 =	sld [smem:$0x3FAF]  }
0x29: {  	s4 =	sld [smem:$0x3FB1]  }
0x2a: {  	p0 =	seq.s32 s5, $0x0;
	s5 =	sld [smem:$0x3FB2]  }
0x2b: {  	s6 =	sld [smem:$0x3FB3]  }
0x2c: {  	s7 =	sld [smem:$0x3FB4]  }
0x2d: {  	s3 =	simm.s32 $0x108;
	s8 =	sld [smem:$0x3FB5]  }
0x2e: {  	s3 =	simm.s32 @!p0 $0x1082;
	s9 =	sld [smem:$0x3FB6]  }
0x2f: {  	lr =	sadd.s32 s0, s3;
	s0 =	sld [smem:$0x3FAD]  }
0x30: {  	s3 =	sld [smem:$0x3FB0]  }
0x31: {  	[smem:$0x3FB9] =	sst s10  }
0x32: {  	s10 =	sld [smem:$0x3FB7];
	_ =	sdelay $0x3  }
0x33: {  	p0 =	seq.s32 s10, $0x1;
	s10 =	sld [smem:$0x3FB9];
	_ =	sdelay $0x3  }
0x34: {  	[smem:$0x3FB9] =	sst s10  }
0x35: {  	s10 =	sld [smem:$0x3FB8];
	_ =	sdelay $0x3  }
0x36: {  	p1 =	seq.s32 s10, $0x1;
	s10 =	sld [smem:$0x3FB9];
	_ =	sdelay $0x3  }
0x37: {  	[smem:$0x3FB9] =	sst s10  }
0x38: {  	s10 =	sld [smem:$0x3FBA]  }
0x39: {  	_ = 	snop;
	(pc) =	sbr.ind lr, $3  }
0x3a: {  	_ = 	snop  }
0x3b: {  	_ = 	snop  }
0x3c: {  	p2 =	seq.s32 s10, $0x1;
	s10 =	sld [smem:$0x3FB9]  }
0x3d: {  	_ =	shalt  }
0x3e: {  	_ =	shalt  }
0x3f: {  	_ =	shalt  }
0x40: {  	_ =	shalt  }
0x41: {  	_ =	shalt  }
0x42: {  	_ =	shalt  }
0x43: {  	_ =	shalt  }
0x44: {  	_ =	shalt  }
0x45: {  	_ =	shalt  }
0x46: {  	_ =	shalt  }
0x47: {  	_ =	shalt  }
0x48: {  	_ =	shalt  }
0x49: {  	_ =	shalt  }
0x4a: {  	_ =	shalt  }
0x4b: {  	_ =	shalt  }
0x4c: {  	_ =	shalt  }
0x4d: {  	_ =	shalt  }
0x4e: {  	_ =	shalt  }
0x4f: {  	_ =	shalt  }
0x50: {  	_ =	shalt  }
0x51: {  	_ =	shalt  }
0x52: {  	_ =	shalt  }
0x53: {  	_ =	shalt  }
0x54: {  	_ =	shalt  }
0x55: {  	_ =	shalt  }
0x56: {  	_ =	shalt  }
0x57: {  	_ =	shalt  }
0x58: {  	_ =	shalt  }
0x59: {  	_ =	shalt  }
0x5a: {  	_ =	shalt  }
0x5b: {  	_ =	shalt  }
0x5c: {  	_ =	shalt  }
0x5d: {  	_ =	shalt  }
0x5e: {  	_ =	shalt  }
0x5f: {  	_ =	shalt  }
0x60: {  	_ =	shalt  }
0x61: {  	_ =	shalt  }
0x62: {  	_ =	shalt  }
0x63: {  	_ =	shalt  }
0x64: {  	_ =	shalt  }
0x65: {  	_ =	shalt  }
0x66: {  	_ =	shalt  }
0x67: {  	_ =	shalt  }
0x68: {  	_ =	shalt  }
0x69: {  	_ =	shalt  }
0x6a: {  	_ =	shalt  }
0x6b: {  	_ =	shalt  }
0x6c: {  	_ =	shalt  }
0x6d: {  	_ =	shalt  }
0x6e: {  	_ =	shalt  }
0x6f: {  	_ =	shalt  }
0x70: {  	_ =	shalt  }
0x71: {  	_ =	shalt  }
0x72: {  	_ =	shalt  }
0x73: {  	_ =	shalt  }
0x74: {  	_ =	shalt  }
0x75: {  	_ =	shalt  }
0x76: {  	_ =	shalt  }
0x77: {  	_ =	shalt  }
0x78: {  	_ =	shalt  }
0x79: {  	_ =	shalt  }
0x7a: {  	_ =	shalt  }
0x7b: {  	_ =	shalt  }
0x7c: {  	_ =	shalt  }
0x7d: {  	_ =	shalt  }
0x7e: {  	_ =	shalt  }
0x7f: {  	_ =	shalt  }
0x80: {  	_ =	shalt  }
0x81: {  	_ =	shalt  }
0x82: {  	_ =	shalt  }
0x83: {  	_ =	shalt  }
0x84: {  	_ =	shalt  }
0x85: {  	_ =	shalt  }
0x86: {  	_ =	shalt  }
0x87: {  	_ =	shalt  }
.Lfunc_end0:
.L_simem_size_0:
called_computation_lowered:
.L_overlay_start_0:
0x88: {  	s2 =	sld [smem:$0x3FD9]  }
0x89: {  	s3 =	sld [smem:$0x3FFE];
	_ =	sdelay $0x1  }
0x8a: {  	s1 =	srdreg.scid  }
0x8b: {  	s0 =	sand.u32 $0x1, s1  }
0x8c: {  	s17 =	sshll.u32 s0, $0xA;
	s2 =	sadd.s32 s3, s2  }
0x8d: {  	s2 =	sadd.s32 s2, s17  }
0x8e: {  	[smem:$0x3FC5] =	sst s2  }
0x8f: {  	_ = 	snop  }
0x90: {  	s2 =	sld [smem:$0x3FC8]  }
0x91: {  	s18 =	sld [smem:$0x3FC7];
	(tm) =	ssettm $0x1  }
0x92: {  	s4 =	sld [smem:$0x3FFB];
	_ =	sdelay $0x3  }
0x93: {  	_ =	strace s4  }
0x94: {  	s4 =	sld [smem:$0x3FFC];
	_ =	sdelay $0x3  }
0x95: {  	_ =	strace s4  }
0x96: {  	s4 =	sld [smem:$0x3FFD];
	_ =	sdelay $0x3  }
0x97: {  	_ =	strace s4  }
0x98: {  	_ =	strace $0x8FFFFFFF  }
0x99: {  	s19 =	sld [smem:$0x3FDB];
	_ =	sdelay $0x1  }
0x9a: {  	s5 =	simm.s32 $_scs_section_size  }
0x9b: {  	s6 =	simm.s32 $_size__tile_overlayer_lowered;
	s7 =	simm.s32 $_tile_overlayer_lowered  }
0x9c: {  	s22 =	simm.s32 $0x1BFF;
	s21 =	sshll.u32 s7, $0x1;
	s4 =	sadd.s32 s5, s19  }
0x9d: {  	s8 =	simm.s32 $0x0;
	s20 =	sshll.u32 s6, $0x1;
	s6 =	sadd.s32 s21, s4  }
0x9e: {  	[timem:s8], [sflag:s22] =	dma.local [hbm:s6], s20  }
0x9f: {  	_ =	swait.ge [sflag:s22], s20  }
0xa0: {  	s5 =	ssub.s32 $0x0, s20;
	[sflag:s22] =	ssyncset.done $0x0  }
0xa1: {  	[sflag:s22] =	ssyncadd.s32 s5;
	_ =	sdelay $0x1  }
0xa2: {  	s23 =	simm.s32 $0x1B8B  }
0xa3: {  	_ =	swait.ge [sflag:s23], $0x1  }
0xa4: {  	[sflag:s23] =	ssyncset.done $0x0  }
0xa5: {  	s25 =	simm.s32 $0x1B8E;
	s24 =	sld [smem:$0x3FFE];
	[sflag:s23] =	ssyncadd.s32 $0xFFFFFFFF  }
0xa6: {  	s26 =	simm.s32 $execute0_lowered;
	[smem:$0x3FD2] =	sst s25  }
0xa7: {  	s6 =	sshll.u32 s26, $0x1;
	_ =	strace $0x80000046;
	[dreg:$0x1] =	wrdreg $0xFFFFFFFF  }
0xa8: {  	s28 =	simm.s32 $_size_execute0_lowered;
	s4 =	sadd.s32 s4, s6;
	[dreg:$0x0] =	wrdreg $0x0  }
0xa9: {  	s6 =	sshll.u32 s28, $0x1;
	[dreg:$0x2] =	wrdreg s4  }
0xaa: {  	[dreg:$0x3] =	wrdreg s6  }
0xab: {  	[dreg:$0x4] =	wrdreg $0xC0  }
0xac: {  	_ =	task [dreg:s8], $0x5FFFF  }
0xad: {  	[dreg:$0x1] =	wrdreg $0xFFFFFFFF  }
0xae: {  	[dreg:$0x0] =	wrdreg $0x60  }
0xaf: {  	[dreg:$0x2] =	wrdreg s24  }
0xb0: {  	[dreg:$0x3] =	wrdreg s2  }
0xb1: {  	[dreg:$0x4] =	wrdreg s18  }
0xb2: {  	[dreg:$0x5] =	wrdreg $0x9  }
0xb3: {  	_ =	task.clear_ibuf [dreg:s8], $0x6FFFF;
	_ =	strace $0x90000046  }
0xb4: {  	s29 =	simm.s32 $0x9;
	_ =	strace $0x80000048  }
0xb5: {  	_ =	swait.ge [sflag:s29], $0x1  }
0xb6: {  	[sflag:s29] =	ssyncadd.s32 $0xFFFFFFFF  }
0xb7: {  	_ =	strace $0x90000048  }
0xb8: {  	_ =	sfence  }
0xb9: {  	s30 =	sld [smem:$0x0];
	_ =	sdelay $0x2  }
0xba: {  	s31 =	sshll.u32 s1, $0xD;
	s1 =	sshrl.u32 s1, $0x2  }
0xbb: {  	s3 =	sand.u32 $0x4000, s31;
	s1 =	sadd.s32 s1, s30  }
0xbc: {  	s0 =	sor.u32 s3, s0;
	s1 =	sshll.u32 s1, $0x11  }
0xbd: {  	s0 =	sor.u32 s1, s0  }
0xbe: {  	s0 =	sadd.s32 $0x8F2B, s0  }
0xbf: {  	[sflag:s0] =	ssyncadd.remote.s32 $0x1  }
0xc0: {  	_ =	sfence.sel $0xFFFF  }
0xc1: {  	[dreg:$0x0] =	wrdreg $0xFFFFFFFF;
	(pc) =	sbr.abs _section_cstart, $3  }
0xc2: {  	[dreg:$0x1] =	wrdreg $0xFFFFFFFF  }
0xc3: {  	_ =	task.clear_ibuf [dreg:s8], $0x2FFFF;
	_ =	strace $0x9FFFFFFF  }
0xc4: {  	(tm) =	ssettm $0x7FFFFFFF  }
0xc5: {  	_ =	shalt  }
tec
execute0_lowered:
.L_overlay_start_1:
0x0: {  	(tag) =	ssettag $0x1  }
0x1: {  	s0 =	rddreg [dreg:$0x0]  }
0x2: {  	s2 =	rddreg [dreg:$0x1]  }
0x3: {  	s1 =	srdreg.scid;
	s4 =	stileid.u32  }
0x4: {  	s3 =	rddreg [dreg:$0x2];
	s15 =	simm.s32 $0xC800;
	s16 =	simm.s32 $0xC900  }
0x5: {  	s18 =	simm.s32 $0x19200;
	s19 =	simm.s32 $0x19300;
	s20 =	simm.s32 $0x1  }
0x6: {  	s21 =	simm.s32 $0x6400;
	s22 =	simm.s32 $0x2;
	s23 =	simm.s32 $0x12E00  }
0x7: {  	s24 =	simm.s32 $0x3;
	s1 =	sand.u32 $0x1, s1;
	s5 =	sshll.u32 s4, $0x1  }
0x8: {  	s25 =	simm.s32 $0x4;
	s26 =	simm.s32 $0x0;
	s5 =	sor.u32 s1, s5  }
0x9: {  	s4 =	simm.s32 $0x0;
	s6 =	sadd.s32 $0x400, s0;
	s8 =	smul.u32 $0xC80, s5  }
0xa: {  	s7 =	sadd.s32 $0x186E00, s0;
	s1 =	ssub.s32 $0x2, s1;
	s9 =	smul.u32 $0xC8, s5  }
0xb: {  	[smem:$0x7FF] =	sst s4;
	s10 =	sshrl.u32 s1, $0x1;
	s11 =	smul.u32 $0x19, s5  }
.Ltmp0:
0xc: {  	_ =	strace $0x80000047;
	s28 =	ssub.s32 s1, s10;
	(pc) =	sbr.rel .LBB2_1-.Ltmp0, $4  }
0xd: {  	s29 =	sadd.s32 $0x1900, s9;
	s8 =	sadd.s32 s6, s8;
	s30 =	sadd.s32 s2, s11  }
0xe: {  	s10 =	sadd.s32 s3, s11;
	s14 =	smax.u32 s28, $0x1;
	[dreg:$0x4] =	wrdreg s8  }
0xf: {  	[dreg:$0x5] =	wrdreg s30;
	s31 =	sshll.u32 s29, $0x4;
	s1 =	sshrl.u32 s29, $0x3  }
0x10: {  	s11 =	sadd.s32 s6, s31;
	s12 =	sadd.s32 s2, s1;
	s13 =	sadd.s32 s3, s1  }
.LBB2_9:
0x11: {  	s26 =	sadd.s32 $0x1, s26  }
0x12: {  	_ =	swait.ge [sflag:s24], $0x6400;
	p0 =	sne.s32 s26, s14  }
.Ltmp1:
0x13: {  	[sflag:s24] =	ssyncset.done $0x0;
	(pc) =	sbr.rel @!p0 .LBB2_10-.Ltmp1, $4  }
0x14: {  	[sflag:s24] =	ssyncadd.s32 $0xFFFF9C00  }
0x15: {  	_ =	swait.ge [sflag:s25], $0x6400  }
0x16: {  	[sflag:s25] =	ssyncset.done $0x0  }
0x17: {  	[sflag:s25] =	ssyncadd.s32 $0xFFFF9C00  }
.LBB2_1:
0x18: {  	s0 =	rddreg [dreg:$0x4]  }
0x19: {  	[tilespmem:s4], [sflag:$0x1] =	stream.linear.gather [hbm4b:s0+s4], $0x6400, $0x38;
	[tilespmem:$0x19400] =	vst v63  }
0x1a: {  	s30 =	rddreg [dreg:$0x5]  }
0x1b: {  	[tilespmem:s15], [sflag:$0x1] =	stream.linear.gather [hbm4b:s30+s4], $0xC8, $0x38;
	[tilespmem:$0x19400] =	vst v63  }
0x1c: {  	_ = 	snop  }
0x1d: {  	[tilespmem:s16], [sflag:$0x1] =	stream.linear.gather [hbm4b:s10+s4], $0xC8, $0x38;
	[tilespmem:$0x19400] =	vst v63  }
0x1e: {  	s31 =	simm.s32 $0xCA00  }
0x1f: {  	[tilespmem:s31], [sflag:$0x2] =	stream.linear.gather [hbm4b:s11+s4], $0x6400, $0x38;
	[tilespmem:$0x19400] =	vst v63  }
.Ltmp2:
0x20: {  	_ = 	snop;
	(pc) =	sbr.rel .LBB2_2-.Ltmp2, $4  }
0x21: {  	_ = 	snop  }
0x22: {  	[tilespmem:s18], [sflag:$0x2] =	stream.linear.gather [hbm4b:s12+s4], $0xC8, $0x38;
	[tilespmem:$0x19400] =	vst v63  }
0x23: {  	s28 =	simm.s32 $0x0  }
0x24: {  	[tilespmem:s19], [sflag:$0x2] =	stream.linear.gather [hbm4b:s13+s4], $0xC8, $0x38;
	[tilespmem:$0x19400] =	vst v63  }
.LBB2_8:
0x25: {  	s28 =	sadd.s32 $0x1, s28  }
0x26: {  	p0 =	sne.s32 s28, $0x8  }
.Ltmp3:
0x27: {  	_ = 	snop;
	(pc) =	sbr.rel @!p0 .LBB2_9-.Ltmp3, $1  }
0x28: {  	_ =	sdelay $0x3  }
.LBB2_2:
0x29: {  	p0 =	seq.s32 s28, $0x0  }
0x2a: {  	s0 =	simm.s32 @!p0 $0x3  }
0x2b: {  	_ =	swait.ge @!p0 [sflag:s0], $0x6400  }
0x2c: {  	[sflag:s0] =	ssyncset.done @!p0 $0x0  }
0x2d: {  	[sflag:s0] =	ssyncadd.s32 @!p0 $0xFFFF9C00  }
0x2e: {  	s17 =	simm.s32 $0x0;
	_ =	swait.ge [sflag:s20], $0x6400  }
0x2f: {  	v0 =	vmov s17;
	[sflag:s20] =	ssyncset.done $0x0  }
0x30: {  	v0 =	vand.u32 $0xFFFFFFFC, v0;
	[sflag:s20] =	ssyncadd.s32 $0xFFFF9C00  }
0x31: {  	v0 =	vbroadcast v0, $0x0;
	_ =	swait.ge [sflag:s20], $0xC8  }
0x32: {  	[sflag:s20] =	ssyncset.done $0x0  }
0x33: {  	[sflag:s20] =	ssyncadd.s32 $0xFFFFFF38  }
0x34: {  	_ =	swait.ge [sflag:s20], $0xC8  }
0x35: {  	[sflag:s20] =	ssyncset.done $0x0  }
0x36: {  	[sflag:s20] =	ssyncadd.s32 $0xFFFFFF38  }
0x37: {  	v1 =	vld.idx.msk [tilespmem:v0+s16+$0x0], $0xffff;
	_ =	sdelay $0x4  }
0x38: {  	(erf) = vrcp.f32 v1;
	_ =	sdelay $0x1  }
0x39: {  	s30 =	simm.s32 $0x100;
	v0 =	vld.idx.msk [tilespmem:v0+s15+$0x0], $0xffff  }
0x3a: {  	v2 =	vld [tilespmem:s30+$0xFFFFFF10]  }
0x3b: {  	v3 =	vld [tilespmem:s30+$0xFFFFFF20]  }
0x3c: {  	v1 =	vld [tilespmem:s30+$0xFFFFFF00]  }
0x3d: {  	v4 =	vld [tilespmem:s30+$0xFFFFFF30];
	_ =	sdelay $0x2  }
0x3e: {  	v5 =	vpop (erf)  }
0x3f: {  	v2 =	vsub.f32 v0, v2;
	v1 =	vsub.f32 v0, v1;
	v5 =	vmul.f32 $1.442695020e+00, v5  }
0x40: {  	v3 =	vsub.f32 v0, v3;
	v0 =	vsub.f32 v0, v4  }
0x41: {  	v1 =	vmul.f32 v5, v1;
	v2 =	vmul.f32 v2, v5  }
0x42: {  	v3 =	vmul.f32 v3, v5;
	v0 =	vmul.f32 v0, v5  }
0x43: {  	v1 =	vmin.f32 v1, $0.0e+00;
	v2 =	vmin.f32 v2, $0.0e+00  }
0x44: {  	v3 =	vmin.f32 v3, $0.0e+00;
	v0 =	vmin.f32 v0, $0.0e+00;
	v1 =	vmax.f32 v1, $-1.260000000e+02  }
0x45: {  	v2 =	vmax.f32 v2, $-1.260000000e+02;
	v3 =	vmax.f32 v3, $-1.260000000e+02;
	v4 =	vadd.f32 $-5.000000000e-01, v1  }
0x46: {  	v0 =	vmax.f32 v0, $-1.260000000e+02;
	v5 =	vadd.f32 $-5.000000000e-01, v2;
	v6 =	vadd.f32 $-5.000000000e-01, v3  }
0x47: {  	v7 =	vadd.f32 $-5.000000000e-01, v0;
	v4 =	vtrunc.f32 v4  }
0x48: {  	v5 =	vtrunc.f32 v5;
	v6 =	vtrunc.f32 v6  }
0x49: {  	v7 =	vtrunc.f32 v7;
	v5 =	vcvt.f32.s32 v5  }
0x4a: {  	v4 =	vcvt.f32.s32 v4;
	v6 =	vcvt.f32.s32 v6  }
0x4b: {  	v7 =	vcvt.f32.s32 v7;
	v8 =	vcvt.s32.f32 v5  }
0x4c: {  	v10 =	vcvt.s32.f32 v6  }
0x4d: {  	v9 =	vcvt.s32.f32 v4;
	v2 =	vsub.f32 v2, v8;
	v8 =	vcvt.s32.f32 v7  }
0x4e: {  	v3 =	vsub.f32 v3, v10  }
0x4f: {  	v1 =	vsub.f32 v1, v9;
	v0 =	vsub.f32 v0, v8;
	v8 =	vmul.f32 $5.587553610e-02, v2  }
0x50: {  	v10 =	vmul.f32 $5.587553610e-02, v3  }
0x51: {  	v9 =	vmul.f32 $5.587553610e-02, v1;
	v8 =	vadd.f32 $2.422946240e-01, v8  }
0x52: {  	v11 =	vmul.f32 $5.587553610e-02, v0;
	v10 =	vadd.f32 $2.422946240e-01, v10  }
0x53: {  	v4 =	vshll.u32 v4, $0x17;
	v9 =	vadd.f32 $2.422946240e-01, v9;
	v8 =	vmul.f32 v8, v2  }
0x54: {  	v5 =	vshll.u32 v5, $0x17;
	v11 =	vadd.f32 $2.422946240e-01, v11;
	v10 =	vmul.f32 v10, v3  }
0x55: {  	v6 =	vshll.u32 v6, $0x17;
	v9 =	vmul.f32 v9, v1;
	v8 =	vadd.f32 $6.931272750e-01, v8  }
0x56: {  	v6 =	vadd.s32 $0x3F800000, v6;
	v11 =	vmul.f32 v11, v0;
	v10 =	vadd.f32 $6.931272750e-01, v10  }
0x57: {  	v5 =	vadd.s32 $0x3F800000, v5;
	v9 =	vadd.f32 $6.931272750e-01, v9;
	v2 =	vmul.f32 v8, v2  }
0x58: {  	s1 =	simm.s32 $0x1;
	v4 =	vadd.s32 $0x3F800000, v4;
	v11 =	vadd.f32 $6.931272750e-01, v11;
	v3 =	vmul.f32 v10, v3  }
0x59: {  	v1 =	vmul.f32 v9, v1;
	v8 =	vmov s1;
	v2 =	vadd.f32 $9.999482630e-01, v2  }
0x5a: {  	v8 =	vand.u32 $0xFFFFFFFD, v8;
	v0 =	vmul.f32 v11, v0;
	v3 =	vadd.f32 $9.999482630e-01, v3  }
0x5b: {  	v1 =	vadd.f32 $9.999482630e-01, v1;
	v2 =	vmul.f32 v5, v2;
	v5 =	vbroadcast v8, $0x0  }
0x5c: {  	s31 =	simm.s32 $0x6500;
	v7 =	vshll.u32 v7, $0x17;
	v0 =	vadd.f32 $9.999482630e-01, v0;
	v3 =	vmul.f32 v6, v3  }
0x5d: {  	v7 =	vadd.s32 $0x3F800000, v7;
	v1 =	vmul.f32 v4, v1;
	[tilespmem:s31+$0xFFFFFF10] =	vst v2  }
0x5e: {  	v0 =	vmul.f32 v7, v0;
	[tilespmem:s31+$0xFFFFFF20] =	vst v3  }
0x5f: {  	[tilespmem:s31+$0xFFFFFF00] =	vst v1  }
0x60: {  	[tilespmem:s31+$0xFFFFFF30] =	vst v0  }
0x61: {  	v0 =	vld.idx.msk [tilespmem:v5+s16+$0x0], $0xffff;
	_ =	sdelay $0x4  }
0x62: {  	(erf) = vrcp.f32 v0;
	_ =	sdelay $0x1  }
0x63: {  	v2 =	vld [tilespmem:s30+$0xFFFFFF80]  }
0x64: {  	v3 =	vld [tilespmem:s30+$0xFFFFFF90]  }
0x65: {  	v4 =	vld [tilespmem:s30+$0xFFFFFFA0]  }
0x66: {  	v1 =	vld.idx.msk [tilespmem:v5+s15+$0x0], $0xffff  }
0x67: {  	v0 =	vld [tilespmem:s30+$0xFFFFFFB0];
	_ =	sdelay $0x2  }
0x68: {  	v5 =	vpop (erf)  }
0x69: {  	v2 =	vsub.f32 v1, v2;
	v3 =	vsub.f32 v1, v3;
	v5 =	vmul.f32 $1.442695020e+00, v5  }
0x6a: {  	v0 =	vsub.f32 v1, v0;
	v1 =	vsub.f32 v1, v4  }
0x6b: {  	v2 =	vmul.f32 v5, v2;
	v3 =	vmul.f32 v3, v5  }
0x6c: {  	v0 =	vmul.f32 v0, v5;
	v1 =	vmul.f32 v1, v5  }
0x6d: {  	v2 =	vmin.f32 v2, $0.0e+00;
	v3 =	vmin.f32 v3, $0.0e+00  }
0x6e: {  	v0 =	vmin.f32 v0, $0.0e+00;
	v1 =	vmin.f32 v1, $0.0e+00;
	v2 =	vmax.f32 v2, $-1.260000000e+02  }
0x6f: {  	v3 =	vmax.f32 v3, $-1.260000000e+02;
	v1 =	vmax.f32 v1, $-1.260000000e+02;
	v4 =	vadd.f32 $-5.000000000e-01, v2  }
0x70: {  	v0 =	vmax.f32 v0, $-1.260000000e+02;
	v5 =	vadd.f32 $-5.000000000e-01, v3;
	v6 =	vadd.f32 $-5.000000000e-01, v1  }
0x71: {  	v7 =	vadd.f32 $-5.000000000e-01, v0;
	v4 =	vtrunc.f32 v4  }
0x72: {  	v5 =	vtrunc.f32 v5;
	v6 =	vtrunc.f32 v6  }
0x73: {  	v7 =	vtrunc.f32 v7;
	v4 =	vcvt.f32.s32 v4  }
0x74: {  	v6 =	vcvt.f32.s32 v6;
	v7 =	vcvt.f32.s32 v7  }
0x75: {  	v5 =	vcvt.f32.s32 v5;
	v8 =	vcvt.s32.f32 v4  }
0x76: {  	v9 =	vcvt.s32.f32 v6  }
0x77: {  	v10 =	vcvt.s32.f32 v7;
	v2 =	vsub.f32 v2, v8;
	v8 =	vcvt.s32.f32 v5  }
0x78: {  	v1 =	vsub.f32 v1, v9  }
0x79: {  	v0 =	vsub.f32 v0, v10;
	v3 =	vsub.f32 v3, v8;
	v8 =	vmul.f32 $5.587553610e-02, v2  }
0x7a: {  	v9 =	vmul.f32 $5.587553610e-02, v1  }
0x7b: {  	v10 =	vmul.f32 $5.587553610e-02, v0;
	v8 =	vadd.f32 $2.422946240e-01, v8  }
0x7c: {  	v11 =	vmul.f32 $5.587553610e-02, v3;
	v9 =	vadd.f32 $2.422946240e-01, v9  }
0x7d: {  	v4 =	vshll.u32 v4, $0x17;
	v10 =	vadd.f32 $2.422946240e-01, v10;
	v8 =	vmul.f32 v8, v2  }
0x7e: {  	v6 =	vshll.u32 v6, $0x17;
	v11 =	vadd.f32 $2.422946240e-01, v11;
	v9 =	vmul.f32 v9, v1  }
0x7f: {  	v7 =	vshll.u32 v7, $0x17;
	v10 =	vmul.f32 v10, v0;
	v8 =	vadd.f32 $6.931272750e-01, v8  }
0x80: {  	v4 =	vadd.s32 $0x3F800000, v4;
	v11 =	vmul.f32 v11, v3;
	v9 =	vadd.f32 $6.931272750e-01, v9  }
0x81: {  	v6 =	vadd.s32 $0x3F800000, v6;
	v10 =	vadd.f32 $6.931272750e-01, v10;
	v2 =	vmul.f32 v8, v2  }
0x82: {  	s8 =	simm.s32 $0x2;
	v5 =	vshll.u32 v5, $0x17;
	v11 =	vadd.f32 $6.931272750e-01, v11;
	v1 =	vmul.f32 v9, v1  }
0x83: {  	v8 =	vmov s8;
	v0 =	vmul.f32 v10, v0;
	v2 =	vadd.f32 $9.999482630e-01, v2  }
0x84: {  	v8 =	vand.u32 $0xFFFFFFFE, v8;
	v3 =	vmul.f32 v11, v3;
	v1 =	vadd.f32 $9.999482630e-01, v1  }
0x85: {  	v0 =	vadd.f32 $9.999482630e-01, v0;
	v2 =	vmul.f32 v4, v2;
	v4 =	vbroadcast v8, $0x0  }
0x86: {  	v3 =	vadd.f32 $9.999482630e-01, v3;
	v1 =	vmul.f32 v6, v1;
	v6 =	vadd.s32 $0x3F800000, v7  }
0x87: {  	v5 =	vadd.s32 $0x3F800000, v5;
	v0 =	vmul.f32 v6, v0;
	[tilespmem:s31+$0xFFFFFF80] =	vst v2  }
0x88: {  	v2 =	vmul.f32 v5, v3;
	[tilespmem:s31+$0xFFFFFFA0] =	vst v1  }
0x89: {  	[tilespmem:s31+$0xFFFFFFB0] =	vst v0  }
0x8a: {  	[tilespmem:s31+$0xFFFFFF90] =	vst v2  }
0x8b: {  	v0 =	vld.idx.msk [tilespmem:v4+s16+$0x0], $0xffff;
	_ =	sdelay $0x4  }
0x8c: {  	(erf) = vrcp.f32 v0;
	_ =	sdelay $0x1  }
0x8d: {  	v2 =	vld [tilespmem:s30+$0x20]  }
0x8e: {  	v3 =	vld [tilespmem:s30+$0x30]  }
0x8f: {  	v1 =	vld.idx.msk [tilespmem:v4+s15+$0x0], $0xffff  }
0x90: {  	v0 =	vld [tilespmem:s30+$0x10]  }
0x91: {  	v4 =	vld [tilespmem:s30+$0x0];
	_ =	sdelay $0x2  }
0x92: {  	v5 =	vpop (erf)  }
0x93: {  	v2 =	vsub.f32 v1, v2;
	v0 =	vsub.f32 v1, v0;
	v5 =	vmul.f32 $1.442695020e+00, v5  }
0x94: {  	v3 =	vsub.f32 v1, v3;
	v1 =	vsub.f32 v1, v4  }
0x95: {  	v0 =	vmul.f32 v0, v5  }
0x96: {  	v2 =	vmul.f32 v2, v5;
	v1 =	vmul.f32 v5, v1  }
0x97: {  	v3 =	vmul.f32 v3, v5;
	v0 =	vmin.f32 v0, $0.0e+00  }
0x98: {  	v2 =	vmin.f32 v2, $0.0e+00;
	v1 =	vmin.f32 v1, $0.0e+00;
	v0 =	vmax.f32 v0, $-1.260000000e+02  }
0x99: {  	v2 =	vmax.f32 v2, $-1.260000000e+02;
	v1 =	vmax.f32 v1, $-1.260000000e+02;
	v4 =	vadd.f32 $-5.000000000e-01, v0  }
0x9a: {  	v3 =	vmin.f32 v3, $0.0e+00;
	v5 =	vadd.f32 $-5.000000000e-01, v2;
	v7 =	vadd.f32 $-5.000000000e-01, v1  }
0x9b: {  	v3 =	vmax.f32 v3, $-1.260000000e+02;
	v4 =	vtrunc.f32 v4  }
0x9c: {  	v6 =	vadd.f32 $-5.000000000e-01, v3;
	v5 =	vtrunc.f32 v5;
	v7 =	vtrunc.f32 v7  }
0x9d: {  	v4 =	vcvt.f32.s32 v4;
	v5 =	vcvt.f32.s32 v5  }
0x9e: {  	v6 =	vtrunc.f32 v6;
	v7 =	vcvt.f32.s32 v7  }
0x9f: {  	v8 =	vcvt.s32.f32 v4;
	v9 =	vcvt.s32.f32 v5  }
0xa0: {  	v6 =	vcvt.f32.s32 v6  }
0xa1: {  	v0 =	vsub.f32 v0, v8;
	v8 =	vcvt.s32.f32 v7;
	v2 =	vsub.f32 v2, v9  }
0xa2: {  	v9 =	vcvt.s32.f32 v6  }
0xa3: {  	v10 =	vmul.f32 $5.587553610e-02, v0;
	v1 =	vsub.f32 v1, v8;
	v8 =	vmul.f32 $5.587553610e-02, v2  }
0xa4: {  	v3 =	vsub.f32 v3, v9  }
0xa5: {  	v9 =	vadd.f32 $2.422946240e-01, v10;
	v10 =	vmul.f32 $5.587553610e-02, v1;
	v8 =	vadd.f32 $2.422946240e-01, v8  }
0xa6: {  	v11 =	vmul.f32 $5.587553610e-02, v3  }
0xa7: {  	v9 =	vmul.f32 v9, v0;
	v10 =	vadd.f32 $2.422946240e-01, v10;
	v8 =	vmul.f32 v8, v2  }
0xa8: {  	v11 =	vadd.f32 $2.422946240e-01, v11  }
0xa9: {  	v9 =	vadd.f32 $6.931272750e-01, v9;
	v10 =	vmul.f32 v10, v1;
	v8 =	vadd.f32 $6.931272750e-01, v8  }
0xaa: {  	v4 =	vshll.u32 v4, $0x17;
	v5 =	vshll.u32 v5, $0x17;
	v11 =	vmul.f32 v11, v3  }
0xab: {  	v0 =	vmul.f32 v9, v0;
	v9 =	vadd.f32 $6.931272750e-01, v10;
	v2 =	vmul.f32 v8, v2  }
0xac: {  	v4 =	vadd.s32 $0x3F800000, v4;
	v5 =	vadd.s32 $0x3F800000, v5;
	v8 =	vadd.f32 $6.931272750e-01, v11  }
0xad: {  	v0 =	vadd.f32 $9.999482630e-01, v0;
	v1 =	vmul.f32 v9, v1;
	v2 =	vadd.f32 $9.999482630e-01, v2  }
0xae: {  	v7 =	vshll.u32 v7, $0x17;
	v6 =	vshll.u32 v6, $0x17;
	v3 =	vmul.f32 v8, v3  }
0xaf: {  	s9 =	simm.s32 $0x3;
	v0 =	vmul.f32 v4, v0;
	v1 =	vadd.f32 $9.999482630e-01, v1;
	v2 =	vmul.f32 v5, v2  }
0xb0: {  	v3 =	vadd.f32 $9.999482630e-01, v3;
	v4 =	vadd.s32 $0x3F800000, v7;
	v5 =	vmov s9  }
0xb1: {  	[tilespmem:s31+$0x10] =	vst v0;
	v0 =	vadd.s32 $0x3F800000, v6;
	v1 =	vmul.f32 v4, v1  }
0xb2: {  	[tilespmem:s31+$0x20] =	vst v2;
	v0 =	vmul.f32 v0, v3  }
0xb3: {  	[tilespmem:s31+$0x0] =	vst v1  }
0xb4: {  	[tilespmem:s31+$0x30] =	vst v0  }
0xb5: {  	v0 =	vld.idx.msk [tilespmem:v5+s16+$0x0], $0xffff;
	_ =	sdelay $0x4  }
0xb6: {  	(erf) = vrcp.f32 v0;
	_ =	sdelay $0x3  }
0xb7: {  	v1 =	vld [tilespmem:s30+$0x80]  }
0xb8: {  	v0 =	vld.idx.msk [tilespmem:v5+s15+$0x0], $0xffff  }
0xb9: {  	v2 =	vld [tilespmem:s30+$0x90]  }
0xba: {  	v3 =	vld [tilespmem:s30+$0xA0]  }
0xbb: {  	v4 =	vld [tilespmem:s30+$0xB0]  }
0xbc: {  	v5 =	vpop (erf)  }
0xbd: {  	v1 =	vsub.f32 v0, v1;
	v5 =	vmul.f32 $1.442695020e+00, v5  }
0xbe: {  	v2 =	vsub.f32 v0, v2  }
0xbf: {  	v3 =	vsub.f32 v0, v3;
	v1 =	vmul.f32 v5, v1  }
0xc0: {  	v0 =	vsub.f32 v0, v4;
	v2 =	vmul.f32 v2, v5  }
0xc1: {  	v3 =	vmul.f32 v3, v5;
	v1 =	vmin.f32 v1, $0.0e+00  }
0xc2: {  	v0 =	vmul.f32 v0, v5;
	v2 =	vmin.f32 v2, $0.0e+00;
	v4 =	vmax.f32 v1, $-1.260000000e+02  }
0xc3: {  	v1 =	vmin.f32 v3, $0.0e+00;
	v3 =	vmax.f32 v2, $-1.260000000e+02;
	v2 =	vadd.f32 $-5.000000000e-01, v4  }
0xc4: {  	v0 =	vmin.f32 v0, $0.0e+00;
	v6 =	vmax.f32 v1, $-1.260000000e+02;
	v1 =	vadd.f32 $-5.000000000e-01, v3  }
0xc5: {  	v8 =	vmax.f32 v0, $-1.260000000e+02;
	v0 =	vadd.f32 $-5.000000000e-01, v6;
	v2 =	vtrunc.f32 v2  }
0xc6: {  	v5 =	vadd.f32 $-5.000000000e-01, v8;
	v1 =	vtrunc.f32 v1;
	v7 =	vcvt.f32.s32 v2  }
0xc7: {  	v2 =	vcvt.f32.s32 v1;
	v0 =	vtrunc.f32 v0  }
0xc8: {  	v1 =	vtrunc.f32 v5;
	v0 =	vcvt.f32.s32 v0  }
0xc9: {  	v9 =	vcvt.f32.s32 v1;
	v5 =	vcvt.s32.f32 v2  }
0xca: {  	v1 =	vshll.u32 v7, $0x17;
	v7 =	vcvt.s32.f32 v7;
	v10 =	vcvt.s32.f32 v0  }
0xcb: {  	v2 =	vshll.u32 v2, $0x17;
	v11 =	vcvt.s32.f32 v9;
	v5 =	vsub.f32 v3, v5  }
0xcc: {  	s17 =	sshll.u32 s28, $0x6;
	v3 =	vshll.u32 v0, $0x17;
	v4 =	vsub.f32 v4, v7;
	v7 =	vsub.f32 v6, v10  }
0xcd: {  	s29 =	sor.u32 s5, s17;
	s0 =	simm.s32 $0x7;
	s1 =	simm.s32 $0x6500;
	v0 =	vshll.u32 v9, $0x17;
	v6 =	vsub.f32 v8, v11;
	v8 =	vmul.f32 $5.587553610e-02, v5  }
.LBB2_3:
0xce: {  	p1 =	sne.s32 s0, $0xC7;
	v9 =	vmul.f32 $5.587553610e-02, v7;
	s30 =	sadd.s32 $0x200, s30;
	s31 =	sadd.s32 $0x200, s31  }
0xcf: {  	v10 =	vmul.f32 $5.587553610e-02, v4;
	s17 =	smov.u32 s0;
	s0 =	sadd.s32 $0x4, s0;
	v8 =	vadd.f32 $2.422946240e-01, v8;
	v11 =	vmul.f32 $5.587553610e-02, v6  }
0xd0: {  	v9 =	vadd.f32 $2.422946240e-01, v9  }
0xd1: {  	v10 =	vadd.f32 $2.422946240e-01, v10;
	v11 =	vadd.f32 $2.422946240e-01, v11;
	v8 =	vmul.f32 v8, v5  }
0xd2: {  	v9 =	vmul.f32 v9, v7  }
0xd3: {  	v10 =	vmul.f32 v10, v4;
	v8 =	vadd.f32 $6.931272750e-01, v8;
	v11 =	vmul.f32 v11, v6  }
0xd4: {  	v1 =	vadd.s32 $0x3F800000, v1;
	v9 =	vadd.f32 $6.931272750e-01, v9  }
0xd5: {  	v10 =	vadd.f32 $6.931272750e-01, v10;
	v11 =	vadd.f32 $6.931272750e-01, v11;
	v5 =	vmul.f32 v8, v5  }
0xd6: {  	v2 =	vadd.s32 $0x3F800000, v2;
	v3 =	vadd.s32 $0x3F800000, v3;
	s8 =	sadd.s32 $0xFFFFFFFD, s17;
	v7 =	vmul.f32 v9, v7  }
0xd7: {  	v8 =	vmov s8;
	v5 =	vadd.f32 $9.999482630e-01, v5;
	v6 =	vmul.f32 v11, v6  }
0xd8: {  	v8 =	vand.u32 $0xFFFFFFFC, v8;
	v4 =	vmul.f32 v10, v4;
	v7 =	vadd.f32 $9.999482630e-01, v7  }
0xd9: {  	v8 =	vbroadcast v8, $0x0;
	v6 =	vadd.f32 $9.999482630e-01, v6;
	v2 =	vmul.f32 v2, v5  }
0xda: {  	v0 =	vadd.s32 $0x3F800000, v0;
	v4 =	vadd.f32 $9.999482630e-01, v4;
	v3 =	vmul.f32 v3, v7  }
0xdb: {  	[tilespmem:s1+$0x90] =	vst v2;
	v0 =	vmul.f32 v0, v6  }
0xdc: {  	v1 =	vmul.f32 v1, v4;
	[tilespmem:s1+$0xA0] =	vst v3  }
0xdd: {  	[tilespmem:s1+$0xB0] =	vst v0  }
0xde: {  	[tilespmem:s1+$0x80] =	vst v1;
	s1 =	smov.u32 s31  }
0xdf: {  	v0 =	vld.idx.msk [tilespmem:v8+s16+$0x0], $0xffff;
	_ =	sdelay $0x5  }
0xe0: {  	(erf) = vrcp.f32 v0;
	_ =	sdelay $0x1  }
0xe1: {  	v0 =	vld [tilespmem:s30+$0xFFFFFF20]  }
0xe2: {  	v1 =	vld [tilespmem:s30+$0xFFFFFF30]  }
0xe3: {  	v2 =	vld.idx.msk [tilespmem:v8+s15+$0x0], $0xffff  }
0xe4: {  	v3 =	vld [tilespmem:s30+$0xFFFFFF00]  }
0xe5: {  	v4 =	vld [tilespmem:s30+$0xFFFFFF10];
	_ =	sdelay $0x2  }
0xe6: {  	v5 =	vpop (erf)  }
0xe7: {  	v1 =	vsub.f32 v2, v1;
	v5 =	vmul.f32 $1.442695020e+00, v5;
	v3 =	vsub.f32 v2, v3  }
0xe8: {  	v0 =	vsub.f32 v2, v0;
	v4 =	vsub.f32 v2, v4  }
0xe9: {  	v2 =	vmul.f32 v5, v3;
	v1 =	vmul.f32 v1, v5  }
0xea: {  	v0 =	vmul.f32 v0, v5;
	v3 =	vmul.f32 v4, v5  }
0xeb: {  	v2 =	vmin.f32 v2, $0.0e+00;
	v1 =	vmin.f32 v1, $0.0e+00  }
0xec: {  	v0 =	vmin.f32 v0, $0.0e+00;
	v3 =	vmin.f32 v3, $0.0e+00;
	v2 =	vmax.f32 v2, $-1.260000000e+02  }
0xed: {  	v0 =	vmax.f32 v0, $-1.260000000e+02;
	v3 =	vmax.f32 v3, $-1.260000000e+02;
	v4 =	vadd.f32 $-5.000000000e-01, v2  }
0xee: {  	v1 =	vmax.f32 v1, $-1.260000000e+02;
	v6 =	vadd.f32 $-5.000000000e-01, v0;
	v5 =	vadd.f32 $-5.000000000e-01, v3  }
0xef: {  	v7 =	vadd.f32 $-5.000000000e-01, v1;
	v4 =	vtrunc.f32 v4  }
0xf0: {  	v4 =	vcvt.f32.s32 v4;
	v5 =	vtrunc.f32 v5  }
0xf1: {  	v6 =	vtrunc.f32 v6;
	v5 =	vcvt.f32.s32 v5  }
0xf2: {  	v7 =	vtrunc.f32 v7;
	v6 =	vcvt.f32.s32 v6;
	v8 =	vshll.u32 v4, $0x17  }
0xf3: {  	v7 =	vcvt.f32.s32 v7;
	v9 =	vcvt.s32.f32 v5;
	v5 =	vshll.u32 v5, $0x17  }
0xf4: {  	v4 =	vcvt.s32.f32 v4;
	v10 =	vcvt.s32.f32 v6;
	v6 =	vshll.u32 v6, $0x17  }
0xf5: {  	v3 =	vsub.f32 v3, v9;
	v9 =	vcvt.s32.f32 v7;
	v7 =	vshll.u32 v7, $0x17  }
0xf6: {  	v2 =	vsub.f32 v2, v4;
	v0 =	vsub.f32 v0, v10  }
0xf7: {  	v1 =	vsub.f32 v1, v9;
	v4 =	vmul.f32 $5.587553610e-02, v3  }
0xf8: {  	v10 =	vmul.f32 $5.587553610e-02, v0;
	v9 =	vmul.f32 $5.587553610e-02, v2  }
0xf9: {  	v4 =	vadd.f32 $2.422946240e-01, v4;
	v11 =	vmul.f32 $5.587553610e-02, v1  }
0xfa: {  	v10 =	vadd.f32 $2.422946240e-01, v10;
	v9 =	vadd.f32 $2.422946240e-01, v9  }
0xfb: {  	v11 =	vadd.f32 $2.422946240e-01, v11;
	v4 =	vmul.f32 v4, v3  }
0xfc: {  	v10 =	vmul.f32 v10, v0;
	v9 =	vmul.f32 v9, v2  }
0xfd: {  	v4 =	vadd.f32 $6.931272750e-01, v4;
	v11 =	vmul.f32 v11, v1  }
0xfe: {  	v8 =	vadd.s32 $0x3F800000, v8;
	v10 =	vadd.f32 $6.931272750e-01, v10;
	v9 =	vadd.f32 $6.931272750e-01, v9  }
0xff: {  	v11 =	vadd.f32 $6.931272750e-01, v11;
	v3 =	vmul.f32 v4, v3;
	v4 =	vadd.s32 $0x3F800000, v6  }
0x100: {  	s8 =	sadd.s32 $0xFFFFFFFE, s17;
	v5 =	vadd.s32 $0x3F800000, v5;
	v0 =	vmul.f32 v10, v0;
	v2 =	vmul.f32 v9, v2  }
0x101: {  	v6 =	vmov s8;
	v3 =	vadd.f32 $9.999482630e-01, v3;
	v1 =	vmul.f32 v11, v1  }
0x102: {  	v0 =	vadd.f32 $9.999482630e-01, v0;
	v6 =	vand.u32 $0xFFFFFFFD, v6;
	v2 =	vadd.f32 $9.999482630e-01, v2  }
0x103: {  	v1 =	vadd.f32 $9.999482630e-01, v1;
	v3 =	vmul.f32 v5, v3;
	v5 =	vbroadcast v6, $0x0  }
0x104: {  	v0 =	vmul.f32 v4, v0;
	v6 =	vadd.s32 $0x3F800000, v7;
	v2 =	vmul.f32 v8, v2  }
0x105: {  	[tilespmem:s31+$0xFFFFFF10] =	vst v3;
	v1 =	vmul.f32 v6, v1  }
0x106: {  	[tilespmem:s31+$0xFFFFFF20] =	vst v0  }
0x107: {  	[tilespmem:s31+$0xFFFFFF30] =	vst v1  }
0x108: {  	[tilespmem:s31+$0xFFFFFF00] =	vst v2  }
0x109: {  	v0 =	vld.idx.msk [tilespmem:v5+s16+$0x0], $0xffff;
	_ =	sdelay $0x5  }
0x10a: {  	(erf) = vrcp.f32 v0;
	_ =	sdelay $0x1  }
0x10b: {  	v0 =	vld [tilespmem:s30+$0xFFFFFFB0]  }
0x10c: {  	v1 =	vld [tilespmem:s30+$0xFFFFFF90]  }
0x10d: {  	v2 =	vld.idx.msk [tilespmem:v5+s15+$0x0], $0xffff  }
0x10e: {  	v3 =	vld [tilespmem:s30+$0xFFFFFF80]  }
0x10f: {  	v4 =	vld [tilespmem:s30+$0xFFFFFFA0];
	_ =	sdelay $0x2  }
0x110: {  	v5 =	vpop (erf)  }
0x111: {  	v1 =	vsub.f32 v2, v1;
	v5 =	vmul.f32 $1.442695020e+00, v5;
	v3 =	vsub.f32 v2, v3  }
0x112: {  	v0 =	vsub.f32 v2, v0;
	v4 =	vsub.f32 v2, v4  }
0x113: {  	v2 =	vmul.f32 v5, v3;
	v1 =	vmul.f32 v1, v5  }
0x114: {  	v0 =	vmul.f32 v0, v5;
	v3 =	vmul.f32 v4, v5  }
0x115: {  	v2 =	vmin.f32 v2, $0.0e+00;
	v1 =	vmin.f32 v1, $0.0e+00  }
0x116: {  	v0 =	vmin.f32 v0, $0.0e+00;
	v2 =	vmax.f32 v2, $-1.260000000e+02;
	v1 =	vmax.f32 v1, $-1.260000000e+02  }
0x117: {  	v3 =	vmin.f32 v3, $0.0e+00;
	v4 =	vadd.f32 $-5.000000000e-01, v2;
	v5 =	vadd.f32 $-5.000000000e-01, v1  }
0x118: {  	v0 =	vmax.f32 v0, $-1.260000000e+02;
	v3 =	vmax.f32 v3, $-1.260000000e+02  }
0x119: {  	v7 =	vadd.f32 $-5.000000000e-01, v0;
	v6 =	vadd.f32 $-5.000000000e-01, v3;
	v4 =	vtrunc.f32 v4  }
0x11a: {  	v5 =	vtrunc.f32 v5;
	v4 =	vcvt.f32.s32 v4  }
0x11b: {  	v7 =	vtrunc.f32 v7;
	v6 =	vtrunc.f32 v6  }
0x11c: {  	v7 =	vcvt.f32.s32 v7;
	v6 =	vcvt.f32.s32 v6;
	v8 =	vshll.u32 v4, $0x17  }
0x11d: {  	v5 =	vcvt.f32.s32 v5;
	v4 =	vcvt.s32.f32 v4  }
0x11e: {  	v10 =	vcvt.s32.f32 v7;
	v9 =	vcvt.s32.f32 v6;
	v6 =	vshll.u32 v6, $0x17  }
0x11f: {  	v7 =	vshll.u32 v7, $0x17;
	v2 =	vsub.f32 v2, v4;
	v4 =	vcvt.s32.f32 v5  }
0x120: {  	v0 =	vsub.f32 v0, v10;
	v5 =	vshll.u32 v5, $0x17;
	v3 =	vsub.f32 v3, v9  }
0x121: {  	v1 =	vsub.f32 v1, v4;
	v4 =	vmul.f32 $5.587553610e-02, v2  }
0x122: {  	v10 =	vmul.f32 $5.587553610e-02, v0;
	v9 =	vmul.f32 $5.587553610e-02, v3  }
0x123: {  	v4 =	vadd.f32 $2.422946240e-01, v4;
	v11 =	vmul.f32 $5.587553610e-02, v1  }
0x124: {  	v10 =	vadd.f32 $2.422946240e-01, v10;
	v9 =	vadd.f32 $2.422946240e-01, v9  }
0x125: {  	v11 =	vadd.f32 $2.422946240e-01, v11;
	v4 =	vmul.f32 v4, v2  }
0x126: {  	v10 =	vmul.f32 v10, v0;
	v9 =	vmul.f32 v9, v3  }
0x127: {  	v4 =	vadd.f32 $6.931272750e-01, v4;
	v11 =	vmul.f32 v11, v1  }
0x128: {  	v8 =	vadd.s32 $0x3F800000, v8;
	v10 =	vadd.f32 $6.931272750e-01, v10;
	v9 =	vadd.f32 $6.931272750e-01, v9  }
0x129: {  	v11 =	vadd.f32 $6.931272750e-01, v11;
	v2 =	vmul.f32 v4, v2;
	v4 =	vadd.s32 $0x3F800000, v6  }
0x12a: {  	s8 =	sadd.s32 $0xFFFFFFFF, s17;
	v0 =	vmul.f32 v10, v0;
	v6 =	vadd.s32 $0x3F800000, v7;
	v3 =	vmul.f32 v9, v3  }
0x12b: {  	v7 =	vmov s8;
	v2 =	vadd.f32 $9.999482630e-01, v2;
	v1 =	vmul.f32 v11, v1  }
0x12c: {  	v7 =	vand.u32 $0xFFFFFFFE, v7;
	v0 =	vadd.f32 $9.999482630e-01, v0;
	v3 =	vadd.f32 $9.999482630e-01, v3  }
0x12d: {  	v7 =	vbroadcast v7, $0x0;
	v1 =	vadd.f32 $9.999482630e-01, v1;
	v2 =	vmul.f32 v8, v2  }
0x12e: {  	v5 =	vadd.s32 $0x3F800000, v5;
	v0 =	vmul.f32 v6, v0;
	v3 =	vmul.f32 v4, v3  }
0x12f: {  	v1 =	vmul.f32 v5, v1;
	[tilespmem:s31+$0xFFFFFF80] =	vst v2  }
0x130: {  	[tilespmem:s31+$0xFFFFFFA0] =	vst v3  }
0x131: {  	[tilespmem:s31+$0xFFFFFF90] =	vst v1  }
0x132: {  	[tilespmem:s31+$0xFFFFFFB0] =	vst v0  }
0x133: {  	v0 =	vld.idx.msk [tilespmem:v7+s16+$0x0], $0xffff;
	_ =	sdelay $0x5  }
0x134: {  	(erf) = vrcp.f32 v0;
	_ =	sdelay $0x1  }
0x135: {  	v0 =	vld [tilespmem:s30+$0x30]  }
0x136: {  	v1 =	vld [tilespmem:s30+$0x10]  }
0x137: {  	v2 =	vld.idx.msk [tilespmem:v7+s15+$0x0], $0xffff  }
0x138: {  	v3 =	vld [tilespmem:s30+$0x0]  }
0x139: {  	v4 =	vld [tilespmem:s30+$0x20];
	_ =	sdelay $0x2  }
0x13a: {  	v5 =	vpop (erf)  }
0x13b: {  	v1 =	vsub.f32 v2, v1;
	v5 =	vmul.f32 $1.442695020e+00, v5;
	v3 =	vsub.f32 v2, v3  }
0x13c: {  	v0 =	vsub.f32 v2, v0;
	v4 =	vsub.f32 v2, v4  }
0x13d: {  	v2 =	vmul.f32 v5, v3;
	v1 =	vmul.f32 v1, v5  }
0x13e: {  	v0 =	vmul.f32 v0, v5;
	v3 =	vmul.f32 v4, v5  }
0x13f: {  	v2 =	vmin.f32 v2, $0.0e+00;
	v1 =	vmin.f32 v1, $0.0e+00  }
0x140: {  	v0 =	vmin.f32 v0, $0.0e+00;
	v3 =	vmin.f32 v3, $0.0e+00;
	v1 =	vmax.f32 v1, $-1.260000000e+02  }
0x141: {  	v0 =	vmax.f32 v0, $-1.260000000e+02;
	v3 =	vmax.f32 v3, $-1.260000000e+02;
	v4 =	vadd.f32 $-5.000000000e-01, v1  }
0x142: {  	v2 =	vmax.f32 v2, $-1.260000000e+02;
	v6 =	vadd.f32 $-5.000000000e-01, v0;
	v5 =	vadd.f32 $-5.000000000e-01, v3  }
0x143: {  	v7 =	vadd.f32 $-5.000000000e-01, v2;
	v4 =	vtrunc.f32 v4  }
0x144: {  	v4 =	vcvt.f32.s32 v4;
	v5 =	vtrunc.f32 v5  }
0x145: {  	v6 =	vtrunc.f32 v6;
	v5 =	vcvt.f32.s32 v5  }
0x146: {  	v7 =	vtrunc.f32 v7;
	v8 =	vcvt.s32.f32 v4;
	v4 =	vshll.u32 v4, $0x17  }
0x147: {  	v7 =	vcvt.f32.s32 v7;
	v9 =	vcvt.s32.f32 v5;
	v5 =	vshll.u32 v5, $0x17  }
0x148: {  	v6 =	vcvt.f32.s32 v6;
	v1 =	vsub.f32 v1, v8  }
0x149: {  	v8 =	vcvt.s32.f32 v7;
	v7 =	vshll.u32 v7, $0x17;
	v3 =	vsub.f32 v3, v9  }
0x14a: {  	v9 =	vcvt.s32.f32 v6;
	v6 =	vshll.u32 v6, $0x17;
	v10 =	vmul.f32 $5.587553610e-02, v1  }
0x14b: {  	v2 =	vsub.f32 v2, v8;
	v8 =	vmul.f32 $5.587553610e-02, v3  }
0x14c: {  	v0 =	vsub.f32 v0, v9;
	v9 =	vadd.f32 $2.422946240e-01, v10  }
0x14d: {  	v10 =	vmul.f32 $5.587553610e-02, v2;
	v8 =	vadd.f32 $2.422946240e-01, v8  }
0x14e: {  	v11 =	vmul.f32 $5.587553610e-02, v0;
	v9 =	vmul.f32 v9, v1  }
0x14f: {  	v10 =	vadd.f32 $2.422946240e-01, v10;
	v8 =	vmul.f32 v8, v3  }
0x150: {  	v11 =	vadd.f32 $2.422946240e-01, v11;
	v9 =	vadd.f32 $6.931272750e-01, v9  }
0x151: {  	v10 =	vmul.f32 v10, v2;
	v8 =	vadd.f32 $6.931272750e-01, v8  }
0x152: {  	v11 =	vmul.f32 v11, v0;
	v1 =	vmul.f32 v9, v1  }
0x153: {  	v9 =	vadd.f32 $6.931272750e-01, v10;
	v3 =	vmul.f32 v8, v3  }
0x154: {  	v8 =	vadd.f32 $6.931272750e-01, v11;
	v1 =	vadd.f32 $9.999482630e-01, v1  }
0x155: {  	v4 =	vadd.s32 $0x3F800000, v4;
	v2 =	vmul.f32 v9, v2;
	v3 =	vadd.f32 $9.999482630e-01, v3  }
0x156: {  	v5 =	vadd.s32 $0x3F800000, v5;
	v0 =	vmul.f32 v8, v0;
	v1 =	vmul.f32 v4, v1  }
0x157: {  	v2 =	vadd.f32 $9.999482630e-01, v2;
	v3 =	vmul.f32 v5, v3  }
0x158: {  	v4 =	vadd.s32 $0x3F800000, v7;
	v0 =	vadd.f32 $9.999482630e-01, v0;
	[tilespmem:s31+$0x10] =	vst v1;
	v1 =	vmov s17  }
0x159: {  	v5 =	vadd.s32 $0x3F800000, v6;
	v2 =	vmul.f32 v4, v2;
	[tilespmem:s31+$0x20] =	vst v3  }
0x15a: {  	v0 =	vmul.f32 v5, v0  }
0x15b: {  	[tilespmem:s31+$0x0] =	vst v2  }
0x15c: {  	[tilespmem:s31+$0x30] =	vst v0  }
0x15d: {  	v0 =	vld.idx.msk [tilespmem:v1+s16+$0x0], $0xffff  }
0x15e: {  	v1 =	vld.idx.msk [tilespmem:v1+s15+$0x0], $0xffff  }
0x15f: {  	v2 =	vld [tilespmem:s30+$0x80]  }
0x160: {  	v3 =	vld [tilespmem:s30+$0xB0]  }
0x161: {  	v4 =	vld [tilespmem:s30+$0x90]  }
0x162: {  	v5 =	vld [tilespmem:s30+$0xA0]  }
0x163: {  	(erf) = vrcp.f32 v0;
	_ =	sdelay $0x8  }
0x164: {  	v0 =	vsub.f32 v1, v3;
	v3 =	vpop (erf)  }
0x165: {  	v2 =	vsub.f32 v1, v2;
	v5 =	vsub.f32 v1, v5;
	v3 =	vmul.f32 $1.442695020e+00, v3  }
0x166: {  	v1 =	vsub.f32 v1, v4  }
0x167: {  	v2 =	vmul.f32 v3, v2;
	v0 =	vmul.f32 v0, v3  }
0x168: {  	v1 =	vmul.f32 v1, v3;
	v3 =	vmul.f32 v5, v3  }
0x169: {  	v2 =	vmin.f32 v2, $0.0e+00;
	v0 =	vmin.f32 v0, $0.0e+00  }
0x16a: {  	v1 =	vmin.f32 v1, $0.0e+00;
	v3 =	vmin.f32 v3, $0.0e+00;
	v4 =	vmax.f32 v2, $-1.260000000e+02  }
0x16b: {  	v5 =	vmax.f32 v1, $-1.260000000e+02;
	v6 =	vmax.f32 v3, $-1.260000000e+02;
	v1 =	vadd.f32 $-5.000000000e-01, v4  }
0x16c: {  	v8 =	vmax.f32 v0, $-1.260000000e+02;
	v0 =	vadd.f32 $-5.000000000e-01, v5;
	v2 =	vadd.f32 $-5.000000000e-01, v6  }
0x16d: {  	v3 =	vadd.f32 $-5.000000000e-01, v8;
	v1 =	vtrunc.f32 v1  }
0x16e: {  	v0 =	vtrunc.f32 v0;
	v7 =	vcvt.f32.s32 v1  }
0x16f: {  	v0 =	vcvt.f32.s32 v0;
	v1 =	vtrunc.f32 v2  }
0x170: {  	v2 =	vtrunc.f32 v3;
	v9 =	vcvt.f32.s32 v1;
	v1 =	vshll.u32 v7, $0x17  }
.Ltmp4:
0x171: {  	v10 =	vcvt.f32.s32 v2;
	v11 =	vcvt.s32.f32 v0;
	v2 =	vshll.u32 v0, $0x17;
	(pc) =	sbr.rel @p1 .LBB2_3-.Ltmp4, $4  }
0x172: {  	v7 =	vcvt.s32.f32 v7;
	v12 =	vcvt.s32.f32 v9;
	v3 =	vshll.u32 v9, $0x17  }
0x173: {  	v9 =	vcvt.s32.f32 v10;
	v0 =	vshll.u32 v10, $0x17;
	v5 =	vsub.f32 v5, v11  }
0x174: {  	v4 =	vsub.f32 v4, v7;
	v7 =	vsub.f32 v6, v12  }
0x175: {  	v6 =	vsub.f32 v8, v9;
	v8 =	vmul.f32 $5.587553610e-02, v5  }
0x176: {  	v9 =	vmul.f32 $5.587553610e-02, v7  }
0x177: {  	v11 =	vmul.f32 $5.587553610e-02, v4;
	v8 =	vadd.f32 $2.422946240e-01, v8  }
0x178: {  	v10 =	vmul.f32 $5.587553610e-02, v6;
	v9 =	vadd.f32 $2.422946240e-01, v9  }
0x179: {  	v11 =	vadd.f32 $2.422946240e-01, v11;
	v8 =	vmul.f32 v8, v5  }
0x17a: {  	v10 =	vadd.f32 $2.422946240e-01, v10;
	v9 =	vmul.f32 v9, v7  }
0x17b: {  	v11 =	vmul.f32 v11, v4;
	v8 =	vadd.f32 $6.931272750e-01, v8  }
0x17c: {  	v10 =	vmul.f32 v10, v6;
	v9 =	vadd.f32 $6.931272750e-01, v9  }
0x17d: {  	v60 =	vadd.f32 $6.931272750e-01, v11;
	v59 =	vmul.f32 v8, v5  }
0x17e: {  	v10 =	vadd.f32 $6.931272750e-01, v10;
	v61 =	vmul.f32 v9, v7  }
0x17f: {  	v63 =	vmul.f32 v60, v4;
	v5 =	vadd.f32 $9.999482630e-01, v59  }
0x180: {  	v2 =	vadd.s32 $0x3F800000, v2;
	v62 =	vmul.f32 v10, v6;
	v7 =	vadd.f32 $9.999482630e-01, v61  }
0x181: {  	v3 =	vadd.s32 $0x3F800000, v3;
	v4 =	vadd.f32 $9.999482630e-01, v63;
	v2 =	vmul.f32 v2, v5  }
0x182: {  	v1 =	vadd.s32 $0x3F800000, v1;
	v6 =	vadd.f32 $9.999482630e-01, v62;
	v3 =	vmul.f32 v3, v7  }
0x183: {  	v0 =	vadd.s32 $0x3F800000, v0;
	v1 =	vmul.f32 v1, v4;
	[tilespmem:s1+$0x90] =	vst v2  }
0x184: {  	s0 =	smul.u32 $0xC80, s29;
	p1 =	sgt.u32 s29, $0x1B3;
	v0 =	vmul.f32 v0, v6;
	[tilespmem:s1+$0xA0] =	vst v3  }
0x185: {  	s8 =	sadd.s32 @!p1 $0x40, s29;
	[tilespmem:s1+$0x80] =	vst v1  }
0x186: {  	s0 =	sadd.s32 s7, s0;
	[tilespmem:s1+$0xB0] =	vst v0;
	s1 =	smul.u32 @!p1 $0xC80, s8  }
0x187: {  	[hbm4b:s0+s4] =	stream.linear.scatter [tilespmem:s21], [sflag:$0x3], $0x6400, $0x38;
	[tilespmem:$0x19400] =	vst v63  }
0x188: {  	s8 =	smul.u32 @!p1 $0x19, s8;
	s0 =	sadd.s32 @!p1 s6, s1;
	s1 =	simm.s32 @!p1 $0x0  }
0x189: {  	[tilespmem:s1], [sflag:$0x1] =	stream.linear.gather @!p1 [hbm4b:s0+s1], $0x6400, $0x38;
	[tilespmem:$0x19400] =	vst v63  }
0x18a: {  	s17 =	simm.s32 @!p1 $0xC800;
	s0 =	sadd.s32 @!p1 s2, s8  }
0x18b: {  	[tilespmem:s17], [sflag:$0x1] =	stream.linear.gather @!p1 [hbm4b:s0+s1], $0xC8, $0x38;
	[tilespmem:$0x19400] =	vst v63  }
0x18c: {  	s30 =	sor.u32 $0x20, s29;
	s0 =	sadd.s32 @!p1 s3, s8;
	s8 =	simm.s32 @!p1 $0xC900  }
0x18d: {  	[tilespmem:s8], [sflag:$0x1] =	stream.linear.gather @!p1 [hbm4b:s0+s1], $0xC8, $0x38;
	[tilespmem:$0x19400] =	vst v63  }
0x18e: {  	p1 =	sgt.u32 s30, $0x1F3  }
.Ltmp5:
0x18f: {  	_ = 	snop;
	(pc) =	sbr.rel @p1 .LBB2_8-.Ltmp5, $1  }
0x190: {  	_ =	sdelay $0x3  }
0x191: {  	s0 =	simm.s32 @!p0 $0x4  }
0x192: {  	_ =	swait.ge @!p0 [sflag:s0], $0x6400  }
0x193: {  	[sflag:s0] =	ssyncset.done @!p0 $0x0  }
0x194: {  	[sflag:s0] =	ssyncadd.s32 @!p0 $0xFFFF9C00  }
0x195: {  	s1 =	simm.s32 $0x0;
	_ =	swait.ge [sflag:s22], $0x6400  }
0x196: {  	v0 =	vmov s1;
	[sflag:s22] =	ssyncset.done $0x0  }
0x197: {  	v0 =	vand.u32 $0xFFFFFFFC, v0;
	[sflag:s22] =	ssyncadd.s32 $0xFFFF9C00  }
0x198: {  	v0 =	vbroadcast v0, $0x0;
	_ =	swait.ge [sflag:s22], $0xC8  }
0x199: {  	[sflag:s22] =	ssyncset.done $0x0  }
0x19a: {  	[sflag:s22] =	ssyncadd.s32 $0xFFFFFF38  }
0x19b: {  	_ =	swait.ge [sflag:s22], $0xC8  }
0x19c: {  	[sflag:s22] =	ssyncset.done $0x0  }
0x19d: {  	[sflag:s22] =	ssyncadd.s32 $0xFFFFFF38  }
0x19e: {  	v1 =	vld.idx.msk [tilespmem:v0+s19+$0x0], $0xffff;
	_ =	sdelay $0x4  }
0x19f: {  	(erf) = vrcp.f32 v1;
	_ =	sdelay $0x1  }
0x1a0: {  	s31 =	simm.s32 $0xCB00;
	v0 =	vld.idx.msk [tilespmem:v0+s18+$0x0], $0xffff  }
0x1a1: {  	v2 =	vld [tilespmem:s31+$0xFFFFFF10]  }
0x1a2: {  	v3 =	vld [tilespmem:s31+$0xFFFFFF20]  }
0x1a3: {  	v1 =	vld [tilespmem:s31+$0xFFFFFF00]  }
0x1a4: {  	v4 =	vld [tilespmem:s31+$0xFFFFFF30];
	_ =	sdelay $0x2  }
0x1a5: {  	v5 =	vpop (erf)  }
0x1a6: {  	v2 =	vsub.f32 v0, v2;
	v1 =	vsub.f32 v0, v1;
	v5 =	vmul.f32 $1.442695020e+00, v5  }
0x1a7: {  	v3 =	vsub.f32 v0, v3;
	v0 =	vsub.f32 v0, v4  }
0x1a8: {  	v1 =	vmul.f32 v5, v1;
	v2 =	vmul.f32 v2, v5  }
0x1a9: {  	v3 =	vmul.f32 v3, v5;
	v0 =	vmul.f32 v0, v5  }
0x1aa: {  	v1 =	vmin.f32 v1, $0.0e+00;
	v2 =	vmin.f32 v2, $0.0e+00  }
0x1ab: {  	v3 =	vmin.f32 v3, $0.0e+00;
	v0 =	vmin.f32 v0, $0.0e+00;
	v1 =	vmax.f32 v1, $-1.260000000e+02  }
0x1ac: {  	v2 =	vmax.f32 v2, $-1.260000000e+02;
	v3 =	vmax.f32 v3, $-1.260000000e+02;
	v4 =	vadd.f32 $-5.000000000e-01, v1  }
0x1ad: {  	v0 =	vmax.f32 v0, $-1.260000000e+02;
	v5 =	vadd.f32 $-5.000000000e-01, v2;
	v6 =	vadd.f32 $-5.000000000e-01, v3  }
0x1ae: {  	v7 =	vadd.f32 $-5.000000000e-01, v0;
	v4 =	vtrunc.f32 v4  }
0x1af: {  	v5 =	vtrunc.f32 v5;
	v6 =	vtrunc.f32 v6  }
0x1b0: {  	v7 =	vtrunc.f32 v7;
	v5 =	vcvt.f32.s32 v5  }
0x1b1: {  	v4 =	vcvt.f32.s32 v4;
	v6 =	vcvt.f32.s32 v6  }
0x1b2: {  	v7 =	vcvt.f32.s32 v7;
	v8 =	vcvt.s32.f32 v5  }
0x1b3: {  	v10 =	vcvt.s32.f32 v6  }
0x1b4: {  	v9 =	vcvt.s32.f32 v4;
	v2 =	vsub.f32 v2, v8;
	v8 =	vcvt.s32.f32 v7  }
0x1b5: {  	v3 =	vsub.f32 v3, v10  }
0x1b6: {  	v1 =	vsub.f32 v1, v9;
	v0 =	vsub.f32 v0, v8;
	v8 =	vmul.f32 $5.587553610e-02, v2  }
0x1b7: {  	v10 =	vmul.f32 $5.587553610e-02, v3  }
0x1b8: {  	v9 =	vmul.f32 $5.587553610e-02, v1;
	v8 =	vadd.f32 $2.422946240e-01, v8  }
0x1b9: {  	v11 =	vmul.f32 $5.587553610e-02, v0;
	v10 =	vadd.f32 $2.422946240e-01, v10  }
0x1ba: {  	v4 =	vshll.u32 v4, $0x17;
	v9 =	vadd.f32 $2.422946240e-01, v9;
	v8 =	vmul.f32 v8, v2  }
0x1bb: {  	v5 =	vshll.u32 v5, $0x17;
	v11 =	vadd.f32 $2.422946240e-01, v11;
	v10 =	vmul.f32 v10, v3  }
0x1bc: {  	v6 =	vshll.u32 v6, $0x17;
	v9 =	vmul.f32 v9, v1;
	v8 =	vadd.f32 $6.931272750e-01, v8  }
0x1bd: {  	v6 =	vadd.s32 $0x3F800000, v6;
	v11 =	vmul.f32 v11, v0;
	v10 =	vadd.f32 $6.931272750e-01, v10  }
0x1be: {  	v5 =	vadd.s32 $0x3F800000, v5;
	v9 =	vadd.f32 $6.931272750e-01, v9;
	v2 =	vmul.f32 v8, v2  }
0x1bf: {  	s8 =	simm.s32 $0x1;
	v4 =	vadd.s32 $0x3F800000, v4;
	v11 =	vadd.f32 $6.931272750e-01, v11;
	v3 =	vmul.f32 v10, v3  }
0x1c0: {  	v1 =	vmul.f32 v9, v1;
	v8 =	vmov s8;
	v2 =	vadd.f32 $9.999482630e-01, v2  }
0x1c1: {  	v8 =	vand.u32 $0xFFFFFFFD, v8;
	v0 =	vmul.f32 v11, v0;
	v3 =	vadd.f32 $9.999482630e-01, v3  }
0x1c2: {  	v1 =	vadd.f32 $9.999482630e-01, v1;
	v2 =	vmul.f32 v5, v2;
	v5 =	vbroadcast v8, $0x0  }
0x1c3: {  	s1 =	simm.s32 $0x12F00;
	v7 =	vshll.u32 v7, $0x17;
	v0 =	vadd.f32 $9.999482630e-01, v0;
	v3 =	vmul.f32 v6, v3  }
0x1c4: {  	v7 =	vadd.s32 $0x3F800000, v7;
	v1 =	vmul.f32 v4, v1;
	[tilespmem:s1+$0xFFFFFF10] =	vst v2  }
0x1c5: {  	v0 =	vmul.f32 v7, v0;
	[tilespmem:s1+$0xFFFFFF20] =	vst v3  }
0x1c6: {  	[tilespmem:s1+$0xFFFFFF00] =	vst v1  }
0x1c7: {  	[tilespmem:s1+$0xFFFFFF30] =	vst v0  }
0x1c8: {  	v0 =	vld.idx.msk [tilespmem:v5+s19+$0x0], $0xffff;
	_ =	sdelay $0x4  }
0x1c9: {  	(erf) = vrcp.f32 v0;
	_ =	sdelay $0x1  }
0x1ca: {  	v2 =	vld [tilespmem:s31+$0xFFFFFF80]  }
0x1cb: {  	v3 =	vld [tilespmem:s31+$0xFFFFFF90]  }
0x1cc: {  	v4 =	vld [tilespmem:s31+$0xFFFFFFA0]  }
0x1cd: {  	v1 =	vld.idx.msk [tilespmem:v5+s18+$0x0], $0xffff  }
0x1ce: {  	v0 =	vld [tilespmem:s31+$0xFFFFFFB0];
	_ =	sdelay $0x2  }
0x1cf: {  	v5 =	vpop (erf)  }
0x1d0: {  	v2 =	vsub.f32 v1, v2;
	v3 =	vsub.f32 v1, v3;
	v5 =	vmul.f32 $1.442695020e+00, v5  }
0x1d1: {  	v0 =	vsub.f32 v1, v0;
	v1 =	vsub.f32 v1, v4  }
0x1d2: {  	v2 =	vmul.f32 v5, v2;
	v3 =	vmul.f32 v3, v5  }
0x1d3: {  	v0 =	vmul.f32 v0, v5;
	v1 =	vmul.f32 v1, v5  }
0x1d4: {  	v2 =	vmin.f32 v2, $0.0e+00;
	v3 =	vmin.f32 v3, $0.0e+00  }
0x1d5: {  	v0 =	vmin.f32 v0, $0.0e+00;
	v1 =	vmin.f32 v1, $0.0e+00;
	v2 =	vmax.f32 v2, $-1.260000000e+02  }
0x1d6: {  	v3 =	vmax.f32 v3, $-1.260000000e+02;
	v1 =	vmax.f32 v1, $-1.260000000e+02;
	v4 =	vadd.f32 $-5.000000000e-01, v2  }
0x1d7: {  	v0 =	vmax.f32 v0, $-1.260000000e+02;
	v5 =	vadd.f32 $-5.000000000e-01, v3;
	v6 =	vadd.f32 $-5.000000000e-01, v1  }
0x1d8: {  	v7 =	vadd.f32 $-5.000000000e-01, v0;
	v4 =	vtrunc.f32 v4  }
0x1d9: {  	v5 =	vtrunc.f32 v5;
	v6 =	vtrunc.f32 v6  }
0x1da: {  	v7 =	vtrunc.f32 v7;
	v4 =	vcvt.f32.s32 v4  }
0x1db: {  	v6 =	vcvt.f32.s32 v6;
	v7 =	vcvt.f32.s32 v7  }
0x1dc: {  	v5 =	vcvt.f32.s32 v5;
	v8 =	vcvt.s32.f32 v4  }
0x1dd: {  	v9 =	vcvt.s32.f32 v6  }
0x1de: {  	v10 =	vcvt.s32.f32 v7;
	v2 =	vsub.f32 v2, v8;
	v8 =	vcvt.s32.f32 v5  }
0x1df: {  	v1 =	vsub.f32 v1, v9  }
0x1e0: {  	v0 =	vsub.f32 v0, v10;
	v3 =	vsub.f32 v3, v8;
	v8 =	vmul.f32 $5.587553610e-02, v2  }
0x1e1: {  	v9 =	vmul.f32 $5.587553610e-02, v1  }
0x1e2: {  	v10 =	vmul.f32 $5.587553610e-02, v0;
	v8 =	vadd.f32 $2.422946240e-01, v8  }
0x1e3: {  	v11 =	vmul.f32 $5.587553610e-02, v3;
	v9 =	vadd.f32 $2.422946240e-01, v9  }
0x1e4: {  	v4 =	vshll.u32 v4, $0x17;
	v10 =	vadd.f32 $2.422946240e-01, v10;
	v8 =	vmul.f32 v8, v2  }
0x1e5: {  	v6 =	vshll.u32 v6, $0x17;
	v11 =	vadd.f32 $2.422946240e-01, v11;
	v9 =	vmul.f32 v9, v1  }
0x1e6: {  	v7 =	vshll.u32 v7, $0x17;
	v10 =	vmul.f32 v10, v0;
	v8 =	vadd.f32 $6.931272750e-01, v8  }
0x1e7: {  	v4 =	vadd.s32 $0x3F800000, v4;
	v11 =	vmul.f32 v11, v3;
	v9 =	vadd.f32 $6.931272750e-01, v9  }
0x1e8: {  	v6 =	vadd.s32 $0x3F800000, v6;
	v10 =	vadd.f32 $6.931272750e-01, v10;
	v2 =	vmul.f32 v8, v2  }
0x1e9: {  	s9 =	simm.s32 $0x2;
	v5 =	vshll.u32 v5, $0x17;
	v11 =	vadd.f32 $6.931272750e-01, v11;
	v1 =	vmul.f32 v9, v1  }
0x1ea: {  	v8 =	vmov s9;
	v0 =	vmul.f32 v10, v0;
	v2 =	vadd.f32 $9.999482630e-01, v2  }
0x1eb: {  	v8 =	vand.u32 $0xFFFFFFFE, v8;
	v3 =	vmul.f32 v11, v3;
	v1 =	vadd.f32 $9.999482630e-01, v1  }
0x1ec: {  	v0 =	vadd.f32 $9.999482630e-01, v0;
	v2 =	vmul.f32 v4, v2;
	v4 =	vbroadcast v8, $0x0  }
0x1ed: {  	v3 =	vadd.f32 $9.999482630e-01, v3;
	v1 =	vmul.f32 v6, v1;
	v6 =	vadd.s32 $0x3F800000, v7  }
0x1ee: {  	v5 =	vadd.s32 $0x3F800000, v5;
	v0 =	vmul.f32 v6, v0;
	[tilespmem:s1+$0xFFFFFF80] =	vst v2  }
0x1ef: {  	v2 =	vmul.f32 v5, v3;
	[tilespmem:s1+$0xFFFFFFA0] =	vst v1  }
0x1f0: {  	[tilespmem:s1+$0xFFFFFFB0] =	vst v0  }
0x1f1: {  	[tilespmem:s1+$0xFFFFFF90] =	vst v2  }
0x1f2: {  	v0 =	vld.idx.msk [tilespmem:v4+s19+$0x0], $0xffff;
	_ =	sdelay $0x4  }
0x1f3: {  	(erf) = vrcp.f32 v0;
	_ =	sdelay $0x1  }
0x1f4: {  	v2 =	vld [tilespmem:s31+$0x20]  }
0x1f5: {  	v3 =	vld [tilespmem:s31+$0x30]  }
0x1f6: {  	v1 =	vld.idx.msk [tilespmem:v4+s18+$0x0], $0xffff  }
0x1f7: {  	v0 =	vld [tilespmem:s31+$0x10]  }
0x1f8: {  	v4 =	vld [tilespmem:s31+$0x0];
	_ =	sdelay $0x2  }
0x1f9: {  	v5 =	vpop (erf)  }
0x1fa: {  	v2 =	vsub.f32 v1, v2;
	v0 =	vsub.f32 v1, v0;
	v5 =	vmul.f32 $1.442695020e+00, v5  }
0x1fb: {  	v3 =	vsub.f32 v1, v3;
	v1 =	vsub.f32 v1, v4  }
0x1fc: {  	v0 =	vmul.f32 v0, v5  }
0x1fd: {  	v2 =	vmul.f32 v2, v5;
	v1 =	vmul.f32 v5, v1  }
0x1fe: {  	v3 =	vmul.f32 v3, v5;
	v0 =	vmin.f32 v0, $0.0e+00  }
0x1ff: {  	v2 =	vmin.f32 v2, $0.0e+00;
	v1 =	vmin.f32 v1, $0.0e+00;
	v0 =	vmax.f32 v0, $-1.260000000e+02  }
0x200: {  	v2 =	vmax.f32 v2, $-1.260000000e+02;
	v1 =	vmax.f32 v1, $-1.260000000e+02;
	v4 =	vadd.f32 $-5.000000000e-01, v0  }
0x201: {  	v3 =	vmin.f32 v3, $0.0e+00;
	v5 =	vadd.f32 $-5.000000000e-01, v2;
	v7 =	vadd.f32 $-5.000000000e-01, v1  }
0x202: {  	v3 =	vmax.f32 v3, $-1.260000000e+02;
	v4 =	vtrunc.f32 v4  }
0x203: {  	v6 =	vadd.f32 $-5.000000000e-01, v3;
	v5 =	vtrunc.f32 v5;
	v7 =	vtrunc.f32 v7  }
0x204: {  	v4 =	vcvt.f32.s32 v4;
	v5 =	vcvt.f32.s32 v5  }
0x205: {  	v6 =	vtrunc.f32 v6;
	v7 =	vcvt.f32.s32 v7  }
0x206: {  	v8 =	vcvt.s32.f32 v4;
	v9 =	vcvt.s32.f32 v5  }
0x207: {  	v6 =	vcvt.f32.s32 v6  }
0x208: {  	v0 =	vsub.f32 v0, v8;
	v8 =	vcvt.s32.f32 v7;
	v2 =	vsub.f32 v2, v9  }
0x209: {  	v9 =	vcvt.s32.f32 v6  }
0x20a: {  	v10 =	vmul.f32 $5.587553610e-02, v0;
	v1 =	vsub.f32 v1, v8;
	v8 =	vmul.f32 $5.587553610e-02, v2  }
0x20b: {  	v3 =	vsub.f32 v3, v9  }
0x20c: {  	v9 =	vadd.f32 $2.422946240e-01, v10;
	v10 =	vmul.f32 $5.587553610e-02, v1;
	v8 =	vadd.f32 $2.422946240e-01, v8  }
0x20d: {  	v11 =	vmul.f32 $5.587553610e-02, v3  }
0x20e: {  	v9 =	vmul.f32 v9, v0;
	v10 =	vadd.f32 $2.422946240e-01, v10;
	v8 =	vmul.f32 v8, v2  }
0x20f: {  	v11 =	vadd.f32 $2.422946240e-01, v11  }
0x210: {  	v9 =	vadd.f32 $6.931272750e-01, v9;
	v10 =	vmul.f32 v10, v1;
	v8 =	vadd.f32 $6.931272750e-01, v8  }
0x211: {  	v4 =	vshll.u32 v4, $0x17;
	v5 =	vshll.u32 v5, $0x17;
	v11 =	vmul.f32 v11, v3  }
0x212: {  	v0 =	vmul.f32 v9, v0;
	v9 =	vadd.f32 $6.931272750e-01, v10;
	v2 =	vmul.f32 v8, v2  }
0x213: {  	v4 =	vadd.s32 $0x3F800000, v4;
	v5 =	vadd.s32 $0x3F800000, v5;
	v8 =	vadd.f32 $6.931272750e-01, v11  }
0x214: {  	v0 =	vadd.f32 $9.999482630e-01, v0;
	v1 =	vmul.f32 v9, v1;
	v2 =	vadd.f32 $9.999482630e-01, v2  }
0x215: {  	v7 =	vshll.u32 v7, $0x17;
	v6 =	vshll.u32 v6, $0x17;
	v3 =	vmul.f32 v8, v3  }
0x216: {  	s17 =	simm.s32 $0x3;
	v0 =	vmul.f32 v4, v0;
	v1 =	vadd.f32 $9.999482630e-01, v1;
	v2 =	vmul.f32 v5, v2  }
0x217: {  	v3 =	vadd.f32 $9.999482630e-01, v3;
	v4 =	vadd.s32 $0x3F800000, v7;
	v5 =	vmov s17  }
0x218: {  	[tilespmem:s1+$0x10] =	vst v0;
	v0 =	vadd.s32 $0x3F800000, v6;
	v1 =	vmul.f32 v4, v1  }
0x219: {  	[tilespmem:s1+$0x20] =	vst v2;
	v0 =	vmul.f32 v0, v3  }
0x21a: {  	[tilespmem:s1+$0x0] =	vst v1  }
0x21b: {  	[tilespmem:s1+$0x30] =	vst v0  }
0x21c: {  	v0 =	vld.idx.msk [tilespmem:v5+s19+$0x0], $0xffff;
	_ =	sdelay $0x4  }
0x21d: {  	(erf) = vrcp.f32 v0;
	_ =	sdelay $0x3  }
0x21e: {  	v1 =	vld [tilespmem:s31+$0x80]  }
0x21f: {  	v0 =	vld.idx.msk [tilespmem:v5+s18+$0x0], $0xffff  }
0x220: {  	v2 =	vld [tilespmem:s31+$0x90]  }
0x221: {  	v3 =	vld [tilespmem:s31+$0xA0]  }
0x222: {  	v4 =	vld [tilespmem:s31+$0xB0]  }
0x223: {  	v5 =	vpop (erf)  }
0x224: {  	v1 =	vsub.f32 v0, v1;
	v5 =	vmul.f32 $1.442695020e+00, v5  }
0x225: {  	v2 =	vsub.f32 v0, v2  }
0x226: {  	v3 =	vsub.f32 v0, v3;
	v1 =	vmul.f32 v5, v1  }
0x227: {  	v0 =	vsub.f32 v0, v4;
	v2 =	vmul.f32 v2, v5  }
0x228: {  	v3 =	vmul.f32 v3, v5;
	v1 =	vmin.f32 v1, $0.0e+00  }
0x229: {  	v0 =	vmul.f32 v0, v5;
	v2 =	vmin.f32 v2, $0.0e+00;
	v4 =	vmax.f32 v1, $-1.260000000e+02  }
0x22a: {  	v1 =	vmin.f32 v3, $0.0e+00;
	v3 =	vmax.f32 v2, $-1.260000000e+02;
	v2 =	vadd.f32 $-5.000000000e-01, v4  }
0x22b: {  	v0 =	vmin.f32 v0, $0.0e+00;
	v6 =	vmax.f32 v1, $-1.260000000e+02;
	v1 =	vadd.f32 $-5.000000000e-01, v3  }
0x22c: {  	v8 =	vmax.f32 v0, $-1.260000000e+02;
	v0 =	vadd.f32 $-5.000000000e-01, v6;
	v2 =	vtrunc.f32 v2  }
0x22d: {  	v5 =	vadd.f32 $-5.000000000e-01, v8;
	v1 =	vtrunc.f32 v1;
	v7 =	vcvt.f32.s32 v2  }
0x22e: {  	v2 =	vcvt.f32.s32 v1;
	v0 =	vtrunc.f32 v0  }
0x22f: {  	v1 =	vtrunc.f32 v5;
	v0 =	vcvt.f32.s32 v0  }
0x230: {  	v9 =	vcvt.f32.s32 v1;
	v5 =	vcvt.s32.f32 v2  }
0x231: {  	v1 =	vshll.u32 v7, $0x17;
	v7 =	vcvt.s32.f32 v7;
	v10 =	vcvt.s32.f32 v0  }
0x232: {  	v2 =	vshll.u32 v2, $0x17;
	v11 =	vcvt.s32.f32 v9;
	v5 =	vsub.f32 v3, v5  }
0x233: {  	v3 =	vshll.u32 v0, $0x17;
	v4 =	vsub.f32 v4, v7;
	v7 =	vsub.f32 v6, v10  }
0x234: {  	s0 =	simm.s32 $0x12F00;
	s17 =	simm.s32 $0x7;
	v0 =	vshll.u32 v9, $0x17;
	v6 =	vsub.f32 v8, v11;
	v8 =	vmul.f32 $5.587553610e-02, v5  }
.LBB2_6:
0x235: {  	p0 =	sne.s32 s17, $0xC7;
	v9 =	vmul.f32 $5.587553610e-02, v7;
	s31 =	sadd.s32 $0x200, s31;
	s1 =	sadd.s32 $0x200, s1  }
0x236: {  	v10 =	vmul.f32 $5.587553610e-02, v4;
	s8 =	smov.u32 s17;
	s17 =	sadd.s32 $0x4, s17;
	v8 =	vadd.f32 $2.422946240e-01, v8;
	v11 =	vmul.f32 $5.587553610e-02, v6  }
0x237: {  	v9 =	vadd.f32 $2.422946240e-01, v9  }
0x238: {  	v10 =	vadd.f32 $2.422946240e-01, v10;
	v11 =	vadd.f32 $2.422946240e-01, v11;
	v8 =	vmul.f32 v8, v5  }
0x239: {  	v9 =	vmul.f32 v9, v7  }
0x23a: {  	v10 =	vmul.f32 v10, v4;
	v8 =	vadd.f32 $6.931272750e-01, v8;
	v11 =	vmul.f32 v11, v6  }
0x23b: {  	v1 =	vadd.s32 $0x3F800000, v1;
	v9 =	vadd.f32 $6.931272750e-01, v9  }
0x23c: {  	v10 =	vadd.f32 $6.931272750e-01, v10;
	v11 =	vadd.f32 $6.931272750e-01, v11;
	v5 =	vmul.f32 v8, v5  }
0x23d: {  	v2 =	vadd.s32 $0x3F800000, v2;
	v3 =	vadd.s32 $0x3F800000, v3;
	s9 =	sadd.s32 $0xFFFFFFFD, s8;
	v7 =	vmul.f32 v9, v7  }
0x23e: {  	v8 =	vmov s9;
	v5 =	vadd.f32 $9.999482630e-01, v5;
	v6 =	vmul.f32 v11, v6  }
0x23f: {  	v8 =	vand.u32 $0xFFFFFFFC, v8;
	v4 =	vmul.f32 v10, v4;
	v7 =	vadd.f32 $9.999482630e-01, v7  }
0x240: {  	v8 =	vbroadcast v8, $0x0;
	v6 =	vadd.f32 $9.999482630e-01, v6;
	v2 =	vmul.f32 v2, v5  }
0x241: {  	v0 =	vadd.s32 $0x3F800000, v0;
	v4 =	vadd.f32 $9.999482630e-01, v4;
	v3 =	vmul.f32 v3, v7  }
0x242: {  	[tilespmem:s0+$0x90] =	vst v2;
	v0 =	vmul.f32 v0, v6  }
0x243: {  	v1 =	vmul.f32 v1, v4;
	[tilespmem:s0+$0xA0] =	vst v3  }
0x244: {  	[tilespmem:s0+$0xB0] =	vst v0  }
0x245: {  	[tilespmem:s0+$0x80] =	vst v1;
	s0 =	smov.u32 s1  }
0x246: {  	v0 =	vld.idx.msk [tilespmem:v8+s19+$0x0], $0xffff;
	_ =	sdelay $0x5  }
0x247: {  	(erf) = vrcp.f32 v0;
	_ =	sdelay $0x1  }
0x248: {  	v0 =	vld [tilespmem:s31+$0xFFFFFF20]  }
0x249: {  	v1 =	vld [tilespmem:s31+$0xFFFFFF30]  }
0x24a: {  	v2 =	vld.idx.msk [tilespmem:v8+s18+$0x0], $0xffff  }
0x24b: {  	v3 =	vld [tilespmem:s31+$0xFFFFFF00]  }
0x24c: {  	v4 =	vld [tilespmem:s31+$0xFFFFFF10];
	_ =	sdelay $0x2  }
0x24d: {  	v5 =	vpop (erf)  }
0x24e: {  	v1 =	vsub.f32 v2, v1;
	v5 =	vmul.f32 $1.442695020e+00, v5;
	v3 =	vsub.f32 v2, v3  }
0x24f: {  	v0 =	vsub.f32 v2, v0;
	v4 =	vsub.f32 v2, v4  }
0x250: {  	v2 =	vmul.f32 v5, v3;
	v1 =	vmul.f32 v1, v5  }
0x251: {  	v0 =	vmul.f32 v0, v5;
	v3 =	vmul.f32 v4, v5  }
0x252: {  	v2 =	vmin.f32 v2, $0.0e+00;
	v1 =	vmin.f32 v1, $0.0e+00  }
0x253: {  	v0 =	vmin.f32 v0, $0.0e+00;
	v3 =	vmin.f32 v3, $0.0e+00;
	v2 =	vmax.f32 v2, $-1.260000000e+02  }
0x254: {  	v0 =	vmax.f32 v0, $-1.260000000e+02;
	v3 =	vmax.f32 v3, $-1.260000000e+02;
	v4 =	vadd.f32 $-5.000000000e-01, v2  }
0x255: {  	v1 =	vmax.f32 v1, $-1.260000000e+02;
	v6 =	vadd.f32 $-5.000000000e-01, v0;
	v5 =	vadd.f32 $-5.000000000e-01, v3  }
0x256: {  	v7 =	vadd.f32 $-5.000000000e-01, v1;
	v4 =	vtrunc.f32 v4  }
0x257: {  	v4 =	vcvt.f32.s32 v4;
	v5 =	vtrunc.f32 v5  }
0x258: {  	v6 =	vtrunc.f32 v6;
	v5 =	vcvt.f32.s32 v5  }
0x259: {  	v7 =	vtrunc.f32 v7;
	v6 =	vcvt.f32.s32 v6;
	v8 =	vshll.u32 v4, $0x17  }
0x25a: {  	v7 =	vcvt.f32.s32 v7;
	v9 =	vcvt.s32.f32 v5;
	v5 =	vshll.u32 v5, $0x17  }
0x25b: {  	v4 =	vcvt.s32.f32 v4;
	v10 =	vcvt.s32.f32 v6;
	v6 =	vshll.u32 v6, $0x17  }
0x25c: {  	v3 =	vsub.f32 v3, v9;
	v9 =	vcvt.s32.f32 v7;
	v7 =	vshll.u32 v7, $0x17  }
0x25d: {  	v2 =	vsub.f32 v2, v4;
	v0 =	vsub.f32 v0, v10  }
0x25e: {  	v1 =	vsub.f32 v1, v9;
	v4 =	vmul.f32 $5.587553610e-02, v3  }
0x25f: {  	v10 =	vmul.f32 $5.587553610e-02, v0;
	v9 =	vmul.f32 $5.587553610e-02, v2  }
0x260: {  	v4 =	vadd.f32 $2.422946240e-01, v4;
	v11 =	vmul.f32 $5.587553610e-02, v1  }
0x261: {  	v10 =	vadd.f32 $2.422946240e-01, v10;
	v9 =	vadd.f32 $2.422946240e-01, v9  }
0x262: {  	v11 =	vadd.f32 $2.422946240e-01, v11;
	v4 =	vmul.f32 v4, v3  }
0x263: {  	v10 =	vmul.f32 v10, v0;
	v9 =	vmul.f32 v9, v2  }
0x264: {  	v4 =	vadd.f32 $6.931272750e-01, v4;
	v11 =	vmul.f32 v11, v1  }
0x265: {  	v8 =	vadd.s32 $0x3F800000, v8;
	v10 =	vadd.f32 $6.931272750e-01, v10;
	v9 =	vadd.f32 $6.931272750e-01, v9  }
0x266: {  	v11 =	vadd.f32 $6.931272750e-01, v11;
	v3 =	vmul.f32 v4, v3;
	v4 =	vadd.s32 $0x3F800000, v6  }
0x267: {  	s9 =	sadd.s32 $0xFFFFFFFE, s8;
	v5 =	vadd.s32 $0x3F800000, v5;
	v0 =	vmul.f32 v10, v0;
	v2 =	vmul.f32 v9, v2  }
0x268: {  	v6 =	vmov s9;
	v3 =	vadd.f32 $9.999482630e-01, v3;
	v1 =	vmul.f32 v11, v1  }
0x269: {  	v0 =	vadd.f32 $9.999482630e-01, v0;
	v6 =	vand.u32 $0xFFFFFFFD, v6;
	v2 =	vadd.f32 $9.999482630e-01, v2  }
0x26a: {  	v1 =	vadd.f32 $9.999482630e-01, v1;
	v3 =	vmul.f32 v5, v3;
	v5 =	vbroadcast v6, $0x0  }
0x26b: {  	v0 =	vmul.f32 v4, v0;
	v6 =	vadd.s32 $0x3F800000, v7;
	v2 =	vmul.f32 v8, v2  }
0x26c: {  	[tilespmem:s1+$0xFFFFFF10] =	vst v3;
	v1 =	vmul.f32 v6, v1  }
0x26d: {  	[tilespmem:s1+$0xFFFFFF20] =	vst v0  }
0x26e: {  	[tilespmem:s1+$0xFFFFFF30] =	vst v1  }
0x26f: {  	[tilespmem:s1+$0xFFFFFF00] =	vst v2  }
0x270: {  	v0 =	vld.idx.msk [tilespmem:v5+s19+$0x0], $0xffff;
	_ =	sdelay $0x5  }
0x271: {  	(erf) = vrcp.f32 v0;
	_ =	sdelay $0x1  }
0x272: {  	v0 =	vld [tilespmem:s31+$0xFFFFFFB0]  }
0x273: {  	v1 =	vld [tilespmem:s31+$0xFFFFFF90]  }
0x274: {  	v2 =	vld.idx.msk [tilespmem:v5+s18+$0x0], $0xffff  }
0x275: {  	v3 =	vld [tilespmem:s31+$0xFFFFFF80]  }
0x276: {  	v4 =	vld [tilespmem:s31+$0xFFFFFFA0];
	_ =	sdelay $0x2  }
0x277: {  	v5 =	vpop (erf)  }
0x278: {  	v1 =	vsub.f32 v2, v1;
	v5 =	vmul.f32 $1.442695020e+00, v5;
	v3 =	vsub.f32 v2, v3  }
0x279: {  	v0 =	vsub.f32 v2, v0;
	v4 =	vsub.f32 v2, v4  }
0x27a: {  	v2 =	vmul.f32 v5, v3;
	v1 =	vmul.f32 v1, v5  }
0x27b: {  	v0 =	vmul.f32 v0, v5;
	v3 =	vmul.f32 v4, v5  }
0x27c: {  	v2 =	vmin.f32 v2, $0.0e+00;
	v1 =	vmin.f32 v1, $0.0e+00  }
0x27d: {  	v0 =	vmin.f32 v0, $0.0e+00;
	v2 =	vmax.f32 v2, $-1.260000000e+02;
	v1 =	vmax.f32 v1, $-1.260000000e+02  }
0x27e: {  	v3 =	vmin.f32 v3, $0.0e+00;
	v4 =	vadd.f32 $-5.000000000e-01, v2;
	v5 =	vadd.f32 $-5.000000000e-01, v1  }
0x27f: {  	v0 =	vmax.f32 v0, $-1.260000000e+02;
	v3 =	vmax.f32 v3, $-1.260000000e+02  }
0x280: {  	v7 =	vadd.f32 $-5.000000000e-01, v0;
	v6 =	vadd.f32 $-5.000000000e-01, v3;
	v4 =	vtrunc.f32 v4  }
0x281: {  	v5 =	vtrunc.f32 v5;
	v4 =	vcvt.f32.s32 v4  }
0x282: {  	v7 =	vtrunc.f32 v7;
	v6 =	vtrunc.f32 v6  }
0x283: {  	v7 =	vcvt.f32.s32 v7;
	v6 =	vcvt.f32.s32 v6;
	v8 =	vshll.u32 v4, $0x17  }
0x284: {  	v5 =	vcvt.f32.s32 v5;
	v4 =	vcvt.s32.f32 v4  }
0x285: {  	v10 =	vcvt.s32.f32 v7;
	v9 =	vcvt.s32.f32 v6;
	v6 =	vshll.u32 v6, $0x17  }
0x286: {  	v7 =	vshll.u32 v7, $0x17;
	v2 =	vsub.f32 v2, v4;
	v4 =	vcvt.s32.f32 v5  }
0x287: {  	v0 =	vsub.f32 v0, v10;
	v5 =	vshll.u32 v5, $0x17;
	v3 =	vsub.f32 v3, v9  }
0x288: {  	v1 =	vsub.f32 v1, v4;
	v4 =	vmul.f32 $5.587553610e-02, v2  }
0x289: {  	v10 =	vmul.f32 $5.587553610e-02, v0;
	v9 =	vmul.f32 $5.587553610e-02, v3  }
0x28a: {  	v4 =	vadd.f32 $2.422946240e-01, v4;
	v11 =	vmul.f32 $5.587553610e-02, v1  }
0x28b: {  	v10 =	vadd.f32 $2.422946240e-01, v10;
	v9 =	vadd.f32 $2.422946240e-01, v9  }
0x28c: {  	v11 =	vadd.f32 $2.422946240e-01, v11;
	v4 =	vmul.f32 v4, v2  }
0x28d: {  	v10 =	vmul.f32 v10, v0;
	v9 =	vmul.f32 v9, v3  }
0x28e: {  	v4 =	vadd.f32 $6.931272750e-01, v4;
	v11 =	vmul.f32 v11, v1  }
0x28f: {  	v8 =	vadd.s32 $0x3F800000, v8;
	v10 =	vadd.f32 $6.931272750e-01, v10;
	v9 =	vadd.f32 $6.931272750e-01, v9  }
0x290: {  	v11 =	vadd.f32 $6.931272750e-01, v11;
	v2 =	vmul.f32 v4, v2;
	v4 =	vadd.s32 $0x3F800000, v6  }
0x291: {  	s9 =	sadd.s32 $0xFFFFFFFF, s8;
	v0 =	vmul.f32 v10, v0;
	v6 =	vadd.s32 $0x3F800000, v7;
	v3 =	vmul.f32 v9, v3  }
0x292: {  	v7 =	vmov s9;
	v2 =	vadd.f32 $9.999482630e-01, v2;
	v1 =	vmul.f32 v11, v1  }
0x293: {  	v7 =	vand.u32 $0xFFFFFFFE, v7;
	v0 =	vadd.f32 $9.999482630e-01, v0;
	v3 =	vadd.f32 $9.999482630e-01, v3  }
0x294: {  	v7 =	vbroadcast v7, $0x0;
	v1 =	vadd.f32 $9.999482630e-01, v1;
	v2 =	vmul.f32 v8, v2  }
0x295: {  	v5 =	vadd.s32 $0x3F800000, v5;
	v0 =	vmul.f32 v6, v0;
	v3 =	vmul.f32 v4, v3  }
0x296: {  	v1 =	vmul.f32 v5, v1;
	[tilespmem:s1+$0xFFFFFF80] =	vst v2  }
0x297: {  	[tilespmem:s1+$0xFFFFFFA0] =	vst v3  }
0x298: {  	[tilespmem:s1+$0xFFFFFF90] =	vst v1  }
0x299: {  	[tilespmem:s1+$0xFFFFFFB0] =	vst v0  }
0x29a: {  	v0 =	vld.idx.msk [tilespmem:v7+s19+$0x0], $0xffff;
	_ =	sdelay $0x5  }
0x29b: {  	(erf) = vrcp.f32 v0;
	_ =	sdelay $0x1  }
0x29c: {  	v0 =	vld [tilespmem:s31+$0x30]  }
0x29d: {  	v1 =	vld [tilespmem:s31+$0x10]  }
0x29e: {  	v2 =	vld.idx.msk [tilespmem:v7+s18+$0x0], $0xffff  }
0x29f: {  	v3 =	vld [tilespmem:s31+$0x0]  }
0x2a0: {  	v4 =	vld [tilespmem:s31+$0x20];
	_ =	sdelay $0x2  }
0x2a1: {  	v5 =	vpop (erf)  }
0x2a2: {  	v1 =	vsub.f32 v2, v1;
	v5 =	vmul.f32 $1.442695020e+00, v5;
	v3 =	vsub.f32 v2, v3  }
0x2a3: {  	v0 =	vsub.f32 v2, v0;
	v4 =	vsub.f32 v2, v4  }
0x2a4: {  	v2 =	vmul.f32 v5, v3;
	v1 =	vmul.f32 v1, v5  }
0x2a5: {  	v0 =	vmul.f32 v0, v5;
	v3 =	vmul.f32 v4, v5  }
0x2a6: {  	v2 =	vmin.f32 v2, $0.0e+00;
	v1 =	vmin.f32 v1, $0.0e+00  }
0x2a7: {  	v0 =	vmin.f32 v0, $0.0e+00;
	v3 =	vmin.f32 v3, $0.0e+00;
	v1 =	vmax.f32 v1, $-1.260000000e+02  }
0x2a8: {  	v0 =	vmax.f32 v0, $-1.260000000e+02;
	v3 =	vmax.f32 v3, $-1.260000000e+02;
	v4 =	vadd.f32 $-5.000000000e-01, v1  }
0x2a9: {  	v2 =	vmax.f32 v2, $-1.260000000e+02;
	v6 =	vadd.f32 $-5.000000000e-01, v0;
	v5 =	vadd.f32 $-5.000000000e-01, v3  }
0x2aa: {  	v7 =	vadd.f32 $-5.000000000e-01, v2;
	v4 =	vtrunc.f32 v4  }
0x2ab: {  	v4 =	vcvt.f32.s32 v4;
	v5 =	vtrunc.f32 v5  }
0x2ac: {  	v6 =	vtrunc.f32 v6;
	v5 =	vcvt.f32.s32 v5  }
0x2ad: {  	v7 =	vtrunc.f32 v7;
	v8 =	vcvt.s32.f32 v4;
	v4 =	vshll.u32 v4, $0x17  }
0x2ae: {  	v7 =	vcvt.f32.s32 v7;
	v9 =	vcvt.s32.f32 v5;
	v5 =	vshll.u32 v5, $0x17  }
0x2af: {  	v6 =	vcvt.f32.s32 v6;
	v1 =	vsub.f32 v1, v8  }
0x2b0: {  	v8 =	vcvt.s32.f32 v7;
	v7 =	vshll.u32 v7, $0x17;
	v3 =	vsub.f32 v3, v9  }
0x2b1: {  	v9 =	vcvt.s32.f32 v6;
	v6 =	vshll.u32 v6, $0x17;
	v10 =	vmul.f32 $5.587553610e-02, v1  }
0x2b2: {  	v2 =	vsub.f32 v2, v8;
	v8 =	vmul.f32 $5.587553610e-02, v3  }
0x2b3: {  	v0 =	vsub.f32 v0, v9;
	v9 =	vadd.f32 $2.422946240e-01, v10  }
0x2b4: {  	v10 =	vmul.f32 $5.587553610e-02, v2;
	v8 =	vadd.f32 $2.422946240e-01, v8  }
0x2b5: {  	v11 =	vmul.f32 $5.587553610e-02, v0;
	v9 =	vmul.f32 v9, v1  }
0x2b6: {  	v10 =	vadd.f32 $2.422946240e-01, v10;
	v8 =	vmul.f32 v8, v3  }
0x2b7: {  	v11 =	vadd.f32 $2.422946240e-01, v11;
	v9 =	vadd.f32 $6.931272750e-01, v9  }
0x2b8: {  	v10 =	vmul.f32 v10, v2;
	v8 =	vadd.f32 $6.931272750e-01, v8  }
0x2b9: {  	v11 =	vmul.f32 v11, v0;
	v1 =	vmul.f32 v9, v1  }
0x2ba: {  	v9 =	vadd.f32 $6.931272750e-01, v10;
	v3 =	vmul.f32 v8, v3  }
0x2bb: {  	v8 =	vadd.f32 $6.931272750e-01, v11;
	v1 =	vadd.f32 $9.999482630e-01, v1  }
0x2bc: {  	v4 =	vadd.s32 $0x3F800000, v4;
	v2 =	vmul.f32 v9, v2;
	v3 =	vadd.f32 $9.999482630e-01, v3  }
0x2bd: {  	v5 =	vadd.s32 $0x3F800000, v5;
	v0 =	vmul.f32 v8, v0;
	v1 =	vmul.f32 v4, v1  }
0x2be: {  	v2 =	vadd.f32 $9.999482630e-01, v2;
	v3 =	vmul.f32 v5, v3  }
0x2bf: {  	v4 =	vadd.s32 $0x3F800000, v7;
	v0 =	vadd.f32 $9.999482630e-01, v0;
	[tilespmem:s1+$0x10] =	vst v1;
	v1 =	vmov s8  }
0x2c0: {  	v5 =	vadd.s32 $0x3F800000, v6;
	v2 =	vmul.f32 v4, v2;
	[tilespmem:s1+$0x20] =	vst v3  }
0x2c1: {  	v0 =	vmul.f32 v5, v0  }
0x2c2: {  	[tilespmem:s1+$0x0] =	vst v2  }
0x2c3: {  	[tilespmem:s1+$0x30] =	vst v0  }
0x2c4: {  	v0 =	vld.idx.msk [tilespmem:v1+s19+$0x0], $0xffff  }
0x2c5: {  	v1 =	vld.idx.msk [tilespmem:v1+s18+$0x0], $0xffff  }
0x2c6: {  	v2 =	vld [tilespmem:s31+$0x80]  }
0x2c7: {  	v3 =	vld [tilespmem:s31+$0xB0]  }
0x2c8: {  	v4 =	vld [tilespmem:s31+$0x90]  }
0x2c9: {  	v5 =	vld [tilespmem:s31+$0xA0]  }
0x2ca: {  	(erf) = vrcp.f32 v0;
	_ =	sdelay $0x8  }
0x2cb: {  	v0 =	vsub.f32 v1, v3;
	v3 =	vpop (erf)  }
0x2cc: {  	v2 =	vsub.f32 v1, v2;
	v5 =	vsub.f32 v1, v5;
	v3 =	vmul.f32 $1.442695020e+00, v3  }
0x2cd: {  	v1 =	vsub.f32 v1, v4  }
0x2ce: {  	v2 =	vmul.f32 v3, v2;
	v0 =	vmul.f32 v0, v3  }
0x2cf: {  	v1 =	vmul.f32 v1, v3;
	v3 =	vmul.f32 v5, v3  }
0x2d0: {  	v2 =	vmin.f32 v2, $0.0e+00;
	v0 =	vmin.f32 v0, $0.0e+00  }
0x2d1: {  	v1 =	vmin.f32 v1, $0.0e+00;
	v3 =	vmin.f32 v3, $0.0e+00;
	v4 =	vmax.f32 v2, $-1.260000000e+02  }
0x2d2: {  	v5 =	vmax.f32 v1, $-1.260000000e+02;
	v6 =	vmax.f32 v3, $-1.260000000e+02;
	v1 =	vadd.f32 $-5.000000000e-01, v4  }
0x2d3: {  	v8 =	vmax.f32 v0, $-1.260000000e+02;
	v0 =	vadd.f32 $-5.000000000e-01, v5;
	v2 =	vadd.f32 $-5.000000000e-01, v6  }
0x2d4: {  	v3 =	vadd.f32 $-5.000000000e-01, v8;
	v1 =	vtrunc.f32 v1  }
0x2d5: {  	v0 =	vtrunc.f32 v0;
	v7 =	vcvt.f32.s32 v1  }
0x2d6: {  	v0 =	vcvt.f32.s32 v0;
	v1 =	vtrunc.f32 v2  }
0x2d7: {  	v2 =	vtrunc.f32 v3;
	v9 =	vcvt.f32.s32 v1;
	v1 =	vshll.u32 v7, $0x17  }
.Ltmp6:
0x2d8: {  	v10 =	vcvt.f32.s32 v2;
	v11 =	vcvt.s32.f32 v0;
	v2 =	vshll.u32 v0, $0x17;
	(pc) =	sbr.rel @p0 .LBB2_6-.Ltmp6, $4  }
0x2d9: {  	v7 =	vcvt.s32.f32 v7;
	v12 =	vcvt.s32.f32 v9;
	v3 =	vshll.u32 v9, $0x17  }
0x2da: {  	v9 =	vcvt.s32.f32 v10;
	v0 =	vshll.u32 v10, $0x17;
	v5 =	vsub.f32 v5, v11  }
0x2db: {  	v4 =	vsub.f32 v4, v7;
	v7 =	vsub.f32 v6, v12  }
0x2dc: {  	v6 =	vsub.f32 v8, v9;
	v8 =	vmul.f32 $5.587553610e-02, v5  }
0x2dd: {  	v9 =	vmul.f32 $5.587553610e-02, v7  }
0x2de: {  	v11 =	vmul.f32 $5.587553610e-02, v4;
	v8 =	vadd.f32 $2.422946240e-01, v8  }
0x2df: {  	v10 =	vmul.f32 $5.587553610e-02, v6;
	v9 =	vadd.f32 $2.422946240e-01, v9  }
0x2e0: {  	v11 =	vadd.f32 $2.422946240e-01, v11;
	v8 =	vmul.f32 v8, v5  }
0x2e1: {  	v10 =	vadd.f32 $2.422946240e-01, v10;
	v9 =	vmul.f32 v9, v7  }
0x2e2: {  	v11 =	vmul.f32 v11, v4;
	v8 =	vadd.f32 $6.931272750e-01, v8  }
0x2e3: {  	v10 =	vmul.f32 v10, v6;
	v9 =	vadd.f32 $6.931272750e-01, v9  }
0x2e4: {  	v60 =	vadd.f32 $6.931272750e-01, v11;
	v59 =	vmul.f32 v8, v5  }
0x2e5: {  	v10 =	vadd.f32 $6.931272750e-01, v10;
	v61 =	vmul.f32 v9, v7  }
0x2e6: {  	v63 =	vmul.f32 v60, v4;
	v5 =	vadd.f32 $9.999482630e-01, v59  }
0x2e7: {  	v2 =	vadd.s32 $0x3F800000, v2;
	v62 =	vmul.f32 v10, v6;
	v7 =	vadd.f32 $9.999482630e-01, v61  }
0x2e8: {  	v3 =	vadd.s32 $0x3F800000, v3;
	v4 =	vadd.f32 $9.999482630e-01, v63;
	v2 =	vmul.f32 v2, v5  }
0x2e9: {  	v1 =	vadd.s32 $0x3F800000, v1;
	v6 =	vadd.f32 $9.999482630e-01, v62;
	v3 =	vmul.f32 v3, v7  }
0x2ea: {  	v0 =	vadd.s32 $0x3F800000, v0;
	v1 =	vmul.f32 v1, v4;
	[tilespmem:s0+$0x90] =	vst v2  }
0x2eb: {  	s1 =	smul.u32 $0xC80, s30;
	p0 =	sgt.u32 s30, $0x1B3;
	v0 =	vmul.f32 v0, v6;
	[tilespmem:s0+$0xA0] =	vst v3  }
0x2ec: {  	s8 =	sadd.s32 @!p0 $0x60, s29;
	[tilespmem:s0+$0x80] =	vst v1  }
0x2ed: {  	s9 =	simm.s32 @!p0 $0xCA00;
	s31 =	sadd.s32 s7, s1;
	s1 =	smul.u32 @!p0 $0xC80, s8;
	[tilespmem:s0+$0xB0] =	vst v0  }
0x2ee: {  	[hbm4b:s31+s4] =	stream.linear.scatter [tilespmem:s23], [sflag:$0x4], $0x6400, $0x38;
	[tilespmem:$0x19400] =	vst v63  }
0x2ef: {  	s8 =	smul.u32 @!p0 $0x19, s8;
	s0 =	sadd.s32 @!p0 s6, s1;
	s1 =	simm.s32 @!p0 $0x0  }
0x2f0: {  	[tilespmem:s9], [sflag:$0x2] =	stream.linear.gather @!p0 [hbm4b:s0+s1], $0x6400, $0x38;
	[tilespmem:$0x19400] =	vst v63  }
.Ltmp7:
0x2f1: {  	_ = 	snop;
	(pc) =	sbr.rel .LBB2_8-.Ltmp7, $4  }
0x2f2: {  	s0 =	sadd.s32 @!p0 s2, s8;
	s9 =	simm.s32 @!p0 $0x19200  }
0x2f3: {  	[tilespmem:s9], [sflag:$0x2] =	stream.linear.gather @!p0 [hbm4b:s0+s1], $0xC8, $0x38;
	[tilespmem:$0x19400] =	vst v63  }
0x2f4: {  	s0 =	sadd.s32 @!p0 s3, s8;
	s8 =	simm.s32 @!p0 $0x19300  }
0x2f5: {  	[tilespmem:s8], [sflag:$0x2] =	stream.linear.gather @!p0 [hbm4b:s0+s1], $0xC8, $0x38;
	[tilespmem:$0x19400] =	vst v63  }
.LBB2_10:
0x2f6: {  	_ =	sfence.sel $0x180000  }
0x2f7: {  	[bflag:$0x0] =	sbarrier.arrive $0xFFFF  }
0x2f8: {  	_ =	strace $0x90000047  }
0x2f9: {  	s0 =	stileid.u32;
	[bflag:$0x2] =	sbarrier.arrive $0xFFFF  }
0x2fa: {  	p0 =	sne.s32 s0, $0x0;
	s0 =	rddreg [dreg:$0x3]  }
0x2fb: {  	s0 =	sadd.s32 @!p0 $0x100000, s0  }
0x2fc: {  	[sflag:s0] =	ssyncadd.tile.s32 @!p0 $0x1;
	_ =	shalt  }
.Lfunc_end2:
_tile_overlayer_lowered:
.L_overlay_start_2:
0x2fd: {  	(tag) =	ssettag $0x2  }
0x2fe: {  	s0 =	rddreg [dreg:$0x0];
	s2 =	stileid.u32  }
0x2ff: {  	s1 =	rddreg [dreg:$0x1];
	p0 =	sne.s32 s2, $0x0  }
0x300: {  	s3 =	rddreg [dreg:$0x2];
	[bflag:$0x3] =	sbarrier.arrive $0xFFFF;
	s2 =	simm.s32 @!p0 $0x1C05  }
0x301: {  	[timem:s3], [sflag:s2] =	dma.local @!p0 [hbm:s0], s1  }
0x302: {  	s0 =	simm.s32 @!p0 $0x5  }
0x303: {  	_ =	swait.ge @!p0 [sflag:s0], s1  }
0x304: {  	s1 =	ssub.s32 @!p0 $0x0, s1;
	[sflag:s0] =	ssyncset.done @!p0 $0x0  }
0x305: {  	[sflag:s0] =	ssyncadd.s32 @!p0 s1  }
0x306: {  	[bflag:$0x3] =	sbarrier.arrive $0xFFFF  }
0x307: {  	_ =	shalt  }

</sc_bundles>
